<compile_context>
chip_gen: v7x
topology: tpu7x:2x2x1
jax: 0.10.2.dev20260603
libtpu: 0.0.44.dev20260713+nightly
codegen_flags: <defaults>
</compile_context>

<pallas_src>
import functools

import jax
import jax.numpy as jnp
from jax import lax
from jax.experimental import pallas as pl
from jax.experimental.pallas import tpu as pltpu
from jax.experimental.pallas import tpu_sc as plsc

NC = 2
NS = 16
NW = NC * NS

VOCAB = 100000
D = 64
B = 4096
H = 50
NITEM = 2 * H
NIB = 5
NOB = 2


def _make_gather():
  mesh = plsc.VectorSubcoreMesh(
      core_axis_name="c", subcore_axis_name="s",
      num_cores=NC, num_subcores=NS)

  @functools.partial(
      pl.kernel,
      mesh=mesh,
      out_type=jax.ShapeDtypeStruct((H, D, B), jnp.float32),
      scratch_types=[
          pltpu.VMEM((VOCAB,), jnp.float32),
          pltpu.VMEM((B,), jnp.int32),
          pltpu.VMEM((B,), jnp.int32),
          pltpu.VMEM((B,), jnp.int32),
          pltpu.VMEM((B,), jnp.int32),
          pltpu.VMEM((B,), jnp.int32),
          pltpu.VMEM((B,), jnp.float32),
          pltpu.VMEM((B,), jnp.float32),
          pltpu.SemaphoreType.DMA,
          pltpu.SemaphoreType.DMA,
          pltpu.SemaphoreType.DMA,
          pltpu.SemaphoreType.DMA,
          pltpu.SemaphoreType.DMA,
          pltpu.SemaphoreType.DMA,
          pltpu.SemaphoreType.DMA,
      ],
      compiler_params=pltpu.CompilerParams(
          use_tc_tiling_on_sc=True, needs_layout_passes=False),
  )
  def gather_kernel(table_hbm, idx_hbm, out_hbm, row_v,
                    idxrow0, idxrow1, idxrow2, idxrow3, idxrow4,
                    outrow0, outrow1,
                    isem0, isem1, isem2, isem3, isem4, osem0, osem1):
    wid = lax.axis_index("s") * NC + lax.axis_index("c")
    idxrows = (idxrow0, idxrow1, idxrow2, idxrow3, idxrow4)
    outrows = (outrow0, outrow1)
    isems = (isem0, isem1, isem2, isem3, isem4)
    osems = (osem0, osem1)

    off = (wid * 3) // 2

    def actual_of(j):
      a = j + off
      return a - NITEM * (a >= NITEM).astype(jnp.int32)

    def idx_row_start(j, buf):
      a = actual_of(j)
      h = a - H * (a >= H).astype(jnp.int32)
      pltpu.async_copy(idx_hbm.at[h, :], idxrows[buf], isems[buf])

    idx_row_start(jnp.int32(0), 0)
    idx_row_start(jnp.int32(1), 1)
    idx_row_start(jnp.int32(2), 2)
    idx_row_start(jnp.int32(3), 3)

    @pl.loop(0, NITEM, step=NIB * NOB)
    def block(i0):
      for k in range(NIB * NOB):
        ib = k % NIB
        ob = k % NOB
        i = i0 + k
        a = actual_of(i)
        second = (a >= H).astype(jnp.int32)
        d = wid + NW * second

        @pl.when(jnp.logical_or(i == 0, a - H * second == 0))
        def _():
          pltpu.sync_copy(table_hbm.at[d, :], row_v)

        @pl.when(i + 4 < NITEM)
        def _():
          idx_row_start(i + 4, (k + 4) % NIB)

        pltpu.make_async_copy(
            idx_hbm.at[0, :], idxrows[ib], isems[ib]).wait()

        @pl.when(i >= NOB)
        def _():
          pltpu.make_async_copy(
              outrows[ob], out_hbm.at[0, 0, :], osems[ob]).wait()

        U = 8

        @pl.loop(0, B // (16 * U))
        def gather(gg):
          base = gg * (16 * U)
          ivs = [idxrows[ib][pl.ds(base + u * 16, 16)] for u in range(U)]
          vals = [plsc.load_gather(row_v, [iv]) for iv in ivs]
          for u in range(U):
            outrows[ob][pl.ds(base + u * 16, 16)] = vals[u]

        h = a - H * second
        pltpu.async_copy(outrows[ob], out_hbm.at[h, d, :], osems[ob])

    pltpu.make_async_copy(outrows[0], out_hbm.at[0, 0, :], osems[0]).wait()
    pltpu.make_async_copy(outrows[1], out_hbm.at[0, 0, :], osems[1]).wait()

  return gather_kernel


_gather = _make_gather()


@jax.jit
def kernel(shifts, idx):
  table_t = shifts.T
  idx_t = idx.T
  p = _gather(table_t, idx_t)
  return jnp.transpose(p, (2, 0, 1))

# --- scband reference (transcript-rebuilt; emitter-appended) ---
"""Pipeline reference for scband-shift-model-13769665151020 (READ-ONLY COPY).

The authoritative reference and input builder live on the scoring server;
editing this copy changes nothing except your own understanding.
"""

import jax, jax.numpy as jnp
import numpy as np

VOCAB = 100000
EMBED_DIM = 64
BATCH = 4096
HIST = 50

def setup_inputs(seed: int = 0) -> dict:
    key = jax.random.key(seed)
    k_shifts, k_idx = jax.random.split(key)
    shifts = jax.random.normal(k_shifts, (VOCAB, EMBED_DIM), dtype=jnp.float32)
    idx = jax.random.randint(k_idx, (BATCH, HIST), 0, VOCAB, dtype=jnp.int32)
    return {"shifts": shifts, "idx": idx}

def reference(shifts, idx):
    # Faithful translation of ShiftModel.forward: self.shifts[idx]
    return jnp.take(shifts, idx, axis=0)

if __name__ == "__main__":
    import jax
    _d = setup_inputs()
    print(jax.jit(kernel)(*tuple(_d.values())))

</pallas_src>

<mosaic_0001>
#map = affine_map<(d0, d1) -> (0, 0)>
#map1 = affine_map<(d0, d1) -> (0, 0, 0)>
module attributes {stable_mosaic.version = 14 : i64} {
  func.func @gather_kernel(%arg0: i32, %arg1: i32, %arg2: memref<64x100000xf32, #tpu.memory_space<hbm>>, %arg3: memref<50x4096xi32, #tpu.memory_space<hbm>>, %arg4: memref<50x64x4096xf32, #tpu.memory_space<hbm>>, %arg5: memref<100000xf32, #tpu.memory_space<vmem>>, %arg6: memref<4096xi32, #tpu.memory_space<vmem>>, %arg7: memref<4096xi32, #tpu.memory_space<vmem>>, %arg8: memref<4096xi32, #tpu.memory_space<vmem>>, %arg9: memref<4096xi32, #tpu.memory_space<vmem>>, %arg10: memref<4096xi32, #tpu.memory_space<vmem>>, %arg11: memref<4096xf32, #tpu.memory_space<vmem>>, %arg12: memref<4096xf32, #tpu.memory_space<vmem>>, %arg13: memref<!tpu.dma_semaphore, #tpu.memory_space<semaphore_mem>>, %arg14: memref<!tpu.dma_semaphore, #tpu.memory_space<semaphore_mem>>, %arg15: memref<!tpu.dma_semaphore, #tpu.memory_space<semaphore_mem>>, %arg16: memref<!tpu.dma_semaphore, #tpu.memory_space<semaphore_mem>>, %arg17: memref<!tpu.dma_semaphore, #tpu.memory_space<semaphore_mem>>, %arg18: memref<!tpu.dma_semaphore, #tpu.memory_space<semaphore_mem>>, %arg19: memref<!tpu.dma_semaphore, #tpu.memory_space<semaphore_mem>>) attributes {dimension_semantics = [#tpu.dimension_semantics<core_parallel>, #tpu.dimension_semantics<subcore_parallel>], iteration_bounds = array<i64: 2, 16>, scalar_prefetch = 0 : i64, scratch_operands = 15 : i64, tpu.core_type = #tpu.core_type<sc_vector_subcore>, window_params = [{transform_indices = #map}, {transform_indices = #map}, {transform_indices = #map1}]} {
    %mul3A = arith.constant 2 : i32
    %mul3A_0 = arith.muli %arg1, %mul3A : i32
    %add3A = arith.addi %mul3A_0, %arg0 : i32
    %mul3A_1 = arith.constant 3 : i32
    %mul3A_2 = arith.muli %add3A, %mul3A_1 : i32
    %jit3A = arith.constant 2 : i32
    %div3A = arith.divsi %mul3A_2, %jit3A : i32
    %sign3A = arith.constant 0 : i32
    %sign3A_3 = arith.cmpi sgt, %mul3A_2, %sign3A : i32
    %sign3A_4 = arith.extui %sign3A_3 : i1 to i32
    %sign3A_5 = arith.constant 0 : i32
    %sign3A_6 = arith.cmpi slt, %mul3A_2, %sign3A_5 : i32
    %sign3A_7 = arith.extui %sign3A_6 : i1 to i32
    %sign3A_8 = arith.subi %sign3A_4, %sign3A_7 : i32
    %sign3A_9 = arith.constant 0 : i32
    %sign3A_10 = arith.cmpi sgt, %jit3A, %sign3A_9 : i32
    %sign3A_11 = arith.extui %sign3A_10 : i1 to i32
    %sign3A_12 = arith.constant 0 : i32
    %sign3A_13 = arith.cmpi slt, %jit3A, %sign3A_12 : i32
    %sign3A_14 = arith.extui %sign3A_13 : i1 to i32
    %sign3A_15 = arith.subi %sign3A_11, %sign3A_14 : i32
    %ne3A = arith.cmpi ne, %sign3A_8, %sign3A_15 : i32
    %rem3A = arith.remsi %mul3A_2, %jit3A : i32
    %ne3A_16 = arith.constant 0 : i32
    %ne3A_17 = arith.cmpi ne, %rem3A, %ne3A_16 : i32
    %and3A = arith.andi %ne3A, %ne3A_17 : i1
    %sub3A = arith.constant 1 : i32
    %sub3A_18 = arith.subi %div3A, %sub3A : i32
    %select_n3A = arith.select %and3A, %sub3A_18, %div3A : i32
    %add3A_19 = arith.constant 0 : i32
    %add3A_20 = arith.addi %add3A_19, %select_n3A : i32
    %ge3A = arith.constant 100 : i32
    %ge3A_21 = arith.cmpi sge, %add3A_20, %ge3A : i32
    %convert_element_type3A = arith.extui %ge3A_21 : i1 to i32
    %mul3A_22 = arith.constant 100 : i32
    %mul3A_23 = arith.muli %mul3A_22, %convert_element_type3A : i32
    %sub3A_24 = arith.subi %add3A_20, %mul3A_23 : i32
    %ge3A_25 = arith.constant 50 : i32
    %ge3A_26 = arith.cmpi sge, %sub3A_24, %ge3A_25 : i32
    %convert_element_type3A_27 = arith.extui %ge3A_26 : i1 to i32
    %mul3A_28 = arith.constant 50 : i32
    %mul3A_29 = arith.muli %mul3A_28, %convert_element_type3A_27 : i32
    %sub3A_30 = arith.subi %sub3A_24, %mul3A_29 : i32
    %dma_start3A = arith.constant 0 : i32
    %dma_start3A_31 = tpu.memref_slice %arg3[%sub3A_30, %dma_start3A] : memref<50x4096xi32, #tpu.memory_space<hbm>> -> memref<1x4096xi32, #tpu.memory_space<hbm>>
    %dma_start3A_32 = tpu.memref_squeeze %dma_start3A_31 : memref<1x4096xi32, #tpu.memory_space<hbm>> -> memref<4096xi32, #tpu.memory_space<hbm>>
    %dma_start3A_33 = arith.constant 0 : i32
    %dma_start3A_34 = tpu.memref_slice %arg3[%sub3A_30, %dma_start3A_33] : memref<50x4096xi32, #tpu.memory_space<hbm>> -> memref<1x4096xi32, #tpu.memory_space<hbm>>
    %dma_start3A_35 = tpu.memref_squeeze %dma_start3A_34 : memref<1x4096xi32, #tpu.memory_space<hbm>> -> memref<4096xi32, #tpu.memory_space<hbm>>
    tpu.enqueue_dma source(%dma_start3A_35 : memref<4096xi32, #tpu.memory_space<hbm>>) target(%arg6 : memref<4096xi32, #tpu.memory_space<vmem>>) target_semaphore(%arg13 : memref<!tpu.dma_semaphore, #tpu.memory_space<semaphore_mem>>)
    %add3A_36 = arith.constant 1 : i32
    %add3A_37 = arith.addi %add3A_36, %select_n3A : i32
    %ge3A_38 = arith.constant 100 : i32
    %ge3A_39 = arith.cmpi sge, %add3A_37, %ge3A_38 : i32
    %convert_element_type3A_40 = arith.extui %ge3A_39 : i1 to i32
    %mul3A_41 = arith.constant 100 : i32
    %mul3A_42 = arith.muli %mul3A_41, %convert_element_type3A_40 : i32
    %sub3A_43 = arith.subi %add3A_37, %mul3A_42 : i32
    %ge3A_44 = arith.constant 50 : i32
    %ge3A_45 = arith.cmpi sge, %sub3A_43, %ge3A_44 : i32
    %convert_element_type3A_46 = arith.extui %ge3A_45 : i1 to i32
    %mul3A_47 = arith.constant 50 : i32
    %mul3A_48 = arith.muli %mul3A_47, %convert_element_type3A_46 : i32
    %sub3A_49 = arith.subi %sub3A_43, %mul3A_48 : i32
    %dma_start3A_50 = arith.constant 0 : i32
    %dma_start3A_51 = tpu.memref_slice %arg3[%sub3A_49, %dma_start3A_50] : memref<50x4096xi32, #tpu.memory_space<hbm>> -> memref<1x4096xi32, #tpu.memory_space<hbm>>
    %dma_start3A_52 = tpu.memref_squeeze %dma_start3A_51 : memref<1x4096xi32, #tpu.memory_space<hbm>> -> memref<4096xi32, #tpu.memory_space<hbm>>
    %dma_start3A_53 = arith.constant 0 : i32
    %dma_start3A_54 = tpu.memref_slice %arg3[%sub3A_49, %dma_start3A_53] : memref<50x4096xi32, #tpu.memory_space<hbm>> -> memref<1x4096xi32, #tpu.memory_space<hbm>>
    %dma_start3A_55 = tpu.memref_squeeze %dma_start3A_54 : memref<1x4096xi32, #tpu.memory_space<hbm>> -> memref<4096xi32, #tpu.memory_space<hbm>>
    tpu.enqueue_dma source(%dma_start3A_55 : memref<4096xi32, #tpu.memory_space<hbm>>) target(%arg7 : memref<4096xi32, #tpu.memory_space<vmem>>) target_semaphore(%arg14 : memref<!tpu.dma_semaphore, #tpu.memory_space<semaphore_mem>>)
    %add3A_56 = arith.constant 2 : i32
    %add3A_57 = arith.addi %add3A_56, %select_n3A : i32
    %ge3A_58 = arith.constant 100 : i32
    %ge3A_59 = arith.cmpi sge, %add3A_57, %ge3A_58 : i32
    %convert_element_type3A_60 = arith.extui %ge3A_59 : i1 to i32
    %mul3A_61 = arith.constant 100 : i32
    %mul3A_62 = arith.muli %mul3A_61, %convert_element_type3A_60 : i32
    %sub3A_63 = arith.subi %add3A_57, %mul3A_62 : i32
    %ge3A_64 = arith.constant 50 : i32
    %ge3A_65 = arith.cmpi sge, %sub3A_63, %ge3A_64 : i32
    %convert_element_type3A_66 = arith.extui %ge3A_65 : i1 to i32
    %mul3A_67 = arith.constant 50 : i32
    %mul3A_68 = arith.muli %mul3A_67, %convert_element_type3A_66 : i32
    %sub3A_69 = arith.subi %sub3A_63, %mul3A_68 : i32
    %dma_start3A_70 = arith.constant 0 : i32
    %dma_start3A_71 = tpu.memref_slice %arg3[%sub3A_69, %dma_start3A_70] : memref<50x4096xi32, #tpu.memory_space<hbm>> -> memref<1x4096xi32, #tpu.memory_space<hbm>>
    %dma_start3A_72 = tpu.memref_squeeze %dma_start3A_71 : memref<1x4096xi32, #tpu.memory_space<hbm>> -> memref<4096xi32, #tpu.memory_space<hbm>>
    %dma_start3A_73 = arith.constant 0 : i32
    %dma_start3A_74 = tpu.memref_slice %arg3[%sub3A_69, %dma_start3A_73] : memref<50x4096xi32, #tpu.memory_space<hbm>> -> memref<1x4096xi32, #tpu.memory_space<hbm>>
    %dma_start3A_75 = tpu.memref_squeeze %dma_start3A_74 : memref<1x4096xi32, #tpu.memory_space<hbm>> -> memref<4096xi32, #tpu.memory_space<hbm>>
    tpu.enqueue_dma source(%dma_start3A_75 : memref<4096xi32, #tpu.memory_space<hbm>>) target(%arg8 : memref<4096xi32, #tpu.memory_space<vmem>>) target_semaphore(%arg15 : memref<!tpu.dma_semaphore, #tpu.memory_space<semaphore_mem>>)
    %add3A_76 = arith.constant 3 : i32
    %add3A_77 = arith.addi %add3A_76, %select_n3A : i32
    %ge3A_78 = arith.constant 100 : i32
    %ge3A_79 = arith.cmpi sge, %add3A_77, %ge3A_78 : i32
    %convert_element_type3A_80 = arith.extui %ge3A_79 : i1 to i32
    %mul3A_81 = arith.constant 100 : i32
    %mul3A_82 = arith.muli %mul3A_81, %convert_element_type3A_80 : i32
    %sub3A_83 = arith.subi %add3A_77, %mul3A_82 : i32
    %ge3A_84 = arith.constant 50 : i32
    %ge3A_85 = arith.cmpi sge, %sub3A_83, %ge3A_84 : i32
    %convert_element_type3A_86 = arith.extui %ge3A_85 : i1 to i32
    %mul3A_87 = arith.constant 50 : i32
    %mul3A_88 = arith.muli %mul3A_87, %convert_element_type3A_86 : i32
    %sub3A_89 = arith.subi %sub3A_83, %mul3A_88 : i32
    %dma_start3A_90 = arith.constant 0 : i32
    %dma_start3A_91 = tpu.memref_slice %arg3[%sub3A_89, %dma_start3A_90] : memref<50x4096xi32, #tpu.memory_space<hbm>> -> memref<1x4096xi32, #tpu.memory_space<hbm>>
    %dma_start3A_92 = tpu.memref_squeeze %dma_start3A_91 : memref<1x4096xi32, #tpu.memory_space<hbm>> -> memref<4096xi32, #tpu.memory_space<hbm>>
    %dma_start3A_93 = arith.constant 0 : i32
    %dma_start3A_94 = tpu.memref_slice %arg3[%sub3A_89, %dma_start3A_93] : memref<50x4096xi32, #tpu.memory_space<hbm>> -> memref<1x4096xi32, #tpu.memory_space<hbm>>
    %dma_start3A_95 = tpu.memref_squeeze %dma_start3A_94 : memref<1x4096xi32, #tpu.memory_space<hbm>> -> memref<4096xi32, #tpu.memory_space<hbm>>
    tpu.enqueue_dma source(%dma_start3A_95 : memref<4096xi32, #tpu.memory_space<hbm>>) target(%arg9 : memref<4096xi32, #tpu.memory_space<vmem>>) target_semaphore(%arg16 : memref<!tpu.dma_semaphore, #tpu.memory_space<semaphore_mem>>)
    %scan3A = arith.constant 0 : i32
    %scan3A_96 = arith.constant 10 : i32
    %scan3A_97 = arith.addi %scan3A, %scan3A_96 : i32
    %scan3A_98 = arith.constant 1 : i32
    scf.for %scan3A_115 = %scan3A to %scan3A_97 step %scan3A_98  : i32 {
      %mul3A_116 = arith.constant 10 : i32
      %mul3A_117 = arith.muli %scan3A_115, %mul3A_116 : i32
      %add3A_118 = arith.constant 0 : i32
      %add3A_119 = arith.addi %add3A_118, %mul3A_117 : i32
      %add3A_120 = arith.constant 0 : i32
      %add3A_121 = arith.addi %add3A_119, %add3A_120 : i32
      %add3A_122 = arith.addi %add3A_121, %select_n3A : i32
      %ge3A_123 = arith.constant 100 : i32
      %ge3A_124 = arith.cmpi sge, %add3A_122, %ge3A_123 : i32
      %convert_element_type3A_125 = arith.extui %ge3A_124 : i1 to i32
      %mul3A_126 = arith.constant 100 : i32
      %mul3A_127 = arith.muli %mul3A_126, %convert_element_type3A_125 : i32
      %sub3A_128 = arith.subi %add3A_122, %mul3A_127 : i32
      %ge3A_129 = arith.constant 50 : i32
      %ge3A_130 = arith.cmpi sge, %sub3A_128, %ge3A_129 : i32
      %convert_element_type3A_131 = arith.extui %ge3A_130 : i1 to i32
      %mul3A_132 = arith.constant 32 : i32
      %mul3A_133 = arith.muli %mul3A_132, %convert_element_type3A_131 : i32
      %add3A_134 = arith.addi %add3A, %mul3A_133 : i32
      %eq3A = arith.constant 0 : i32
      %eq3A_135 = arith.cmpi eq, %add3A_121, %eq3A : i32
      %mul3A_136 = arith.constant 50 : i32
      %mul3A_137 = arith.muli %mul3A_136, %convert_element_type3A_131 : i32
      %sub3A_138 = arith.subi %sub3A_128, %mul3A_137 : i32
      %eq3A_139 = arith.constant 0 : i32
      %eq3A_140 = arith.cmpi eq, %sub3A_138, %eq3A_139 : i32
      %or3A = arith.ori %eq3A_135, %eq3A_140 : i1
      %convert_element_type3A_141 = arith.extui %or3A : i1 to i32
      %cond3A = arith.constant 0 : i32
      %cond3A_142 = arith.cmpi ne, %convert_element_type3A_141, %cond3A : i32
      scf.if %cond3A_142 {
        "tpu.region"() ({
          %run_scoped3A = tpu.sem_alloc : memref<!tpu.dma_semaphore, #tpu.memory_space<semaphore_mem>>
          %dma_start3A_706 = arith.constant 0 : i32
          %dma_start3A_707 = tpu.memref_slice %arg2[%add3A_134, %dma_start3A_706] : memref<64x100000xf32, #tpu.memory_space<hbm>> -> memref<1x100000xf32, #tpu.memory_space<hbm>>
          %dma_start3A_708 = tpu.memref_squeeze %dma_start3A_707 : memref<1x100000xf32, #tpu.memory_space<hbm>> -> memref<100000xf32, #tpu.memory_space<hbm>>
          %dma_start3A_709 = arith.constant 0 : i32
          %dma_start3A_710 = tpu.memref_slice %arg2[%add3A_134, %dma_start3A_709] : memref<64x100000xf32, #tpu.memory_space<hbm>> -> memref<1x100000xf32, #tpu.memory_space<hbm>>
          %dma_start3A_711 = tpu.memref_squeeze %dma_start3A_710 : memref<1x100000xf32, #tpu.memory_space<hbm>> -> memref<100000xf32, #tpu.memory_space<hbm>>
          tpu.enqueue_dma source(%dma_start3A_711 : memref<100000xf32, #tpu.memory_space<hbm>>) target(%arg5 : memref<100000xf32, #tpu.memory_space<vmem>>) target_semaphore(%run_scoped3A : memref<!tpu.dma_semaphore, #tpu.memory_space<semaphore_mem>>)
          %dma_wait3A_712 = arith.constant 0 : i32
          %dma_wait3A_713 = tpu.memref_slice %arg2[%add3A_134, %dma_wait3A_712] : memref<64x100000xf32, #tpu.memory_space<hbm>> -> memref<1x100000xf32, #tpu.memory_space<hbm>>
          %dma_wait3A_714 = tpu.memref_squeeze %dma_wait3A_713 : memref<1x100000xf32, #tpu.memory_space<hbm>> -> memref<100000xf32, #tpu.memory_space<hbm>>
          %dma_wait3A_715 = arith.constant 0 : i32
          %dma_wait3A_716 = tpu.memref_slice %arg2[%add3A_134, %dma_wait3A_715] : memref<64x100000xf32, #tpu.memory_space<hbm>> -> memref<1x100000xf32, #tpu.memory_space<hbm>>
          %dma_wait3A_717 = tpu.memref_squeeze %dma_wait3A_716 : memref<1x100000xf32, #tpu.memory_space<hbm>> -> memref<100000xf32, #tpu.memory_space<hbm>>
          tpu.wait_dma2 semaphore(%run_scoped3A : memref<!tpu.dma_semaphore, #tpu.memory_space<semaphore_mem>>) src(%dma_wait3A_717 : memref<100000xf32, #tpu.memory_space<hbm>>) dst(%arg5 : memref<100000xf32, #tpu.memory_space<vmem>>)
          tpu.yield
        }) : () -> ()
      } else {
      }
      %add3A_143 = arith.constant 4 : i32
      %add3A_144 = arith.addi %add3A_121, %add3A_143 : i32
      %lt3A = arith.constant 100 : i32
      %lt3A_145 = arith.cmpi slt, %add3A_144, %lt3A : i32
      %convert_element_type3A_146 = arith.extui %lt3A_145 : i1 to i32
      %cond3A_147 = arith.constant 0 : i32
      %cond3A_148 = arith.cmpi ne, %convert_element_type3A_146, %cond3A_147 : i32
      scf.if %cond3A_148 {
        %add3A_706 = arith.constant 4 : i32
        %add3A_707 = arith.addi %add3A_121, %add3A_706 : i32
        %add3A_708 = arith.addi %add3A_707, %select_n3A : i32
        %ge3A_709 = arith.constant 100 : i32
        %ge3A_710 = arith.cmpi sge, %add3A_708, %ge3A_709 : i32
        %convert_element_type3A_711 = arith.extui %ge3A_710 : i1 to i32
        %mul3A_712 = arith.constant 100 : i32
        %mul3A_713 = arith.muli %mul3A_712, %convert_element_type3A_711 : i32
        %sub3A_714 = arith.subi %add3A_708, %mul3A_713 : i32
        %ge3A_715 = arith.constant 50 : i32
        %ge3A_716 = arith.cmpi sge, %sub3A_714, %ge3A_715 : i32
        %convert_element_type3A_717 = arith.extui %ge3A_716 : i1 to i32
        %mul3A_718 = arith.constant 50 : i32
        %mul3A_719 = arith.muli %mul3A_718, %convert_element_type3A_717 : i32
        %sub3A_720 = arith.subi %sub3A_714, %mul3A_719 : i32
        %dma_start3A_721 = arith.constant 0 : i32
        %dma_start3A_722 = tpu.memref_slice %arg3[%sub3A_720, %dma_start3A_721] : memref<50x4096xi32, #tpu.memory_space<hbm>> -> memref<1x4096xi32, #tpu.memory_space<hbm>>
        %dma_start3A_723 = tpu.memref_squeeze %dma_start3A_722 : memref<1x4096xi32, #tpu.memory_space<hbm>> -> memref<4096xi32, #tpu.memory_space<hbm>>
        %dma_start3A_724 = arith.constant 0 : i32
        %dma_start3A_725 = tpu.memref_slice %arg3[%sub3A_720, %dma_start3A_724] : memref<50x4096xi32, #tpu.memory_space<hbm>> -> memref<1x4096xi32, #tpu.memory_space<hbm>>
        %dma_start3A_726 = tpu.memref_squeeze %dma_start3A_725 : memref<1x4096xi32, #tpu.memory_space<hbm>> -> memref<4096xi32, #tpu.memory_space<hbm>>
        tpu.enqueue_dma source(%dma_start3A_726 : memref<4096xi32, #tpu.memory_space<hbm>>) target(%arg10 : memref<4096xi32, #tpu.memory_space<vmem>>) target_semaphore(%arg17 : memref<!tpu.dma_semaphore, #tpu.memory_space<semaphore_mem>>)
      } else {
      }
      %dma_wait3A_149 = arith.constant 0 : i32
      %dma_wait3A_150 = arith.constant 0 : i32
      %dma_wait3A_151 = tpu.memref_slice %arg3[%dma_wait3A_149, %dma_wait3A_150] : memref<50x4096xi32, #tpu.memory_space<hbm>> -> memref<1x4096xi32, #tpu.memory_space<hbm>>
      %dma_wait3A_152 = tpu.memref_squeeze %dma_wait3A_151 : memref<1x4096xi32, #tpu.memory_space<hbm>> -> memref<4096xi32, #tpu.memory_space<hbm>>
      %dma_wait3A_153 = arith.constant 0 : i32
      %dma_wait3A_154 = tpu.memref_slice %arg3[%dma_wait3A_149, %dma_wait3A_153] : memref<50x4096xi32, #tpu.memory_space<hbm>> -> memref<1x4096xi32, #tpu.memory_space<hbm>>
      %dma_wait3A_155 = tpu.memref_squeeze %dma_wait3A_154 : memref<1x4096xi32, #tpu.memory_space<hbm>> -> memref<4096xi32, #tpu.memory_space<hbm>>
      tpu.wait_dma2 semaphore(%arg13 : memref<!tpu.dma_semaphore, #tpu.memory_space<semaphore_mem>>) src(%dma_wait3A_155 : memref<4096xi32, #tpu.memory_space<hbm>>) dst(%arg6 : memref<4096xi32, #tpu.memory_space<vmem>>)
      %ge3A_156 = arith.constant 2 : i32
      %ge3A_157 = arith.cmpi sge, %add3A_121, %ge3A_156 : i32
      %convert_element_type3A_158 = arith.extui %ge3A_157 : i1 to i32
      %cond3A_159 = arith.constant 0 : i32
      %cond3A_160 = arith.cmpi ne, %convert_element_type3A_158, %cond3A_159 : i32
      scf.if %cond3A_160 {
        %dma_wait3A_706 = arith.constant 0 : i32
        %dma_wait3A_707 = arith.constant 0 : i32
        %dma_wait3A_708 = arith.constant 0 : i32
        %dma_wait3A_709 = tpu.memref_slice %arg4[%dma_wait3A_706, %dma_wait3A_707, %dma_wait3A_708] : memref<50x64x4096xf32, #tpu.memory_space<hbm>> -> memref<1x1x4096xf32, #tpu.memory_space<hbm>>
        %dma_wait3A_710 = tpu.memref_squeeze %dma_wait3A_709 : memref<1x1x4096xf32, #tpu.memory_space<hbm>> -> memref<4096xf32, #tpu.memory_space<hbm>>
        %dma_wait3A_711 = arith.constant 0 : i32
        %dma_wait3A_712 = tpu.memref_slice %arg4[%dma_wait3A_706, %dma_wait3A_707, %dma_wait3A_711] : memref<50x64x4096xf32, #tpu.memory_space<hbm>> -> memref<1x1x4096xf32, #tpu.memory_space<hbm>>
        %dma_wait3A_713 = tpu.memref_squeeze %dma_wait3A_712 : memref<1x1x4096xf32, #tpu.memory_space<hbm>> -> memref<4096xf32, #tpu.memory_space<hbm>>
        tpu.wait_dma2 semaphore(%arg18 : memref<!tpu.dma_semaphore, #tpu.memory_space<semaphore_mem>>) src(%arg11 : memref<4096xf32, #tpu.memory_space<vmem>>) dst(%dma_wait3A_713 : memref<4096xf32, #tpu.memory_space<hbm>>)
      } else {
      }
      %scan3A_161 = arith.constant 0 : i32
      %scan3A_162 = arith.constant 32 : i32
      %scan3A_163 = arith.addi %scan3A_161, %scan3A_162 : i32
      %scan3A_164 = arith.constant 1 : i32
      scf.for %scan3A_706 = %scan3A_161 to %scan3A_163 step %scan3A_164  : i32 {
        %mul3A_707 = arith.constant 1 : i32
        %mul3A_708 = arith.muli %scan3A_706, %mul3A_707 : i32
        %add3A_709 = arith.constant 0 : i32
        %add3A_710 = arith.addi %add3A_709, %mul3A_708 : i32
        %mul3A_711 = arith.constant 128 : i32
        %mul3A_712 = arith.muli %add3A_710, %mul3A_711 : i32
        %add3A_713 = arith.constant 0 : i32
        %add3A_714 = arith.addi %mul3A_712, %add3A_713 : i32
        %get3A = arith.index_cast %add3A_714 : i32 to index
        %get3A_715 = tpu.vector_load %arg6[%get3A] {strides = array<i32>} : memref<4096xi32, #tpu.memory_space<vmem>>, vector<16xi32>,
        %add3A_716 = arith.constant 16 : i32
        %add3A_717 = arith.addi %mul3A_712, %add3A_716 : i32
        %get3A_718 = arith.index_cast %add3A_717 : i32 to index
        %get3A_719 = tpu.vector_load %arg6[%get3A_718] {strides = array<i32>} : memref<4096xi32, #tpu.memory_space<vmem>>, vector<16xi32>,
        %add3A_720 = arith.constant 32 : i32
        %add3A_721 = arith.addi %mul3A_712, %add3A_720 : i32
        %get3A_722 = arith.index_cast %add3A_721 : i32 to index
        %get3A_723 = tpu.vector_load %arg6[%get3A_722] {strides = array<i32>} : memref<4096xi32, #tpu.memory_space<vmem>>, vector<16xi32>,
        %add3A_724 = arith.constant 48 : i32
        %add3A_725 = arith.addi %mul3A_712, %add3A_724 : i32
        %get3A_726 = arith.index_cast %add3A_725 : i32 to index
        %get3A_727 = tpu.vector_load %arg6[%get3A_726] {strides = array<i32>} : memref<4096xi32, #tpu.memory_space<vmem>>, vector<16xi32>,
        %add3A_728 = arith.constant 64 : i32
        %add3A_729 = arith.addi %mul3A_712, %add3A_728 : i32
        %get3A_730 = arith.index_cast %add3A_729 : i32 to index
        %get3A_731 = tpu.vector_load %arg6[%get3A_730] {strides = array<i32>} : memref<4096xi32, #tpu.memory_space<vmem>>, vector<16xi32>,
        %add3A_732 = arith.constant 80 : i32
        %add3A_733 = arith.addi %mul3A_712, %add3A_732 : i32
        %get3A_734 = arith.index_cast %add3A_733 : i32 to index
        %get3A_735 = tpu.vector_load %arg6[%get3A_734] {strides = array<i32>} : memref<4096xi32, #tpu.memory_space<vmem>>, vector<16xi32>,
        %add3A_736 = arith.constant 96 : i32
        %add3A_737 = arith.addi %mul3A_712, %add3A_736 : i32
        %get3A_738 = arith.index_cast %add3A_737 : i32 to index
        %get3A_739 = tpu.vector_load %arg6[%get3A_738] {strides = array<i32>} : memref<4096xi32, #tpu.memory_space<vmem>>, vector<16xi32>,
        %add3A_740 = arith.constant 112 : i32
        %add3A_741 = arith.addi %mul3A_712, %add3A_740 : i32
        %get3A_742 = arith.index_cast %add3A_741 : i32 to index
        %get3A_743 = tpu.vector_load %arg6[%get3A_742] {strides = array<i32>} : memref<4096xi32, #tpu.memory_space<vmem>>, vector<16xi32>,
        %gather3A = tpu.vector_load_idx %arg5[%get3A_715] : memref<100000xf32, #tpu.memory_space<vmem>>[vector<16xi32>], vector<16xf32>,
        %gather3A_744 = tpu.vector_load_idx %arg5[%get3A_719] : memref<100000xf32, #tpu.memory_space<vmem>>[vector<16xi32>], vector<16xf32>,
        %gather3A_745 = tpu.vector_load_idx %arg5[%get3A_723] : memref<100000xf32, #tpu.memory_space<vmem>>[vector<16xi32>], vector<16xf32>,
        %gather3A_746 = tpu.vector_load_idx %arg5[%get3A_727] : memref<100000xf32, #tpu.memory_space<vmem>>[vector<16xi32>], vector<16xf32>,
        %gather3A_747 = tpu.vector_load_idx %arg5[%get3A_731] : memref<100000xf32, #tpu.memory_space<vmem>>[vector<16xi32>], vector<16xf32>,
        %gather3A_748 = tpu.vector_load_idx %arg5[%get3A_735] : memref<100000xf32, #tpu.memory_space<vmem>>[vector<16xi32>], vector<16xf32>,
        %gather3A_749 = tpu.vector_load_idx %arg5[%get3A_739] : memref<100000xf32, #tpu.memory_space<vmem>>[vector<16xi32>], vector<16xf32>,
        %gather3A_750 = tpu.vector_load_idx %arg5[%get3A_743] : memref<100000xf32, #tpu.memory_space<vmem>>[vector<16xi32>], vector<16xf32>,
        %add3A_751 = arith.constant 0 : i32
        %add3A_752 = arith.addi %mul3A_712, %add3A_751 : i32
        %swap3A = arith.index_cast %add3A_752 : i32 to index
        %swap3A_753 = tpu.vector_load %arg11[%swap3A] {strides = array<i32>} : memref<4096xf32, #tpu.memory_space<vmem>>, vector<16xf32>,
        tpu.vector_store %arg11[%swap3A], %gather3A {strides = array<i32>} : memref<4096xf32, #tpu.memory_space<vmem>>, vector<16xf32>,
        %add3A_754 = arith.constant 16 : i32
        %add3A_755 = arith.addi %mul3A_712, %add3A_754 : i32
        %swap3A_756 = arith.index_cast %add3A_755 : i32 to index
        %swap3A_757 = tpu.vector_load %arg11[%swap3A_756] {strides = array<i32>} : memref<4096xf32, #tpu.memory_space<vmem>>, vector<16xf32>,
        tpu.vector_store %arg11[%swap3A_756], %gather3A_744 {strides = array<i32>} : memref<4096xf32, #tpu.memory_space<vmem>>, vector<16xf32>,
        %add3A_758 = arith.constant 32 : i32
        %add3A_759 = arith.addi %mul3A_712, %add3A_758 : i32
        %swap3A_760 = arith.index_cast %add3A_759 : i32 to index
        %swap3A_761 = tpu.vector_load %arg11[%swap3A_760] {strides = array<i32>} : memref<4096xf32, #tpu.memory_space<vmem>>, vector<16xf32>,
        tpu.vector_store %arg11[%swap3A_760], %gather3A_745 {strides = array<i32>} : memref<4096xf32, #tpu.memory_space<vmem>>, vector<16xf32>,
        %add3A_762 = arith.constant 48 : i32
        %add3A_763 = arith.addi %mul3A_712, %add3A_762 : i32
        %swap3A_764 = arith.index_cast %add3A_763 : i32 to index
        %swap3A_765 = tpu.vector_load %arg11[%swap3A_764] {strides = array<i32>} : memref<4096xf32, #tpu.memory_space<vmem>>, vector<16xf32>,
        tpu.vector_store %arg11[%swap3A_764], %gather3A_746 {strides = array<i32>} : memref<4096xf32, #tpu.memory_space<vmem>>, vector<16xf32>,
        %add3A_766 = arith.constant 64 : i32
        %add3A_767 = arith.addi %mul3A_712, %add3A_766 : i32
        %swap3A_768 = arith.index_cast %add3A_767 : i32 to index
        %swap3A_769 = tpu.vector_load %arg11[%swap3A_768] {strides = array<i32>} : memref<4096xf32, #tpu.memory_space<vmem>>, vector<16xf32>,
        tpu.vector_store %arg11[%swap3A_768], %gather3A_747 {strides = array<i32>} : memref<4096xf32, #tpu.memory_space<vmem>>, vector<16xf32>,
        %add3A_770 = arith.constant 80 : i32
        %add3A_771 = arith.addi %mul3A_712, %add3A_770 : i32
        %swap3A_772 = arith.index_cast %add3A_771 : i32 to index
        %swap3A_773 = tpu.vector_load %arg11[%swap3A_772] {strides = array<i32>} : memref<4096xf32, #tpu.memory_space<vmem>>, vector<16xf32>,
        tpu.vector_store %arg11[%swap3A_772], %gather3A_748 {strides = array<i32>} : memref<4096xf32, #tpu.memory_space<vmem>>, vector<16xf32>,
        %add3A_774 = arith.constant 96 : i32
        %add3A_775 = arith.addi %mul3A_712, %add3A_774 : i32
        %swap3A_776 = arith.index_cast %add3A_775 : i32 to index
        %swap3A_777 = tpu.vector_load %arg11[%swap3A_776] {strides = array<i32>} : memref<4096xf32, #tpu.memory_space<vmem>>, vector<16xf32>,
        tpu.vector_store %arg11[%swap3A_776], %gather3A_749 {strides = array<i32>} : memref<4096xf32, #tpu.memory_space<vmem>>, vector<16xf32>,
        %add3A_778 = arith.constant 112 : i32
        %add3A_779 = arith.addi %mul3A_712, %add3A_778 : i32
        %swap3A_780 = arith.index_cast %add3A_779 : i32 to index
        %swap3A_781 = tpu.vector_load %arg11[%swap3A_780] {strides = array<i32>} : memref<4096xf32, #tpu.memory_space<vmem>>, vector<16xf32>,
        tpu.vector_store %arg11[%swap3A_780], %gather3A_750 {strides = array<i32>} : memref<4096xf32, #tpu.memory_space<vmem>>, vector<16xf32>,
      }
      %scan3A_165 = arith.constant 32 : i32
      %mul3A_166 = arith.constant 50 : i32
      %mul3A_167 = arith.muli %mul3A_166, %convert_element_type3A_131 : i32
      %sub3A_168 = arith.subi %sub3A_128, %mul3A_167 : i32
      %dma_start3A_169 = arith.constant 0 : i32
      %dma_start3A_170 = tpu.memref_slice %arg4[%sub3A_168, %add3A_134, %dma_start3A_169] : memref<50x64x4096xf32, #tpu.memory_space<hbm>> -> memref<1x1x4096xf32, #tpu.memory_space<hbm>>
      %dma_start3A_171 = tpu.memref_squeeze %dma_start3A_170 : memref<1x1x4096xf32, #tpu.memory_space<hbm>> -> memref<4096xf32, #tpu.memory_space<hbm>>
      %dma_start3A_172 = arith.constant 0 : i32
      %dma_start3A_173 = tpu.memref_slice %arg4[%sub3A_168, %add3A_134, %dma_start3A_172] : memref<50x64x4096xf32, #tpu.memory_space<hbm>> -> memref<1x1x4096xf32, #tpu.memory_space<hbm>>
      %dma_start3A_174 = tpu.memref_squeeze %dma_start3A_173 : memref<1x1x4096xf32, #tpu.memory_space<hbm>> -> memref<4096xf32, #tpu.memory_space<hbm>>
      tpu.enqueue_dma source(%arg11 : memref<4096xf32, #tpu.memory_space<vmem>>) target(%dma_start3A_174 : memref<4096xf32, #tpu.memory_space<hbm>>) target_semaphore(%arg18 : memref<!tpu.dma_semaphore, #tpu.memory_space<semaphore_mem>>)
      %add3A_175 = arith.constant 1 : i32
      %add3A_176 = arith.addi %add3A_119, %add3A_175 : i32
      %add3A_177 = arith.addi %add3A_176, %select_n3A : i32
      %ge3A_178 = arith.constant 100 : i32
      %ge3A_179 = arith.cmpi sge, %add3A_177, %ge3A_178 : i32
      %convert_element_type3A_180 = arith.extui %ge3A_179 : i1 to i32
      %mul3A_181 = arith.constant 100 : i32
      %mul3A_182 = arith.muli %mul3A_181, %convert_element_type3A_180 : i32
      %sub3A_183 = arith.subi %add3A_177, %mul3A_182 : i32
      %ge3A_184 = arith.constant 50 : i32
      %ge3A_185 = arith.cmpi sge, %sub3A_183, %ge3A_184 : i32
      %convert_element_type3A_186 = arith.extui %ge3A_185 : i1 to i32
      %mul3A_187 = arith.constant 32 : i32
      %mul3A_188 = arith.muli %mul3A_187, %convert_element_type3A_186 : i32
      %add3A_189 = arith.addi %add3A, %mul3A_188 : i32
      %eq3A_190 = arith.constant 0 : i32
      %eq3A_191 = arith.cmpi eq, %add3A_176, %eq3A_190 : i32
      %mul3A_192 = arith.constant 50 : i32
      %mul3A_193 = arith.muli %mul3A_192, %convert_element_type3A_186 : i32
      %sub3A_194 = arith.subi %sub3A_183, %mul3A_193 : i32
      %eq3A_195 = arith.constant 0 : i32
      %eq3A_196 = arith.cmpi eq, %sub3A_194, %eq3A_195 : i32
      %or3A_197 = arith.ori %eq3A_191, %eq3A_196 : i1
      %convert_element_type3A_198 = arith.extui %or3A_197 : i1 to i32
      %cond3A_199 = arith.constant 0 : i32
      %cond3A_200 = arith.cmpi ne, %convert_element_type3A_198, %cond3A_199 : i32
      scf.if %cond3A_200 {
        "tpu.region"() ({
          %run_scoped3A = tpu.sem_alloc : memref<!tpu.dma_semaphore, #tpu.memory_space<semaphore_mem>>
          %dma_start3A_706 = arith.constant 0 : i32
          %dma_start3A_707 = tpu.memref_slice %arg2[%add3A_189, %dma_start3A_706] : memref<64x100000xf32, #tpu.memory_space<hbm>> -> memref<1x100000xf32, #tpu.memory_space<hbm>>
          %dma_start3A_708 = tpu.memref_squeeze %dma_start3A_707 : memref<1x100000xf32, #tpu.memory_space<hbm>> -> memref<100000xf32, #tpu.memory_space<hbm>>
          %dma_start3A_709 = arith.constant 0 : i32
          %dma_start3A_710 = tpu.memref_slice %arg2[%add3A_189, %dma_start3A_709] : memref<64x100000xf32, #tpu.memory_space<hbm>> -> memref<1x100000xf32, #tpu.memory_space<hbm>>
          %dma_start3A_711 = tpu.memref_squeeze %dma_start3A_710 : memref<1x100000xf32, #tpu.memory_space<hbm>> -> memref<100000xf32, #tpu.memory_space<hbm>>
          tpu.enqueue_dma source(%dma_start3A_711 : memref<100000xf32, #tpu.memory_space<hbm>>) target(%arg5 : memref<100000xf32, #tpu.memory_space<vmem>>) target_semaphore(%run_scoped3A : memref<!tpu.dma_semaphore, #tpu.memory_space<semaphore_mem>>)
          %dma_wait3A_712 = arith.constant 0 : i32
          %dma_wait3A_713 = tpu.memref_slice %arg2[%add3A_189, %dma_wait3A_712] : memref<64x100000xf32, #tpu.memory_space<hbm>> -> memref<1x100000xf32, #tpu.memory_space<hbm>>
          %dma_wait3A_714 = tpu.memref_squeeze %dma_wait3A_713 : memref<1x100000xf32, #tpu.memory_space<hbm>> -> memref<100000xf32, #tpu.memory_space<hbm>>
          %dma_wait3A_715 = arith.constant 0 : i32
          %dma_wait3A_716 = tpu.memref_slice %arg2[%add3A_189, %dma_wait3A_715] : memref<64x100000xf32, #tpu.memory_space<hbm>> -> memref<1x100000xf32, #tpu.memory_space<hbm>>
          %dma_wait3A_717 = tpu.memref_squeeze %dma_wait3A_716 : memref<1x100000xf32, #tpu.memory_space<hbm>> -> memref<100000xf32, #tpu.memory_space<hbm>>
          tpu.wait_dma2 semaphore(%run_scoped3A : memref<!tpu.dma_semaphore, #tpu.memory_space<semaphore_mem>>) src(%dma_wait3A_717 : memref<100000xf32, #tpu.memory_space<hbm>>) dst(%arg5 : memref<100000xf32, #tpu.memory_space<vmem>>)
          tpu.yield
        }) : () -> ()
      } else {
      }
      %add3A_201 = arith.constant 4 : i32
      %add3A_202 = arith.addi %add3A_176, %add3A_201 : i32
      %lt3A_203 = arith.constant 100 : i32
      %lt3A_204 = arith.cmpi slt, %add3A_202, %lt3A_203 : i32
      %convert_element_type3A_205 = arith.extui %lt3A_204 : i1 to i32
      %cond3A_206 = arith.constant 0 : i32
      %cond3A_207 = arith.cmpi ne, %convert_element_type3A_205, %cond3A_206 : i32
      scf.if %cond3A_207 {
        %add3A_706 = arith.constant 4 : i32
        %add3A_707 = arith.addi %add3A_176, %add3A_706 : i32
        %add3A_708 = arith.addi %add3A_707, %select_n3A : i32
        %ge3A_709 = arith.constant 100 : i32
        %ge3A_710 = arith.cmpi sge, %add3A_708, %ge3A_709 : i32
        %convert_element_type3A_711 = arith.extui %ge3A_710 : i1 to i32
        %mul3A_712 = arith.constant 100 : i32
        %mul3A_713 = arith.muli %mul3A_712, %convert_element_type3A_711 : i32
        %sub3A_714 = arith.subi %add3A_708, %mul3A_713 : i32
        %ge3A_715 = arith.constant 50 : i32
        %ge3A_716 = arith.cmpi sge, %sub3A_714, %ge3A_715 : i32
        %convert_element_type3A_717 = arith.extui %ge3A_716 : i1 to i32
        %mul3A_718 = arith.constant 50 : i32
        %mul3A_719 = arith.muli %mul3A_718, %convert_element_type3A_717 : i32
        %sub3A_720 = arith.subi %sub3A_714, %mul3A_719 : i32
        %dma_start3A_721 = arith.constant 0 : i32
        %dma_start3A_722 = tpu.memref_slice %arg3[%sub3A_720, %dma_start3A_721] : memref<50x4096xi32, #tpu.memory_space<hbm>> -> memref<1x4096xi32, #tpu.memory_space<hbm>>
        %dma_start3A_723 = tpu.memref_squeeze %dma_start3A_722 : memref<1x4096xi32, #tpu.memory_space<hbm>> -> memref<4096xi32, #tpu.memory_space<hbm>>
        %dma_start3A_724 = arith.constant 0 : i32
        %dma_start3A_725 = tpu.memref_slice %arg3[%sub3A_720, %dma_start3A_724] : memref<50x4096xi32, #tpu.memory_space<hbm>> -> memref<1x4096xi32, #tpu.memory_space<hbm>>
        %dma_start3A_726 = tpu.memref_squeeze %dma_start3A_725 : memref<1x4096xi32, #tpu.memory_space<hbm>> -> memref<4096xi32, #tpu.memory_space<hbm>>
        tpu.enqueue_dma source(%dma_start3A_726 : memref<4096xi32, #tpu.memory_space<hbm>>) target(%arg6 : memref<4096xi32, #tpu.memory_space<vmem>>) target_semaphore(%arg13 : memref<!tpu.dma_semaphore, #tpu.memory_space<semaphore_mem>>)
      } else {
      }
      %dma_wait3A_208 = arith.constant 0 : i32
      %dma_wait3A_209 = arith.constant 0 : i32
      %dma_wait3A_210 = tpu.memref_slice %arg3[%dma_wait3A_208, %dma_wait3A_209] : memref<50x4096xi32, #tpu.memory_space<hbm>> -> memref<1x4096xi32, #tpu.memory_space<hbm>>
      %dma_wait3A_211 = tpu.memref_squeeze %dma_wait3A_210 : memref<1x4096xi32, #tpu.memory_space<hbm>> -> memref<4096xi32, #tpu.memory_space<hbm>>
      %dma_wait3A_212 = arith.constant 0 : i32
      %dma_wait3A_213 = tpu.memref_slice %arg3[%dma_wait3A_208, %dma_wait3A_212] : memref<50x4096xi32, #tpu.memory_space<hbm>> -> memref<1x4096xi32, #tpu.memory_space<hbm>>
      %dma_wait3A_214 = tpu.memref_squeeze %dma_wait3A_213 : memref<1x4096xi32, #tpu.memory_space<hbm>> -> memref<4096xi32, #tpu.memory_space<hbm>>
      tpu.wait_dma2 semaphore(%arg14 : memref<!tpu.dma_semaphore, #tpu.memory_space<semaphore_mem>>) src(%dma_wait3A_214 : memref<4096xi32, #tpu.memory_space<hbm>>) dst(%arg7 : memref<4096xi32, #tpu.memory_space<vmem>>)
      %ge3A_215 = arith.constant 2 : i32
      %ge3A_216 = arith.cmpi sge, %add3A_176, %ge3A_215 : i32
      %convert_element_type3A_217 = arith.extui %ge3A_216 : i1 to i32
      %cond3A_218 = arith.constant 0 : i32
      %cond3A_219 = arith.cmpi ne, %convert_element_type3A_217, %cond3A_218 : i32
      scf.if %cond3A_219 {
        %dma_wait3A_706 = arith.constant 0 : i32
        %dma_wait3A_707 = arith.constant 0 : i32
        %dma_wait3A_708 = arith.constant 0 : i32
        %dma_wait3A_709 = tpu.memref_slice %arg4[%dma_wait3A_706, %dma_wait3A_707, %dma_wait3A_708] : memref<50x64x4096xf32, #tpu.memory_space<hbm>> -> memref<1x1x4096xf32, #tpu.memory_space<hbm>>
        %dma_wait3A_710 = tpu.memref_squeeze %dma_wait3A_709 : memref<1x1x4096xf32, #tpu.memory_space<hbm>> -> memref<4096xf32, #tpu.memory_space<hbm>>
        %dma_wait3A_711 = arith.constant 0 : i32
        %dma_wait3A_712 = tpu.memref_slice %arg4[%dma_wait3A_706, %dma_wait3A_707, %dma_wait3A_711] : memref<50x64x4096xf32, #tpu.memory_space<hbm>> -> memref<1x1x4096xf32, #tpu.memory_space<hbm>>
        %dma_wait3A_713 = tpu.memref_squeeze %dma_wait3A_712 : memref<1x1x4096xf32, #tpu.memory_space<hbm>> -> memref<4096xf32, #tpu.memory_space<hbm>>
        tpu.wait_dma2 semaphore(%arg19 : memref<!tpu.dma_semaphore, #tpu.memory_space<semaphore_mem>>) src(%arg12 : memref<4096xf32, #tpu.memory_space<vmem>>) dst(%dma_wait3A_713 : memref<4096xf32, #tpu.memory_space<hbm>>)
      } else {
      }
      %scan3A_220 = arith.constant 0 : i32
      %scan3A_221 = arith.constant 32 : i32
      %scan3A_222 = arith.addi %scan3A_220, %scan3A_221 : i32
      %scan3A_223 = arith.constant 1 : i32
      scf.for %scan3A_706 = %scan3A_220 to %scan3A_222 step %scan3A_223  : i32 {
        %mul3A_707 = arith.constant 1 : i32
        %mul3A_708 = arith.muli %scan3A_706, %mul3A_707 : i32
        %add3A_709 = arith.constant 0 : i32
        %add3A_710 = arith.addi %add3A_709, %mul3A_708 : i32
        %mul3A_711 = arith.constant 128 : i32
        %mul3A_712 = arith.muli %add3A_710, %mul3A_711 : i32
        %add3A_713 = arith.constant 0 : i32
        %add3A_714 = arith.addi %mul3A_712, %add3A_713 : i32
        %get3A = arith.index_cast %add3A_714 : i32 to index
        %get3A_715 = tpu.vector_load %arg7[%get3A] {strides = array<i32>} : memref<4096xi32, #tpu.memory_space<vmem>>, vector<16xi32>,
        %add3A_716 = arith.constant 16 : i32
        %add3A_717 = arith.addi %mul3A_712, %add3A_716 : i32
        %get3A_718 = arith.index_cast %add3A_717 : i32 to index
        %get3A_719 = tpu.vector_load %arg7[%get3A_718] {strides = array<i32>} : memref<4096xi32, #tpu.memory_space<vmem>>, vector<16xi32>,
        %add3A_720 = arith.constant 32 : i32
        %add3A_721 = arith.addi %mul3A_712, %add3A_720 : i32
        %get3A_722 = arith.index_cast %add3A_721 : i32 to index
        %get3A_723 = tpu.vector_load %arg7[%get3A_722] {strides = array<i32>} : memref<4096xi32, #tpu.memory_space<vmem>>, vector<16xi32>,
        %add3A_724 = arith.constant 48 : i32
        %add3A_725 = arith.addi %mul3A_712, %add3A_724 : i32
        %get3A_726 = arith.index_cast %add3A_725 : i32 to index
        %get3A_727 = tpu.vector_load %arg7[%get3A_726] {strides = array<i32>} : memref<4096xi32, #tpu.memory_space<vmem>>, vector<16xi32>,
        %add3A_728 = arith.constant 64 : i32
        %add3A_729 = arith.addi %mul3A_712, %add3A_728 : i32
        %get3A_730 = arith.index_cast %add3A_729 : i32 to index
        %get3A_731 = tpu.vector_load %arg7[%get3A_730] {strides = array<i32>} : memref<4096xi32, #tpu.memory_space<vmem>>, vector<16xi32>,
        %add3A_732 = arith.constant 80 : i32
        %add3A_733 = arith.addi %mul3A_712, %add3A_732 : i32
        %get3A_734 = arith.index_cast %add3A_733 : i32 to index
        %get3A_735 = tpu.vector_load %arg7[%get3A_734] {strides = array<i32>} : memref<4096xi32, #tpu.memory_space<vmem>>, vector<16xi32>,
        %add3A_736 = arith.constant 96 : i32
        %add3A_737 = arith.addi %mul3A_712, %add3A_736 : i32
        %get3A_738 = arith.index_cast %add3A_737 : i32 to index
        %get3A_739 = tpu.vector_load %arg7[%get3A_738] {strides = array<i32>} : memref<4096xi32, #tpu.memory_space<vmem>>, vector<16xi32>,
        %add3A_740 = arith.constant 112 : i32
        %add3A_741 = arith.addi %mul3A_712, %add3A_740 : i32
        %get3A_742 = arith.index_cast %add3A_741 : i32 to index
        %get3A_743 = tpu.vector_load %arg7[%get3A_742] {strides = array<i32>} : memref<4096xi32, #tpu.memory_space<vmem>>, vector<16xi32>,
        %gather3A = tpu.vector_load_idx %arg5[%get3A_715] : memref<100000xf32, #tpu.memory_space<vmem>>[vector<16xi32>], vector<16xf32>,
        %gather3A_744 = tpu.vector_load_idx %arg5[%get3A_719] : memref<100000xf32, #tpu.memory_space<vmem>>[vector<16xi32>], vector<16xf32>,
        %gather3A_745 = tpu.vector_load_idx %arg5[%get3A_723] : memref<100000xf32, #tpu.memory_space<vmem>>[vector<16xi32>], vector<16xf32>,
        %gather3A_746 = tpu.vector_load_idx %arg5[%get3A_727] : memref<100000xf32, #tpu.memory_space<vmem>>[vector<16xi32>], vector<16xf32>,
        %gather3A_747 = tpu.vector_load_idx %arg5[%get3A_731] : memref<100000xf32, #tpu.memory_space<vmem>>[vector<16xi32>], vector<16xf32>,
        %gather3A_748 = tpu.vector_load_idx %arg5[%get3A_735] : memref<100000xf32, #tpu.memory_space<vmem>>[vector<16xi32>], vector<16xf32>,
        %gather3A_749 = tpu.vector_load_idx %arg5[%get3A_739] : memref<100000xf32, #tpu.memory_space<vmem>>[vector<16xi32>], vector<16xf32>,
        %gather3A_750 = tpu.vector_load_idx %arg5[%get3A_743] : memref<100000xf32, #tpu.memory_space<vmem>>[vector<16xi32>], vector<16xf32>,
        %add3A_751 = arith.constant 0 : i32
        %add3A_752 = arith.addi %mul3A_712, %add3A_751 : i32
        %swap3A = arith.index_cast %add3A_752 : i32 to index
        %swap3A_753 = tpu.vector_load %arg12[%swap3A] {strides = array<i32>} : memref<4096xf32, #tpu.memory_space<vmem>>, vector<16xf32>,
        tpu.vector_store %arg12[%swap3A], %gather3A {strides = array<i32>} : memref<4096xf32, #tpu.memory_space<vmem>>, vector<16xf32>,
        %add3A_754 = arith.constant 16 : i32
        %add3A_755 = arith.addi %mul3A_712, %add3A_754 : i32
        %swap3A_756 = arith.index_cast %add3A_755 : i32 to index
        %swap3A_757 = tpu.vector_load %arg12[%swap3A_756] {strides = array<i32>} : memref<4096xf32, #tpu.memory_space<vmem>>, vector<16xf32>,
        tpu.vector_store %arg12[%swap3A_756], %gather3A_744 {strides = array<i32>} : memref<4096xf32, #tpu.memory_space<vmem>>, vector<16xf32>,
        %add3A_758 = arith.constant 32 : i32
        %add3A_759 = arith.addi %mul3A_712, %add3A_758 : i32
        %swap3A_760 = arith.index_cast %add3A_759 : i32 to index
        %swap3A_761 = tpu.vector_load %arg12[%swap3A_760] {strides = array<i32>} : memref<4096xf32, #tpu.memory_space<vmem>>, vector<16xf32>,
        tpu.vector_store %arg12[%swap3A_760], %gather3A_745 {strides = array<i32>} : memref<4096xf32, #tpu.memory_space<vmem>>, vector<16xf32>,
        %add3A_762 = arith.constant 48 : i32
        %add3A_763 = arith.addi %mul3A_712, %add3A_762 : i32
        %swap3A_764 = arith.index_cast %add3A_763 : i32 to index
        %swap3A_765 = tpu.vector_load %arg12[%swap3A_764] {strides = array<i32>} : memref<4096xf32, #tpu.memory_space<vmem>>, vector<16xf32>,
        tpu.vector_store %arg12[%swap3A_764], %gather3A_746 {strides = array<i32>} : memref<4096xf32, #tpu.memory_space<vmem>>, vector<16xf32>,
        %add3A_766 = arith.constant 64 : i32
        %add3A_767 = arith.addi %mul3A_712, %add3A_766 : i32
        %swap3A_768 = arith.index_cast %add3A_767 : i32 to index
        %swap3A_769 = tpu.vector_load %arg12[%swap3A_768] {strides = array<i32>} : memref<4096xf32, #tpu.memory_space<vmem>>, vector<16xf32>,
        tpu.vector_store %arg12[%swap3A_768], %gather3A_747 {strides = array<i32>} : memref<4096xf32, #tpu.memory_space<vmem>>, vector<16xf32>,
        %add3A_770 = arith.constant 80 : i32
        %add3A_771 = arith.addi %mul3A_712, %add3A_770 : i32
        %swap3A_772 = arith.index_cast %add3A_771 : i32 to index
        %swap3A_773 = tpu.vector_load %arg12[%swap3A_772] {strides = array<i32>} : memref<4096xf32, #tpu.memory_space<vmem>>, vector<16xf32>,
        tpu.vector_store %arg12[%swap3A_772], %gather3A_748 {strides = array<i32>} : memref<4096xf32, #tpu.memory_space<vmem>>, vector<16xf32>,
        %add3A_774 = arith.constant 96 : i32
        %add3A_775 = arith.addi %mul3A_712, %add3A_774 : i32
        %swap3A_776 = arith.index_cast %add3A_775 : i32 to index
        %swap3A_777 = tpu.vector_load %arg12[%swap3A_776] {strides = array<i32>} : memref<4096xf32, #tpu.memory_space<vmem>>, vector<16xf32>,
        tpu.vector_store %arg12[%swap3A_776], %gather3A_749 {strides = array<i32>} : memref<4096xf32, #tpu.memory_space<vmem>>, vector<16xf32>,
        %add3A_778 = arith.constant 112 : i32
        %add3A_779 = arith.addi %mul3A_712, %add3A_778 : i32
        %swap3A_780 = arith.index_cast %add3A_779 : i32 to index
        %swap3A_781 = tpu.vector_load %arg12[%swap3A_780] {strides = array<i32>} : memref<4096xf32, #tpu.memory_space<vmem>>, vector<16xf32>,
        tpu.vector_store %arg12[%swap3A_780], %gather3A_750 {strides = array<i32>} : memref<4096xf32, #tpu.memory_space<vmem>>, vector<16xf32>,
      }
      %scan3A_224 = arith.constant 32 : i32
      %mul3A_225 = arith.constant 50 : i32
      %mul3A_226 = arith.muli %mul3A_225, %convert_element_type3A_186 : i32
      %sub3A_227 = arith.subi %sub3A_183, %mul3A_226 : i32
      %dma_start3A_228 = arith.constant 0 : i32
      %dma_start3A_229 = tpu.memref_slice %arg4[%sub3A_227, %add3A_189, %dma_start3A_228] : memref<50x64x4096xf32, #tpu.memory_space<hbm>> -> memref<1x1x4096xf32, #tpu.memory_space<hbm>>
      %dma_start3A_230 = tpu.memref_squeeze %dma_start3A_229 : memref<1x1x4096xf32, #tpu.memory_space<hbm>> -> memref<4096xf32, #tpu.memory_space<hbm>>
      %dma_start3A_231 = arith.constant 0 : i32
      %dma_start3A_232 = tpu.memref_slice %arg4[%sub3A_227, %add3A_189, %dma_start3A_231] : memref<50x64x4096xf32, #tpu.memory_space<hbm>> -> memref<1x1x4096xf32, #tpu.memory_space<hbm>>
      %dma_start3A_233 = tpu.memref_squeeze %dma_start3A_232 : memref<1x1x4096xf32, #tpu.memory_space<hbm>> -> memref<4096xf32, #tpu.memory_space<hbm>>
      tpu.enqueue_dma source(%arg12 : memref<4096xf32, #tpu.memory_space<vmem>>) target(%dma_start3A_233 : memref<4096xf32, #tpu.memory_space<hbm>>) target_semaphore(%arg19 : memref<!tpu.dma_semaphore, #tpu.memory_space<semaphore_mem>>)
      %add3A_234 = arith.constant 2 : i32
      %add3A_235 = arith.addi %add3A_119, %add3A_234 : i32
      %add3A_236 = arith.addi %add3A_235, %select_n3A : i32
      %ge3A_237 = arith.constant 100 : i32
      %ge3A_238 = arith.cmpi sge, %add3A_236, %ge3A_237 : i32
      %convert_element_type3A_239 = arith.extui %ge3A_238 : i1 to i32
      %mul3A_240 = arith.constant 100 : i32
      %mul3A_241 = arith.muli %mul3A_240, %convert_element_type3A_239 : i32
      %sub3A_242 = arith.subi %add3A_236, %mul3A_241 : i32
      %ge3A_243 = arith.constant 50 : i32
      %ge3A_244 = arith.cmpi sge, %sub3A_242, %ge3A_243 : i32
      %convert_element_type3A_245 = arith.extui %ge3A_244 : i1 to i32
      %mul3A_246 = arith.constant 32 : i32
      %mul3A_247 = arith.muli %mul3A_246, %convert_element_type3A_245 : i32
      %add3A_248 = arith.addi %add3A, %mul3A_247 : i32
      %eq3A_249 = arith.constant 0 : i32
      %eq3A_250 = arith.cmpi eq, %add3A_235, %eq3A_249 : i32
      %mul3A_251 = arith.constant 50 : i32
      %mul3A_252 = arith.muli %mul3A_251, %convert_element_type3A_245 : i32
      %sub3A_253 = arith.subi %sub3A_242, %mul3A_252 : i32
      %eq3A_254 = arith.constant 0 : i32
      %eq3A_255 = arith.cmpi eq, %sub3A_253, %eq3A_254 : i32
      %or3A_256 = arith.ori %eq3A_250, %eq3A_255 : i1
      %convert_element_type3A_257 = arith.extui %or3A_256 : i1 to i32
      %cond3A_258 = arith.constant 0 : i32
      %cond3A_259 = arith.cmpi ne, %convert_element_type3A_257, %cond3A_258 : i32
      scf.if %cond3A_259 {
        "tpu.region"() ({
          %run_scoped3A = tpu.sem_alloc : memref<!tpu.dma_semaphore, #tpu.memory_space<semaphore_mem>>
          %dma_start3A_706 = arith.constant 0 : i32
          %dma_start3A_707 = tpu.memref_slice %arg2[%add3A_248, %dma_start3A_706] : memref<64x100000xf32, #tpu.memory_space<hbm>> -> memref<1x100000xf32, #tpu.memory_space<hbm>>
          %dma_start3A_708 = tpu.memref_squeeze %dma_start3A_707 : memref<1x100000xf32, #tpu.memory_space<hbm>> -> memref<100000xf32, #tpu.memory_space<hbm>>
          %dma_start3A_709 = arith.constant 0 : i32
          %dma_start3A_710 = tpu.memref_slice %arg2[%add3A_248, %dma_start3A_709] : memref<64x100000xf32, #tpu.memory_space<hbm>> -> memref<1x100000xf32, #tpu.memory_space<hbm>>
          %dma_start3A_711 = tpu.memref_squeeze %dma_start3A_710 : memref<1x100000xf32, #tpu.memory_space<hbm>> -> memref<100000xf32, #tpu.memory_space<hbm>>
          tpu.enqueue_dma source(%dma_start3A_711 : memref<100000xf32, #tpu.memory_space<hbm>>) target(%arg5 : memref<100000xf32, #tpu.memory_space<vmem>>) target_semaphore(%run_scoped3A : memref<!tpu.dma_semaphore, #tpu.memory_space<semaphore_mem>>)
          %dma_wait3A_712 = arith.constant 0 : i32
          %dma_wait3A_713 = tpu.memref_slice %arg2[%add3A_248, %dma_wait3A_712] : memref<64x100000xf32, #tpu.memory_space<hbm>> -> memref<1x100000xf32, #tpu.memory_space<hbm>>
          %dma_wait3A_714 = tpu.memref_squeeze %dma_wait3A_713 : memref<1x100000xf32, #tpu.memory_space<hbm>> -> memref<100000xf32, #tpu.memory_space<hbm>>
          %dma_wait3A_715 = arith.constant 0 : i32
          %dma_wait3A_716 = tpu.memref_slice %arg2[%add3A_248, %dma_wait3A_715] : memref<64x100000xf32, #tpu.memory_space<hbm>> -> memref<1x100000xf32, #tpu.memory_space<hbm>>
          %dma_wait3A_717 = tpu.memref_squeeze %dma_wait3A_716 : memref<1x100000xf32, #tpu.memory_space<hbm>> -> memref<100000xf32, #tpu.memory_space<hbm>>
          tpu.wait_dma2 semaphore(%run_scoped3A : memref<!tpu.dma_semaphore, #tpu.memory_space<semaphore_mem>>) src(%dma_wait3A_717 : memref<100000xf32, #tpu.memory_space<hbm>>) dst(%arg5 : memref<100000xf32, #tpu.memory_space<vmem>>)
          tpu.yield
        }) : () -> ()
      } else {
      }
      %add3A_260 = arith.constant 4 : i32
      %add3A_261 = arith.addi %add3A_235, %add3A_260 : i32
      %lt3A_262 = arith.constant 100 : i32
      %lt3A_263 = arith.cmpi slt, %add3A_261, %lt3A_262 : i32
      %convert_element_type3A_264 = arith.extui %lt3A_263 : i1 to i32
      %cond3A_265 = arith.constant 0 : i32
      %cond3A_266 = arith.cmpi ne, %convert_element_type3A_264, %cond3A_265 : i32
      scf.if %cond3A_266 {
        %add3A_706 = arith.constant 4 : i32
        %add3A_707 = arith.addi %add3A_235, %add3A_706 : i32
        %add3A_708 = arith.addi %add3A_707, %select_n3A : i32
        %ge3A_709 = arith.constant 100 : i32
        %ge3A_710 = arith.cmpi sge, %add3A_708, %ge3A_709 : i32
        %convert_element_type3A_711 = arith.extui %ge3A_710 : i1 to i32
        %mul3A_712 = arith.constant 100 : i32
        %mul3A_713 = arith.muli %mul3A_712, %convert_element_type3A_711 : i32
        %sub3A_714 = arith.subi %add3A_708, %mul3A_713 : i32
        %ge3A_715 = arith.constant 50 : i32
        %ge3A_716 = arith.cmpi sge, %sub3A_714, %ge3A_715 : i32
        %convert_element_type3A_717 = arith.extui %ge3A_716 : i1 to i32
        %mul3A_718 = arith.constant 50 : i32
        %mul3A_719 = arith.muli %mul3A_718, %convert_element_type3A_717 : i32
        %sub3A_720 = arith.subi %sub3A_714, %mul3A_719 : i32
        %dma_start3A_721 = arith.constant 0 : i32
        %dma_start3A_722 = tpu.memref_slice %arg3[%sub3A_720, %dma_start3A_721] : memref<50x4096xi32, #tpu.memory_space<hbm>> -> memref<1x4096xi32, #tpu.memory_space<hbm>>
        %dma_start3A_723 = tpu.memref_squeeze %dma_start3A_722 : memref<1x4096xi32, #tpu.memory_space<hbm>> -> memref<4096xi32, #tpu.memory_space<hbm>>
        %dma_start3A_724 = arith.constant 0 : i32
        %dma_start3A_725 = tpu.memref_slice %arg3[%sub3A_720, %dma_start3A_724] : memref<50x4096xi32, #tpu.memory_space<hbm>> -> memref<1x4096xi32, #tpu.memory_space<hbm>>
        %dma_start3A_726 = tpu.memref_squeeze %dma_start3A_725 : memref<1x4096xi32, #tpu.memory_space<hbm>> -> memref<4096xi32, #tpu.memory_space<hbm>>
        tpu.enqueue_dma source(%dma_start3A_726 : memref<4096xi32, #tpu.memory_space<hbm>>) target(%arg7 : memref<4096xi32, #tpu.memory_space<vmem>>) target_semaphore(%arg14 : memref<!tpu.dma_semaphore, #tpu.memory_space<semaphore_mem>>)
      } else {
      }
      %dma_wait3A_267 = arith.constant 0 : i32
      %dma_wait3A_268 = arith.constant 0 : i32
      %dma_wait3A_269 = tpu.memref_slice %arg3[%dma_wait3A_267, %dma_wait3A_268] : memref<50x4096xi32, #tpu.memory_space<hbm>> -> memref<1x4096xi32, #tpu.memory_space<hbm>>
      %dma_wait3A_270 = tpu.memref_squeeze %dma_wait3A_269 : memref<1x4096xi32, #tpu.memory_space<hbm>> -> memref<4096xi32, #tpu.memory_space<hbm>>
      %dma_wait3A_271 = arith.constant 0 : i32
      %dma_wait3A_272 = tpu.memref_slice %arg3[%dma_wait3A_267, %dma_wait3A_271] : memref<50x4096xi32, #tpu.memory_space<hbm>> -> memref<1x4096xi32, #tpu.memory_space<hbm>>
      %dma_wait3A_273 = tpu.memref_squeeze %dma_wait3A_272 : memref<1x4096xi32, #tpu.memory_space<hbm>> -> memref<4096xi32, #tpu.memory_space<hbm>>
      tpu.wait_dma2 semaphore(%arg15 : memref<!tpu.dma_semaphore, #tpu.memory_space<semaphore_mem>>) src(%dma_wait3A_273 : memref<4096xi32, #tpu.memory_space<hbm>>) dst(%arg8 : memref<4096xi32, #tpu.memory_space<vmem>>)
      %ge3A_274 = arith.constant 2 : i32
      %ge3A_275 = arith.cmpi sge, %add3A_235, %ge3A_274 : i32
      %convert_element_type3A_276 = arith.extui %ge3A_275 : i1 to i32
      %cond3A_277 = arith.constant 0 : i32
      %cond3A_278 = arith.cmpi ne, %convert_element_type3A_276, %cond3A_277 : i32
      scf.if %cond3A_278 {
        %dma_wait3A_706 = arith.constant 0 : i32
        %dma_wait3A_707 = arith.constant 0 : i32
        %dma_wait3A_708 = arith.constant 0 : i32
        %dma_wait3A_709 = tpu.memref_slice %arg4[%dma_wait3A_706, %dma_wait3A_707, %dma_wait3A_708] : memref<50x64x4096xf32, #tpu.memory_space<hbm>> -> memref<1x1x4096xf32, #tpu.memory_space<hbm>>
        %dma_wait3A_710 = tpu.memref_squeeze %dma_wait3A_709 : memref<1x1x4096xf32, #tpu.memory_space<hbm>> -> memref<4096xf32, #tpu.memory_space<hbm>>
        %dma_wait3A_711 = arith.constant 0 : i32
        %dma_wait3A_712 = tpu.memref_slice %arg4[%dma_wait3A_706, %dma_wait3A_707, %dma_wait3A_711] : memref<50x64x4096xf32, #tpu.memory_space<hbm>> -> memref<1x1x4096xf32, #tpu.memory_space<hbm>>
        %dma_wait3A_713 = tpu.memref_squeeze %dma_wait3A_712 : memref<1x1x4096xf32, #tpu.memory_space<hbm>> -> memref<4096xf32, #tpu.memory_space<hbm>>
        tpu.wait_dma2 semaphore(%arg18 : memref<!tpu.dma_semaphore, #tpu.memory_space<semaphore_mem>>) src(%arg11 : memref<4096xf32, #tpu.memory_space<vmem>>) dst(%dma_wait3A_713 : memref<4096xf32, #tpu.memory_space<hbm>>)
      } else {
      }
      %scan3A_279 = arith.constant 0 : i32
      %scan3A_280 = arith.constant 32 : i32
      %scan3A_281 = arith.addi %scan3A_279, %scan3A_280 : i32
      %scan3A_282 = arith.constant 1 : i32
      scf.for %scan3A_706 = %scan3A_279 to %scan3A_281 step %scan3A_282  : i32 {
        %mul3A_707 = arith.constant 1 : i32
        %mul3A_708 = arith.muli %scan3A_706, %mul3A_707 : i32
        %add3A_709 = arith.constant 0 : i32
        %add3A_710 = arith.addi %add3A_709, %mul3A_708 : i32
        %mul3A_711 = arith.constant 128 : i32
        %mul3A_712 = arith.muli %add3A_710, %mul3A_711 : i32
        %add3A_713 = arith.constant 0 : i32
        %add3A_714 = arith.addi %mul3A_712, %add3A_713 : i32
        %get3A = arith.index_cast %add3A_714 : i32 to index
        %get3A_715 = tpu.vector_load %arg8[%get3A] {strides = array<i32>} : memref<4096xi32, #tpu.memory_space<vmem>>, vector<16xi32>,
        %add3A_716 = arith.constant 16 : i32
        %add3A_717 = arith.addi %mul3A_712, %add3A_716 : i32
        %get3A_718 = arith.index_cast %add3A_717 : i32 to index
        %get3A_719 = tpu.vector_load %arg8[%get3A_718] {strides = array<i32>} : memref<4096xi32, #tpu.memory_space<vmem>>, vector<16xi32>,
        %add3A_720 = arith.constant 32 : i32
        %add3A_721 = arith.addi %mul3A_712, %add3A_720 : i32
        %get3A_722 = arith.index_cast %add3A_721 : i32 to index
        %get3A_723 = tpu.vector_load %arg8[%get3A_722] {strides = array<i32>} : memref<4096xi32, #tpu.memory_space<vmem>>, vector<16xi32>,
        %add3A_724 = arith.constant 48 : i32
        %add3A_725 = arith.addi %mul3A_712, %add3A_724 : i32
        %get3A_726 = arith.index_cast %add3A_725 : i32 to index
        %get3A_727 = tpu.vector_load %arg8[%get3A_726] {strides = array<i32>} : memref<4096xi32, #tpu.memory_space<vmem>>, vector<16xi32>,
        %add3A_728 = arith.constant 64 : i32
        %add3A_729 = arith.addi %mul3A_712, %add3A_728 : i32
        %get3A_730 = arith.index_cast %add3A_729 : i32 to index
        %get3A_731 = tpu.vector_load %arg8[%get3A_730] {strides = array<i32>} : memref<4096xi32, #tpu.memory_space<vmem>>, vector<16xi32>,
        %add3A_732 = arith.constant 80 : i32
        %add3A_733 = arith.addi %mul3A_712, %add3A_732 : i32
        %get3A_734 = arith.index_cast %add3A_733 : i32 to index
        %get3A_735 = tpu.vector_load %arg8[%get3A_734] {strides = array<i32>} : memref<4096xi32, #tpu.memory_space<vmem>>, vector<16xi32>,
        %add3A_736 = arith.constant 96 : i32
        %add3A_737 = arith.addi %mul3A_712, %add3A_736 : i32
        %get3A_738 = arith.index_cast %add3A_737 : i32 to index
        %get3A_739 = tpu.vector_load %arg8[%get3A_738] {strides = array<i32>} : memref<4096xi32, #tpu.memory_space<vmem>>, vector<16xi32>,
        %add3A_740 = arith.constant 112 : i32
        %add3A_741 = arith.addi %mul3A_712, %add3A_740 : i32
        %get3A_742 = arith.index_cast %add3A_741 : i32 to index
        %get3A_743 = tpu.vector_load %arg8[%get3A_742] {strides = array<i32>} : memref<4096xi32, #tpu.memory_space<vmem>>, vector<16xi32>,
        %gather3A = tpu.vector_load_idx %arg5[%get3A_715] : memref<100000xf32, #tpu.memory_space<vmem>>[vector<16xi32>], vector<16xf32>,
        %gather3A_744 = tpu.vector_load_idx %arg5[%get3A_719] : memref<100000xf32, #tpu.memory_space<vmem>>[vector<16xi32>], vector<16xf32>,
        %gather3A_745 = tpu.vector_load_idx %arg5[%get3A_723] : memref<100000xf32, #tpu.memory_space<vmem>>[vector<16xi32>], vector<16xf32>,
        %gather3A_746 = tpu.vector_load_idx %arg5[%get3A_727] : memref<100000xf32, #tpu.memory_space<vmem>>[vector<16xi32>], vector<16xf32>,
        %gather3A_747 = tpu.vector_load_idx %arg5[%get3A_731] : memref<100000xf32, #tpu.memory_space<vmem>>[vector<16xi32>], vector<16xf32>,
        %gather3A_748 = tpu.vector_load_idx %arg5[%get3A_735] : memref<100000xf32, #tpu.memory_space<vmem>>[vector<16xi32>], vector<16xf32>,
        %gather3A_749 = tpu.vector_load_idx %arg5[%get3A_739] : memref<100000xf32, #tpu.memory_space<vmem>>[vector<16xi32>], vector<16xf32>,
        %gather3A_750 = tpu.vector_load_idx %arg5[%get3A_743] : memref<100000xf32, #tpu.memory_space<vmem>>[vector<16xi32>], vector<16xf32>,
        %add3A_751 = arith.constant 0 : i32
        %add3A_752 = arith.addi %mul3A_712, %add3A_751 : i32
        %swap3A = arith.index_cast %add3A_752 : i32 to index
        %swap3A_753 = tpu.vector_load %arg11[%swap3A] {strides = array<i32>} : memref<4096xf32, #tpu.memory_space<vmem>>, vector<16xf32>,
        tpu.vector_store %arg11[%swap3A], %gather3A {strides = array<i32>} : memref<4096xf32, #tpu.memory_space<vmem>>, vector<16xf32>,
        %add3A_754 = arith.constant 16 : i32
        %add3A_755 = arith.addi %mul3A_712, %add3A_754 : i32
        %swap3A_756 = arith.index_cast %add3A_755 : i32 to index
        %swap3A_757 = tpu.vector_load %arg11[%swap3A_756] {strides = array<i32>} : memref<4096xf32, #tpu.memory_space<vmem>>, vector<16xf32>,
        tpu.vector_store %arg11[%swap3A_756], %gather3A_744 {strides = array<i32>} : memref<4096xf32, #tpu.memory_space<vmem>>, vector<16xf32>,
        %add3A_758 = arith.constant 32 : i32
        %add3A_759 = arith.addi %mul3A_712, %add3A_758 : i32
        %swap3A_760 = arith.index_cast %add3A_759 : i32 to index
        %swap3A_761 = tpu.vector_load %arg11[%swap3A_760] {strides = array<i32>} : memref<4096xf32, #tpu.memory_space<vmem>>, vector<16xf32>,
        tpu.vector_store %arg11[%swap3A_760], %gather3A_745 {strides = array<i32>} : memref<4096xf32, #tpu.memory_space<vmem>>, vector<16xf32>,
        %add3A_762 = arith.constant 48 : i32
        %add3A_763 = arith.addi %mul3A_712, %add3A_762 : i32
        %swap3A_764 = arith.index_cast %add3A_763 : i32 to index
        %swap3A_765 = tpu.vector_load %arg11[%swap3A_764] {strides = array<i32>} : memref<4096xf32, #tpu.memory_space<vmem>>, vector<16xf32>,
        tpu.vector_store %arg11[%swap3A_764], %gather3A_746 {strides = array<i32>} : memref<4096xf32, #tpu.memory_space<vmem>>, vector<16xf32>,
        %add3A_766 = arith.constant 64 : i32
        %add3A_767 = arith.addi %mul3A_712, %add3A_766 : i32
        %swap3A_768 = arith.index_cast %add3A_767 : i32 to index
        %swap3A_769 = tpu.vector_load %arg11[%swap3A_768] {strides = array<i32>} : memref<4096xf32, #tpu.memory_space<vmem>>, vector<16xf32>,
        tpu.vector_store %arg11[%swap3A_768], %gather3A_747 {strides = array<i32>} : memref<4096xf32, #tpu.memory_space<vmem>>, vector<16xf32>,
        %add3A_770 = arith.constant 80 : i32
        %add3A_771 = arith.addi %mul3A_712, %add3A_770 : i32
        %swap3A_772 = arith.index_cast %add3A_771 : i32 to index
        %swap3A_773 = tpu.vector_load %arg11[%swap3A_772] {strides = array<i32>} : memref<4096xf32, #tpu.memory_space<vmem>>, vector<16xf32>,
        tpu.vector_store %arg11[%swap3A_772], %gather3A_748 {strides = array<i32>} : memref<4096xf32, #tpu.memory_space<vmem>>, vector<16xf32>,
        %add3A_774 = arith.constant 96 : i32
        %add3A_775 = arith.addi %mul3A_712, %add3A_774 : i32
        %swap3A_776 = arith.index_cast %add3A_775 : i32 to index
        %swap3A_777 = tpu.vector_load %arg11[%swap3A_776] {strides = array<i32>} : memref<4096xf32, #tpu.memory_space<vmem>>, vector<16xf32>,
        tpu.vector_store %arg11[%swap3A_776], %gather3A_749 {strides = array<i32>} : memref<4096xf32, #tpu.memory_space<vmem>>, vector<16xf32>,
        %add3A_778 = arith.constant 112 : i32
        %add3A_779 = arith.addi %mul3A_712, %add3A_778 : i32
        %swap3A_780 = arith.index_cast %add3A_779 : i32 to index
        %swap3A_781 = tpu.vector_load %arg11[%swap3A_780] {strides = array<i32>} : memref<4096xf32, #tpu.memory_space<vmem>>, vector<16xf32>,
        tpu.vector_store %arg11[%swap3A_780], %gather3A_750 {strides = array<i32>} : memref<4096xf32, #tpu.memory_space<vmem>>, vector<16xf32>,
      }
      %scan3A_283 = arith.constant 32 : i32
      %mul3A_284 = arith.constant 50 : i32
      %mul3A_285 = arith.muli %mul3A_284, %convert_element_type3A_245 : i32
      %sub3A_286 = arith.subi %sub3A_242, %mul3A_285 : i32
      %dma_start3A_287 = arith.constant 0 : i32
      %dma_start3A_288 = tpu.memref_slice %arg4[%sub3A_286, %add3A_248, %dma_start3A_287] : memref<50x64x4096xf32, #tpu.memory_space<hbm>> -> memref<1x1x4096xf32, #tpu.memory_space<hbm>>
      %dma_start3A_289 = tpu.memref_squeeze %dma_start3A_288 : memref<1x1x4096xf32, #tpu.memory_space<hbm>> -> memref<4096xf32, #tpu.memory_space<hbm>>
      %dma_start3A_290 = arith.constant 0 : i32
      %dma_start3A_291 = tpu.memref_slice %arg4[%sub3A_286, %add3A_248, %dma_start3A_290] : memref<50x64x4096xf32, #tpu.memory_space<hbm>> -> memref<1x1x4096xf32, #tpu.memory_space<hbm>>
      %dma_start3A_292 = tpu.memref_squeeze %dma_start3A_291 : memref<1x1x4096xf32, #tpu.memory_space<hbm>> -> memref<4096xf32, #tpu.memory_space<hbm>>
      tpu.enqueue_dma source(%arg11 : memref<4096xf32, #tpu.memory_space<vmem>>) target(%dma_start3A_292 : memref<4096xf32, #tpu.memory_space<hbm>>) target_semaphore(%arg18 : memref<!tpu.dma_semaphore, #tpu.memory_space<semaphore_mem>>)
      %add3A_293 = arith.constant 3 : i32
      %add3A_294 = arith.addi %add3A_119, %add3A_293 : i32
      %add3A_295 = arith.addi %add3A_294, %select_n3A : i32
      %ge3A_296 = arith.constant 100 : i32
      %ge3A_297 = arith.cmpi sge, %add3A_295, %ge3A_296 : i32
      %convert_element_type3A_298 = arith.extui %ge3A_297 : i1 to i32
      %mul3A_299 = arith.constant 100 : i32
      %mul3A_300 = arith.muli %mul3A_299, %convert_element_type3A_298 : i32
      %sub3A_301 = arith.subi %add3A_295, %mul3A_300 : i32
      %ge3A_302 = arith.constant 50 : i32
      %ge3A_303 = arith.cmpi sge, %sub3A_301, %ge3A_302 : i32
      %convert_element_type3A_304 = arith.extui %ge3A_303 : i1 to i32
      %mul3A_305 = arith.constant 32 : i32
      %mul3A_306 = arith.muli %mul3A_305, %convert_element_type3A_304 : i32
      %add3A_307 = arith.addi %add3A, %mul3A_306 : i32
      %eq3A_308 = arith.constant 0 : i32
      %eq3A_309 = arith.cmpi eq, %add3A_294, %eq3A_308 : i32
      %mul3A_310 = arith.constant 50 : i32
      %mul3A_311 = arith.muli %mul3A_310, %convert_element_type3A_304 : i32
      %sub3A_312 = arith.subi %sub3A_301, %mul3A_311 : i32
      %eq3A_313 = arith.constant 0 : i32
      %eq3A_314 = arith.cmpi eq, %sub3A_312, %eq3A_313 : i32
      %or3A_315 = arith.ori %eq3A_309, %eq3A_314 : i1
      %convert_element_type3A_316 = arith.extui %or3A_315 : i1 to i32
      %cond3A_317 = arith.constant 0 : i32
      %cond3A_318 = arith.cmpi ne, %convert_element_type3A_316, %cond3A_317 : i32
      scf.if %cond3A_318 {
        "tpu.region"() ({
          %run_scoped3A = tpu.sem_alloc : memref<!tpu.dma_semaphore, #tpu.memory_space<semaphore_mem>>
          %dma_start3A_706 = arith.constant 0 : i32
          %dma_start3A_707 = tpu.memref_slice %arg2[%add3A_307, %dma_start3A_706] : memref<64x100000xf32, #tpu.memory_space<hbm>> -> memref<1x100000xf32, #tpu.memory_space<hbm>>
          %dma_start3A_708 = tpu.memref_squeeze %dma_start3A_707 : memref<1x100000xf32, #tpu.memory_space<hbm>> -> memref<100000xf32, #tpu.memory_space<hbm>>
          %dma_start3A_709 = arith.constant 0 : i32
          %dma_start3A_710 = tpu.memref_slice %arg2[%add3A_307, %dma_start3A_709] : memref<64x100000xf32, #tpu.memory_space<hbm>> -> memref<1x100000xf32, #tpu.memory_space<hbm>>
          %dma_start3A_711 = tpu.memref_squeeze %dma_start3A_710 : memref<1x100000xf32, #tpu.memory_space<hbm>> -> memref<100000xf32, #tpu.memory_space<hbm>>
          tpu.enqueue_dma source(%dma_start3A_711 : memref<100000xf32, #tpu.memory_space<hbm>>) target(%arg5 : memref<100000xf32, #tpu.memory_space<vmem>>) target_semaphore(%run_scoped3A : memref<!tpu.dma_semaphore, #tpu.memory_space<semaphore_mem>>)
          %dma_wait3A_712 = arith.constant 0 : i32
          %dma_wait3A_713 = tpu.memref_slice %arg2[%add3A_307, %dma_wait3A_712] : memref<64x100000xf32, #tpu.memory_space<hbm>> -> memref<1x100000xf32, #tpu.memory_space<hbm>>
          %dma_wait3A_714 = tpu.memref_squeeze %dma_wait3A_713 : memref<1x100000xf32, #tpu.memory_space<hbm>> -> memref<100000xf32, #tpu.memory_space<hbm>>
          %dma_wait3A_715 = arith.constant 0 : i32
          %dma_wait3A_716 = tpu.memref_slice %arg2[%add3A_307, %dma_wait3A_715] : memref<64x100000xf32, #tpu.memory_space<hbm>> -> memref<1x100000xf32, #tpu.memory_space<hbm>>
          %dma_wait3A_717 = tpu.memref_squeeze %dma_wait3A_716 : memref<1x100000xf32, #tpu.memory_space<hbm>> -> memref<100000xf32, #tpu.memory_space<hbm>>
          tpu.wait_dma2 semaphore(%run_scoped3A : memref<!tpu.dma_semaphore, #tpu.memory_space<semaphore_mem>>) src(%dma_wait3A_717 : memref<100000xf32, #tpu.memory_space<hbm>>) dst(%arg5 : memref<100000xf32, #tpu.memory_space<vmem>>)
          tpu.yield
        }) : () -> ()
      } else {
      }
      %add3A_319 = arith.constant 4 : i32
      %add3A_320 = arith.addi %add3A_294, %add3A_319 : i32
      %lt3A_321 = arith.constant 100 : i32
      %lt3A_322 = arith.cmpi slt, %add3A_320, %lt3A_321 : i32
      %convert_element_type3A_323 = arith.extui %lt3A_322 : i1 to i32
      %cond3A_324 = arith.constant 0 : i32
      %cond3A_325 = arith.cmpi ne, %convert_element_type3A_323, %cond3A_324 : i32
      scf.if %cond3A_325 {
        %add3A_706 = arith.constant 4 : i32
        %add3A_707 = arith.addi %add3A_294, %add3A_706 : i32
        %add3A_708 = arith.addi %add3A_707, %select_n3A : i32
        %ge3A_709 = arith.constant 100 : i32
        %ge3A_710 = arith.cmpi sge, %add3A_708, %ge3A_709 : i32
        %convert_element_type3A_711 = arith.extui %ge3A_710 : i1 to i32
        %mul3A_712 = arith.constant 100 : i32
        %mul3A_713 = arith.muli %mul3A_712, %convert_element_type3A_711 : i32
        %sub3A_714 = arith.subi %add3A_708, %mul3A_713 : i32
        %ge3A_715 = arith.constant 50 : i32
        %ge3A_716 = arith.cmpi sge, %sub3A_714, %ge3A_715 : i32
        %convert_element_type3A_717 = arith.extui %ge3A_716 : i1 to i32
        %mul3A_718 = arith.constant 50 : i32
        %mul3A_719 = arith.muli %mul3A_718, %convert_element_type3A_717 : i32
        %sub3A_720 = arith.subi %sub3A_714, %mul3A_719 : i32
        %dma_start3A_721 = arith.constant 0 : i32
        %dma_start3A_722 = tpu.memref_slice %arg3[%sub3A_720, %dma_start3A_721] : memref<50x4096xi32, #tpu.memory_space<hbm>> -> memref<1x4096xi32, #tpu.memory_space<hbm>>
        %dma_start3A_723 = tpu.memref_squeeze %dma_start3A_722 : memref<1x4096xi32, #tpu.memory_space<hbm>> -> memref<4096xi32, #tpu.memory_space<hbm>>
        %dma_start3A_724 = arith.constant 0 : i32
        %dma_start3A_725 = tpu.memref_slice %arg3[%sub3A_720, %dma_start3A_724] : memref<50x4096xi32, #tpu.memory_space<hbm>> -> memref<1x4096xi32, #tpu.memory_space<hbm>>
        %dma_start3A_726 = tpu.memref_squeeze %dma_start3A_725 : memref<1x4096xi32, #tpu.memory_space<hbm>> -> memref<4096xi32, #tpu.memory_space<hbm>>
        tpu.enqueue_dma source(%dma_start3A_726 : memref<4096xi32, #tpu.memory_space<hbm>>) target(%arg8 : memref<4096xi32, #tpu.memory_space<vmem>>) target_semaphore(%arg15 : memref<!tpu.dma_semaphore, #tpu.memory_space<semaphore_mem>>)
      } else {
      }
      %dma_wait3A_326 = arith.constant 0 : i32
      %dma_wait3A_327 = arith.constant 0 : i32
      %dma_wait3A_328 = tpu.memref_slice %arg3[%dma_wait3A_326, %dma_wait3A_327] : memref<50x4096xi32, #tpu.memory_space<hbm>> -> memref<1x4096xi32, #tpu.memory_space<hbm>>
      %dma_wait3A_329 = tpu.memref_squeeze %dma_wait3A_328 : memref<1x4096xi32, #tpu.memory_space<hbm>> -> memref<4096xi32, #tpu.memory_space<hbm>>
      %dma_wait3A_330 = arith.constant 0 : i32
      %dma_wait3A_331 = tpu.memref_slice %arg3[%dma_wait3A_326, %dma_wait3A_330] : memref<50x4096xi32, #tpu.memory_space<hbm>> -> memref<1x4096xi32, #tpu.memory_space<hbm>>
      %dma_wait3A_332 = tpu.memref_squeeze %dma_wait3A_331 : memref<1x4096xi32, #tpu.memory_space<hbm>> -> memref<4096xi32, #tpu.memory_space<hbm>>
      tpu.wait_dma2 semaphore(%arg16 : memref<!tpu.dma_semaphore, #tpu.memory_space<semaphore_mem>>) src(%dma_wait3A_332 : memref<4096xi32, #tpu.memory_space<hbm>>) dst(%arg9 : memref<4096xi32, #tpu.memory_space<vmem>>)
      %ge3A_333 = arith.constant 2 : i32
      %ge3A_334 = arith.cmpi sge, %add3A_294, %ge3A_333 : i32
      %convert_element_type3A_335 = arith.extui %ge3A_334 : i1 to i32
      %cond3A_336 = arith.constant 0 : i32
      %cond3A_337 = arith.cmpi ne, %convert_element_type3A_335, %cond3A_336 : i32
      scf.if %cond3A_337 {
        %dma_wait3A_706 = arith.constant 0 : i32
        %dma_wait3A_707 = arith.constant 0 : i32
        %dma_wait3A_708 = arith.constant 0 : i32
        %dma_wait3A_709 = tpu.memref_slice %arg4[%dma_wait3A_706, %dma_wait3A_707, %dma_wait3A_708] : memref<50x64x4096xf32, #tpu.memory_space<hbm>> -> memref<1x1x4096xf32, #tpu.memory_space<hbm>>
        %dma_wait3A_710 = tpu.memref_squeeze %dma_wait3A_709 : memref<1x1x4096xf32, #tpu.memory_space<hbm>> -> memref<4096xf32, #tpu.memory_space<hbm>>
        %dma_wait3A_711 = arith.constant 0 : i32
        %dma_wait3A_712 = tpu.memref_slice %arg4[%dma_wait3A_706, %dma_wait3A_707, %dma_wait3A_711] : memref<50x64x4096xf32, #tpu.memory_space<hbm>> -> memref<1x1x4096xf32, #tpu.memory_space<hbm>>
        %dma_wait3A_713 = tpu.memref_squeeze %dma_wait3A_712 : memref<1x1x4096xf32, #tpu.memory_space<hbm>> -> memref<4096xf32, #tpu.memory_space<hbm>>
        tpu.wait_dma2 semaphore(%arg19 : memref<!tpu.dma_semaphore, #tpu.memory_space<semaphore_mem>>) src(%arg12 : memref<4096xf32, #tpu.memory_space<vmem>>) dst(%dma_wait3A_713 : memref<4096xf32, #tpu.memory_space<hbm>>)
      } else {
      }
      %scan3A_338 = arith.constant 0 : i32
      %scan3A_339 = arith.constant 32 : i32
      %scan3A_340 = arith.addi %scan3A_338, %scan3A_339 : i32
      %scan3A_341 = arith.constant 1 : i32
      scf.for %scan3A_706 = %scan3A_338 to %scan3A_340 step %scan3A_341  : i32 {
        %mul3A_707 = arith.constant 1 : i32
        %mul3A_708 = arith.muli %scan3A_706, %mul3A_707 : i32
        %add3A_709 = arith.constant 0 : i32
        %add3A_710 = arith.addi %add3A_709, %mul3A_708 : i32
        %mul3A_711 = arith.constant 128 : i32
        %mul3A_712 = arith.muli %add3A_710, %mul3A_711 : i32
        %add3A_713 = arith.constant 0 : i32
        %add3A_714 = arith.addi %mul3A_712, %add3A_713 : i32
        %get3A = arith.index_cast %add3A_714 : i32 to index
        %get3A_715 = tpu.vector_load %arg9[%get3A] {strides = array<i32>} : memref<4096xi32, #tpu.memory_space<vmem>>, vector<16xi32>,
        %add3A_716 = arith.constant 16 : i32
        %add3A_717 = arith.addi %mul3A_712, %add3A_716 : i32
        %get3A_718 = arith.index_cast %add3A_717 : i32 to index
        %get3A_719 = tpu.vector_load %arg9[%get3A_718] {strides = array<i32>} : memref<4096xi32, #tpu.memory_space<vmem>>, vector<16xi32>,
        %add3A_720 = arith.constant 32 : i32
        %add3A_721 = arith.addi %mul3A_712, %add3A_720 : i32
        %get3A_722 = arith.index_cast %add3A_721 : i32 to index
        %get3A_723 = tpu.vector_load %arg9[%get3A_722] {strides = array<i32>} : memref<4096xi32, #tpu.memory_space<vmem>>, vector<16xi32>,
        %add3A_724 = arith.constant 48 : i32
        %add3A_725 = arith.addi %mul3A_712, %add3A_724 : i32
        %get3A_726 = arith.index_cast %add3A_725 : i32 to index
        %get3A_727 = tpu.vector_load %arg9[%get3A_726] {strides = array<i32>} : memref<4096xi32, #tpu.memory_space<vmem>>, vector<16xi32>,
        %add3A_728 = arith.constant 64 : i32
        %add3A_729 = arith.addi %mul3A_712, %add3A_728 : i32
        %get3A_730 = arith.index_cast %add3A_729 : i32 to index
        %get3A_731 = tpu.vector_load %arg9[%get3A_730] {strides = array<i32>} : memref<4096xi32, #tpu.memory_space<vmem>>, vector<16xi32>,
        %add3A_732 = arith.constant 80 : i32
        %add3A_733 = arith.addi %mul3A_712, %add3A_732 : i32
        %get3A_734 = arith.index_cast %add3A_733 : i32 to index
        %get3A_735 = tpu.vector_load %arg9[%get3A_734] {strides = array<i32>} : memref<4096xi32, #tpu.memory_space<vmem>>, vector<16xi32>,
        %add3A_736 = arith.constant 96 : i32
        %add3A_737 = arith.addi %mul3A_712, %add3A_736 : i32
        %get3A_738 = arith.index_cast %add3A_737 : i32 to index
        %get3A_739 = tpu.vector_load %arg9[%get3A_738] {strides = array<i32>} : memref<4096xi32, #tpu.memory_space<vmem>>, vector<16xi32>,
        %add3A_740 = arith.constant 112 : i32
        %add3A_741 = arith.addi %mul3A_712, %add3A_740 : i32
        %get3A_742 = arith.index_cast %add3A_741 : i32 to index
        %get3A_743 = tpu.vector_load %arg9[%get3A_742] {strides = array<i32>} : memref<4096xi32, #tpu.memory_space<vmem>>, vector<16xi32>,
        %gather3A = tpu.vector_load_idx %arg5[%get3A_715] : memref<100000xf32, #tpu.memory_space<vmem>>[vector<16xi32>], vector<16xf32>,
        %gather3A_744 = tpu.vector_load_idx %arg5[%get3A_719] : memref<100000xf32, #tpu.memory_space<vmem>>[vector<16xi32>], vector<16xf32>,
        %gather3A_745 = tpu.vector_load_idx %arg5[%get3A_723] : memref<100000xf32, #tpu.memory_space<vmem>>[vector<16xi32>], vector<16xf32>,
        %gather3A_746 = tpu.vector_load_idx %arg5[%get3A_727] : memref<100000xf32, #tpu.memory_space<vmem>>[vector<16xi32>], vector<16xf32>,
        %gather3A_747 = tpu.vector_load_idx %arg5[%get3A_731] : memref<100000xf32, #tpu.memory_space<vmem>>[vector<16xi32>], vector<16xf32>,
        %gather3A_748 = tpu.vector_load_idx %arg5[%get3A_735] : memref<100000xf32, #tpu.memory_space<vmem>>[vector<16xi32>], vector<16xf32>,
        %gather3A_749 = tpu.vector_load_idx %arg5[%get3A_739] : memref<100000xf32, #tpu.memory_space<vmem>>[vector<16xi32>], vector<16xf32>,
        %gather3A_750 = tpu.vector_load_idx %arg5[%get3A_743] : memref<100000xf32, #tpu.memory_space<vmem>>[vector<16xi32>], vector<16xf32>,
        %add3A_751 = arith.constant 0 : i32
        %add3A_752 = arith.addi %mul3A_712, %add3A_751 : i32
        %swap3A = arith.index_cast %add3A_752 : i32 to index
        %swap3A_753 = tpu.vector_load %arg12[%swap3A] {strides = array<i32>} : memref<4096xf32, #tpu.memory_space<vmem>>, vector<16xf32>,
        tpu.vector_store %arg12[%swap3A], %gather3A {strides = array<i32>} : memref<4096xf32, #tpu.memory_space<vmem>>, vector<16xf32>,
        %add3A_754 = arith.constant 16 : i32
        %add3A_755 = arith.addi %mul3A_712, %add3A_754 : i32
        %swap3A_756 = arith.index_cast %add3A_755 : i32 to index
        %swap3A_757 = tpu.vector_load %arg12[%swap3A_756] {strides = array<i32>} : memref<4096xf32, #tpu.memory_space<vmem>>, vector<16xf32>,
        tpu.vector_store %arg12[%swap3A_756], %gather3A_744 {strides = array<i32>} : memref<4096xf32, #tpu.memory_space<vmem>>, vector<16xf32>,
        %add3A_758 = arith.constant 32 : i32
        %add3A_759 = arith.addi %mul3A_712, %add3A_758 : i32
        %swap3A_760 = arith.index_cast %add3A_759 : i32 to index
        %swap3A_761 = tpu.vector_load %arg12[%swap3A_760] {strides = array<i32>} : memref<4096xf32, #tpu.memory_space<vmem>>, vector<16xf32>,
        tpu.vector_store %arg12[%swap3A_760], %gather3A_745 {strides = array<i32>} : memref<4096xf32, #tpu.memory_space<vmem>>, vector<16xf32>,
        %add3A_762 = arith.constant 48 : i32
        %add3A_763 = arith.addi %mul3A_712, %add3A_762 : i32
        %swap3A_764 = arith.index_cast %add3A_763 : i32 to index
        %swap3A_765 = tpu.vector_load %arg12[%swap3A_764] {strides = array<i32>} : memref<4096xf32, #tpu.memory_space<vmem>>, vector<16xf32>,
        tpu.vector_store %arg12[%swap3A_764], %gather3A_746 {strides = array<i32>} : memref<4096xf32, #tpu.memory_space<vmem>>, vector<16xf32>,
        %add3A_766 = arith.constant 64 : i32
        %add3A_767 = arith.addi %mul3A_712, %add3A_766 : i32
        %swap3A_768 = arith.index_cast %add3A_767 : i32 to index
        %swap3A_769 = tpu.vector_load %arg12[%swap3A_768] {strides = array<i32>} : memref<4096xf32, #tpu.memory_space<vmem>>, vector<16xf32>,
        tpu.vector_store %arg12[%swap3A_768], %gather3A_747 {strides = array<i32>} : memref<4096xf32, #tpu.memory_space<vmem>>, vector<16xf32>,
        %add3A_770 = arith.constant 80 : i32
        %add3A_771 = arith.addi %mul3A_712, %add3A_770 : i32
        %swap3A_772 = arith.index_cast %add3A_771 : i32 to index
        %swap3A_773 = tpu.vector_load %arg12[%swap3A_772] {strides = array<i32>} : memref<4096xf32, #tpu.memory_space<vmem>>, vector<16xf32>,
        tpu.vector_store %arg12[%swap3A_772], %gather3A_748 {strides = array<i32>} : memref<4096xf32, #tpu.memory_space<vmem>>, vector<16xf32>,
        %add3A_774 = arith.constant 96 : i32
        %add3A_775 = arith.addi %mul3A_712, %add3A_774 : i32
        %swap3A_776 = arith.index_cast %add3A_775 : i32 to index
        %swap3A_777 = tpu.vector_load %arg12[%swap3A_776] {strides = array<i32>} : memref<4096xf32, #tpu.memory_space<vmem>>, vector<16xf32>,
        tpu.vector_store %arg12[%swap3A_776], %gather3A_749 {strides = array<i32>} : memref<4096xf32, #tpu.memory_space<vmem>>, vector<16xf32>,
        %add3A_778 = arith.constant 112 : i32
        %add3A_779 = arith.addi %mul3A_712, %add3A_778 : i32
        %swap3A_780 = arith.index_cast %add3A_779 : i32 to index
        %swap3A_781 = tpu.vector_load %arg12[%swap3A_780] {strides = array<i32>} : memref<4096xf32, #tpu.memory_space<vmem>>, vector<16xf32>,
        tpu.vector_store %arg12[%swap3A_780], %gather3A_750 {strides = array<i32>} : memref<4096xf32, #tpu.memory_space<vmem>>, vector<16xf32>,
      }
      %scan3A_342 = arith.constant 32 : i32
      %mul3A_343 = arith.constant 50 : i32
      %mul3A_344 = arith.muli %mul3A_343, %convert_element_type3A_304 : i32
      %sub3A_345 = arith.subi %sub3A_301, %mul3A_344 : i32
      %dma_start3A_346 = arith.constant 0 : i32
      %dma_start3A_347 = tpu.memref_slice %arg4[%sub3A_345, %add3A_307, %dma_start3A_346] : memref<50x64x4096xf32, #tpu.memory_space<hbm>> -> memref<1x1x4096xf32, #tpu.memory_space<hbm>>
      %dma_start3A_348 = tpu.memref_squeeze %dma_start3A_347 : memref<1x1x4096xf32, #tpu.memory_space<hbm>> -> memref<4096xf32, #tpu.memory_space<hbm>>
      %dma_start3A_349 = arith.constant 0 : i32
      %dma_start3A_350 = tpu.memref_slice %arg4[%sub3A_345, %add3A_307, %dma_start3A_349] : memref<50x64x4096xf32, #tpu.memory_space<hbm>> -> memref<1x1x4096xf32, #tpu.memory_space<hbm>>
      %dma_start3A_351 = tpu.memref_squeeze %dma_start3A_350 : memref<1x1x4096xf32, #tpu.memory_space<hbm>> -> memref<4096xf32, #tpu.memory_space<hbm>>
      tpu.enqueue_dma source(%arg12 : memref<4096xf32, #tpu.memory_space<vmem>>) target(%dma_start3A_351 : memref<4096xf32, #tpu.memory_space<hbm>>) target_semaphore(%arg19 : memref<!tpu.dma_semaphore, #tpu.memory_space<semaphore_mem>>)
      %add3A_352 = arith.constant 4 : i32
      %add3A_353 = arith.addi %add3A_119, %add3A_352 : i32
      %add3A_354 = arith.addi %add3A_353, %select_n3A : i32
      %ge3A_355 = arith.constant 100 : i32
      %ge3A_356 = arith.cmpi sge, %add3A_354, %ge3A_355 : i32
      %convert_element_type3A_357 = arith.extui %ge3A_356 : i1 to i32
      %mul3A_358 = arith.constant 100 : i32
      %mul3A_359 = arith.muli %mul3A_358, %convert_element_type3A_357 : i32
      %sub3A_360 = arith.subi %add3A_354, %mul3A_359 : i32
      %ge3A_361 = arith.constant 50 : i32
      %ge3A_362 = arith.cmpi sge, %sub3A_360, %ge3A_361 : i32
      %convert_element_type3A_363 = arith.extui %ge3A_362 : i1 to i32
      %mul3A_364 = arith.constant 32 : i32
      %mul3A_365 = arith.muli %mul3A_364, %convert_element_type3A_363 : i32
      %add3A_366 = arith.addi %add3A, %mul3A_365 : i32
      %eq3A_367 = arith.constant 0 : i32
      %eq3A_368 = arith.cmpi eq, %add3A_353, %eq3A_367 : i32
      %mul3A_369 = arith.constant 50 : i32
      %mul3A_370 = arith.muli %mul3A_369, %convert_element_type3A_363 : i32
      %sub3A_371 = arith.subi %sub3A_360, %mul3A_370 : i32
      %eq3A_372 = arith.constant 0 : i32
      %eq3A_373 = arith.cmpi eq, %sub3A_371, %eq3A_372 : i32
      %or3A_374 = arith.ori %eq3A_368, %eq3A_373 : i1
      %convert_element_type3A_375 = arith.extui %or3A_374 : i1 to i32
      %cond3A_376 = arith.constant 0 : i32
      %cond3A_377 = arith.cmpi ne, %convert_element_type3A_375, %cond3A_376 : i32
      scf.if %cond3A_377 {
        "tpu.region"() ({
          %run_scoped3A = tpu.sem_alloc : memref<!tpu.dma_semaphore, #tpu.memory_space<semaphore_mem>>
          %dma_start3A_706 = arith.constant 0 : i32
          %dma_start3A_707 = tpu.memref_slice %arg2[%add3A_366, %dma_start3A_706] : memref<64x100000xf32, #tpu.memory_space<hbm>> -> memref<1x100000xf32, #tpu.memory_space<hbm>>
          %dma_start3A_708 = tpu.memref_squeeze %dma_start3A_707 : memref<1x100000xf32, #tpu.memory_space<hbm>> -> memref<100000xf32, #tpu.memory_space<hbm>>
          %dma_start3A_709 = arith.constant 0 : i32
          %dma_start3A_710 = tpu.memref_slice %arg2[%add3A_366, %dma_start3A_709] : memref<64x100000xf32, #tpu.memory_space<hbm>> -> memref<1x100000xf32, #tpu.memory_space<hbm>>
          %dma_start3A_711 = tpu.memref_squeeze %dma_start3A_710 : memref<1x100000xf32, #tpu.memory_space<hbm>> -> memref<100000xf32, #tpu.memory_space<hbm>>
          tpu.enqueue_dma source(%dma_start3A_711 : memref<100000xf32, #tpu.memory_space<hbm>>) target(%arg5 : memref<100000xf32, #tpu.memory_space<vmem>>) target_semaphore(%run_scoped3A : memref<!tpu.dma_semaphore, #tpu.memory_space<semaphore_mem>>)
          %dma_wait3A_712 = arith.constant 0 : i32
          %dma_wait3A_713 = tpu.memref_slice %arg2[%add3A_366, %dma_wait3A_712] : memref<64x100000xf32, #tpu.memory_space<hbm>> -> memref<1x100000xf32, #tpu.memory_space<hbm>>
          %dma_wait3A_714 = tpu.memref_squeeze %dma_wait3A_713 : memref<1x100000xf32, #tpu.memory_space<hbm>> -> memref<100000xf32, #tpu.memory_space<hbm>>
          %dma_wait3A_715 = arith.constant 0 : i32
          %dma_wait3A_716 = tpu.memref_slice %arg2[%add3A_366, %dma_wait3A_715] : memref<64x100000xf32, #tpu.memory_space<hbm>> -> memref<1x100000xf32, #tpu.memory_space<hbm>>
          %dma_wait3A_717 = tpu.memref_squeeze %dma_wait3A_716 : memref<1x100000xf32, #tpu.memory_space<hbm>> -> memref<100000xf32, #tpu.memory_space<hbm>>
          tpu.wait_dma2 semaphore(%run_scoped3A : memref<!tpu.dma_semaphore, #tpu.memory_space<semaphore_mem>>) src(%dma_wait3A_717 : memref<100000xf32, #tpu.memory_space<hbm>>) dst(%arg5 : memref<100000xf32, #tpu.memory_space<vmem>>)
          tpu.yield
        }) : () -> ()
      } else {
      }
      %add3A_378 = arith.constant 4 : i32
      %add3A_379 = arith.addi %add3A_353, %add3A_378 : i32
      %lt3A_380 = arith.constant 100 : i32
      %lt3A_381 = arith.cmpi slt, %add3A_379, %lt3A_380 : i32
      %convert_element_type3A_382 = arith.extui %lt3A_381 : i1 to i32
      %cond3A_383 = arith.constant 0 : i32
      %cond3A_384 = arith.cmpi ne, %convert_element_type3A_382, %cond3A_383 : i32
      scf.if %cond3A_384 {
        %add3A_706 = arith.constant 4 : i32
        %add3A_707 = arith.addi %add3A_353, %add3A_706 : i32
        %add3A_708 = arith.addi %add3A_707, %select_n3A : i32
        %ge3A_709 = arith.constant 100 : i32
        %ge3A_710 = arith.cmpi sge, %add3A_708, %ge3A_709 : i32
        %convert_element_type3A_711 = arith.extui %ge3A_710 : i1 to i32
        %mul3A_712 = arith.constant 100 : i32
        %mul3A_713 = arith.muli %mul3A_712, %convert_element_type3A_711 : i32
        %sub3A_714 = arith.subi %add3A_708, %mul3A_713 : i32
        %ge3A_715 = arith.constant 50 : i32
        %ge3A_716 = arith.cmpi sge, %sub3A_714, %ge3A_715 : i32
        %convert_element_type3A_717 = arith.extui %ge3A_716 : i1 to i32
        %mul3A_718 = arith.constant 50 : i32
        %mul3A_719 = arith.muli %mul3A_718, %convert_element_type3A_717 : i32
        %sub3A_720 = arith.subi %sub3A_714, %mul3A_719 : i32
        %dma_start3A_721 = arith.constant 0 : i32
        %dma_start3A_722 = tpu.memref_slice %arg3[%sub3A_720, %dma_start3A_721] : memref<50x4096xi32, #tpu.memory_space<hbm>> -> memref<1x4096xi32, #tpu.memory_space<hbm>>
        %dma_start3A_723 = tpu.memref_squeeze %dma_start3A_722 : memref<1x4096xi32, #tpu.memory_space<hbm>> -> memref<4096xi32, #tpu.memory_space<hbm>>
        %dma_start3A_724 = arith.constant 0 : i32
        %dma_start3A_725 = tpu.memref_slice %arg3[%sub3A_720, %dma_start3A_724] : memref<50x4096xi32, #tpu.memory_space<hbm>> -> memref<1x4096xi32, #tpu.memory_space<hbm>>
        %dma_start3A_726 = tpu.memref_squeeze %dma_start3A_725 : memref<1x4096xi32, #tpu.memory_space<hbm>> -> memref<4096xi32, #tpu.memory_space<hbm>>
        tpu.enqueue_dma source(%dma_start3A_726 : memref<4096xi32, #tpu.memory_space<hbm>>) target(%arg9 : memref<4096xi32, #tpu.memory_space<vmem>>) target_semaphore(%arg16 : memref<!tpu.dma_semaphore, #tpu.memory_space<semaphore_mem>>)
      } else {
      }
      %dma_wait3A_385 = arith.constant 0 : i32
      %dma_wait3A_386 = arith.constant 0 : i32
      %dma_wait3A_387 = tpu.memref_slice %arg3[%dma_wait3A_385, %dma_wait3A_386] : memref<50x4096xi32, #tpu.memory_space<hbm>> -> memref<1x4096xi32, #tpu.memory_space<hbm>>
      %dma_wait3A_388 = tpu.memref_squeeze %dma_wait3A_387 : memref<1x4096xi32, #tpu.memory_space<hbm>> -> memref<4096xi32, #tpu.memory_space<hbm>>
      %dma_wait3A_389 = arith.constant 0 : i32
      %dma_wait3A_390 = tpu.memref_slice %arg3[%dma_wait3A_385, %dma_wait3A_389] : memref<50x4096xi32, #tpu.memory_space<hbm>> -> memref<1x4096xi32, #tpu.memory_space<hbm>>
      %dma_wait3A_391 = tpu.memref_squeeze %dma_wait3A_390 : memref<1x4096xi32, #tpu.memory_space<hbm>> -> memref<4096xi32, #tpu.memory_space<hbm>>
      tpu.wait_dma2 semaphore(%arg17 : memref<!tpu.dma_semaphore, #tpu.memory_space<semaphore_mem>>) src(%dma_wait3A_391 : memref<4096xi32, #tpu.memory_space<hbm>>) dst(%arg10 : memref<4096xi32, #tpu.memory_space<vmem>>)
      %ge3A_392 = arith.constant 2 : i32
      %ge3A_393 = arith.cmpi sge, %add3A_353, %ge3A_392 : i32
      %convert_element_type3A_394 = arith.extui %ge3A_393 : i1 to i32
      %cond3A_395 = arith.constant 0 : i32
      %cond3A_396 = arith.cmpi ne, %convert_element_type3A_394, %cond3A_395 : i32
      scf.if %cond3A_396 {
        %dma_wait3A_706 = arith.constant 0 : i32
        %dma_wait3A_707 = arith.constant 0 : i32
        %dma_wait3A_708 = arith.constant 0 : i32
        %dma_wait3A_709 = tpu.memref_slice %arg4[%dma_wait3A_706, %dma_wait3A_707, %dma_wait3A_708] : memref<50x64x4096xf32, #tpu.memory_space<hbm>> -> memref<1x1x4096xf32, #tpu.memory_space<hbm>>
        %dma_wait3A_710 = tpu.memref_squeeze %dma_wait3A_709 : memref<1x1x4096xf32, #tpu.memory_space<hbm>> -> memref<4096xf32, #tpu.memory_space<hbm>>
        %dma_wait3A_711 = arith.constant 0 : i32
        %dma_wait3A_712 = tpu.memref_slice %arg4[%dma_wait3A_706, %dma_wait3A_707, %dma_wait3A_711] : memref<50x64x4096xf32, #tpu.memory_space<hbm>> -> memref<1x1x4096xf32, #tpu.memory_space<hbm>>
        %dma_wait3A_713 = tpu.memref_squeeze %dma_wait3A_712 : memref<1x1x4096xf32, #tpu.memory_space<hbm>> -> memref<4096xf32, #tpu.memory_space<hbm>>
        tpu.wait_dma2 semaphore(%arg18 : memref<!tpu.dma_semaphore, #tpu.memory_space<semaphore_mem>>) src(%arg11 : memref<4096xf32, #tpu.memory_space<vmem>>) dst(%dma_wait3A_713 : memref<4096xf32, #tpu.memory_space<hbm>>)
      } else {
      }
      %scan3A_397 = arith.constant 0 : i32
      %scan3A_398 = arith.constant 32 : i32
      %scan3A_399 = arith.addi %scan3A_397, %scan3A_398 : i32
      %scan3A_400 = arith.constant 1 : i32
      scf.for %scan3A_706 = %scan3A_397 to %scan3A_399 step %scan3A_400  : i32 {
        %mul3A_707 = arith.constant 1 : i32
        %mul3A_708 = arith.muli %scan3A_706, %mul3A_707 : i32
        %add3A_709 = arith.constant 0 : i32
        %add3A_710 = arith.addi %add3A_709, %mul3A_708 : i32
        %mul3A_711 = arith.constant 128 : i32
        %mul3A_712 = arith.muli %add3A_710, %mul3A_711 : i32
        %add3A_713 = arith.constant 0 : i32
        %add3A_714 = arith.addi %mul3A_712, %add3A_713 : i32
        %get3A = arith.index_cast %add3A_714 : i32 to index
        %get3A_715 = tpu.vector_load %arg10[%get3A] {strides = array<i32>} : memref<4096xi32, #tpu.memory_space<vmem>>, vector<16xi32>,
        %add3A_716 = arith.constant 16 : i32
        %add3A_717 = arith.addi %mul3A_712, %add3A_716 : i32
        %get3A_718 = arith.index_cast %add3A_717 : i32 to index
        %get3A_719 = tpu.vector_load %arg10[%get3A_718] {strides = array<i32>} : memref<4096xi32, #tpu.memory_space<vmem>>, vector<16xi32>,
        %add3A_720 = arith.constant 32 : i32
        %add3A_721 = arith.addi %mul3A_712, %add3A_720 : i32
        %get3A_722 = arith.index_cast %add3A_721 : i32 to index
        %get3A_723 = tpu.vector_load %arg10[%get3A_722] {strides = array<i32>} : memref<4096xi32, #tpu.memory_space<vmem>>, vector<16xi32>,
        %add3A_724 = arith.constant 48 : i32
        %add3A_725 = arith.addi %mul3A_712, %add3A_724 : i32
        %get3A_726 = arith.index_cast %add3A_725 : i32 to index
        %get3A_727 = tpu.vector_load %arg10[%get3A_726] {strides = array<i32>} : memref<4096xi32, #tpu.memory_space<vmem>>, vector<16xi32>,
        %add3A_728 = arith.constant 64 : i32
        %add3A_729 = arith.addi %mul3A_712, %add3A_728 : i32
        %get3A_730 = arith.index_cast %add3A_729 : i32 to index
        %get3A_731 = tpu.vector_load %arg10[%get3A_730] {strides = array<i32>} : memref<4096xi32, #tpu.memory_space<vmem>>, vector<16xi32>,
        %add3A_732 = arith.constant 80 : i32
        %add3A_733 = arith.addi %mul3A_712, %add3A_732 : i32
        %get3A_734 = arith.index_cast %add3A_733 : i32 to index
        %get3A_735 = tpu.vector_load %arg10[%get3A_734] {strides = array<i32>} : memref<4096xi32, #tpu.memory_space<vmem>>, vector<16xi32>,
        %add3A_736 = arith.constant 96 : i32
        %add3A_737 = arith.addi %mul3A_712, %add3A_736 : i32
        %get3A_738 = arith.index_cast %add3A_737 : i32 to index
        %get3A_739 = tpu.vector_load %arg10[%get3A_738] {strides = array<i32>} : memref<4096xi32, #tpu.memory_space<vmem>>, vector<16xi32>,
        %add3A_740 = arith.constant 112 : i32
        %add3A_741 = arith.addi %mul3A_712, %add3A_740 : i32
        %get3A_742 = arith.index_cast %add3A_741 : i32 to index
        %get3A_743 = tpu.vector_load %arg10[%get3A_742] {strides = array<i32>} : memref<4096xi32, #tpu.memory_space<vmem>>, vector<16xi32>,
        %gather3A = tpu.vector_load_idx %arg5[%get3A_715] : memref<100000xf32, #tpu.memory_space<vmem>>[vector<16xi32>], vector<16xf32>,
        %gather3A_744 = tpu.vector_load_idx %arg5[%get3A_719] : memref<100000xf32, #tpu.memory_space<vmem>>[vector<16xi32>], vector<16xf32>,
        %gather3A_745 = tpu.vector_load_idx %arg5[%get3A_723] : memref<100000xf32, #tpu.memory_space<vmem>>[vector<16xi32>], vector<16xf32>,
        %gather3A_746 = tpu.vector_load_idx %arg5[%get3A_727] : memref<100000xf32, #tpu.memory_space<vmem>>[vector<16xi32>], vector<16xf32>,
        %gather3A_747 = tpu.vector_load_idx %arg5[%get3A_731] : memref<100000xf32, #tpu.memory_space<vmem>>[vector<16xi32>], vector<16xf32>,
        %gather3A_748 = tpu.vector_load_idx %arg5[%get3A_735] : memref<100000xf32, #tpu.memory_space<vmem>>[vector<16xi32>], vector<16xf32>,
        %gather3A_749 = tpu.vector_load_idx %arg5[%get3A_739] : memref<100000xf32, #tpu.memory_space<vmem>>[vector<16xi32>], vector<16xf32>,
        %gather3A_750 = tpu.vector_load_idx %arg5[%get3A_743] : memref<100000xf32, #tpu.memory_space<vmem>>[vector<16xi32>], vector<16xf32>,
        %add3A_751 = arith.constant 0 : i32
        %add3A_752 = arith.addi %mul3A_712, %add3A_751 : i32
        %swap3A = arith.index_cast %add3A_752 : i32 to index
        %swap3A_753 = tpu.vector_load %arg11[%swap3A] {strides = array<i32>} : memref<4096xf32, #tpu.memory_space<vmem>>, vector<16xf32>,
        tpu.vector_store %arg11[%swap3A], %gather3A {strides = array<i32>} : memref<4096xf32, #tpu.memory_space<vmem>>, vector<16xf32>,
        %add3A_754 = arith.constant 16 : i32
        %add3A_755 = arith.addi %mul3A_712, %add3A_754 : i32
        %swap3A_756 = arith.index_cast %add3A_755 : i32 to index
        %swap3A_757 = tpu.vector_load %arg11[%swap3A_756] {strides = array<i32>} : memref<4096xf32, #tpu.memory_space<vmem>>, vector<16xf32>,
        tpu.vector_store %arg11[%swap3A_756], %gather3A_744 {strides = array<i32>} : memref<4096xf32, #tpu.memory_space<vmem>>, vector<16xf32>,
        %add3A_758 = arith.constant 32 : i32
        %add3A_759 = arith.addi %mul3A_712, %add3A_758 : i32
        %swap3A_760 = arith.index_cast %add3A_759 : i32 to index
        %swap3A_761 = tpu.vector_load %arg11[%swap3A_760] {strides = array<i32>} : memref<4096xf32, #tpu.memory_space<vmem>>, vector<16xf32>,
        tpu.vector_store %arg11[%swap3A_760], %gather3A_745 {strides = array<i32>} : memref<4096xf32, #tpu.memory_space<vmem>>, vector<16xf32>,
        %add3A_762 = arith.constant 48 : i32
        %add3A_763 = arith.addi %mul3A_712, %add3A_762 : i32
        %swap3A_764 = arith.index_cast %add3A_763 : i32 to index
        %swap3A_765 = tpu.vector_load %arg11[%swap3A_764] {strides = array<i32>} : memref<4096xf32, #tpu.memory_space<vmem>>, vector<16xf32>,
        tpu.vector_store %arg11[%swap3A_764], %gather3A_746 {strides = array<i32>} : memref<4096xf32, #tpu.memory_space<vmem>>, vector<16xf32>,
        %add3A_766 = arith.constant 64 : i32
        %add3A_767 = arith.addi %mul3A_712, %add3A_766 : i32
        %swap3A_768 = arith.index_cast %add3A_767 : i32 to index
        %swap3A_769 = tpu.vector_load %arg11[%swap3A_768] {strides = array<i32>} : memref<4096xf32, #tpu.memory_space<vmem>>, vector<16xf32>,
        tpu.vector_store %arg11[%swap3A_768], %gather3A_747 {strides = array<i32>} : memref<4096xf32, #tpu.memory_space<vmem>>, vector<16xf32>,
        %add3A_770 = arith.constant 80 : i32
        %add3A_771 = arith.addi %mul3A_712, %add3A_770 : i32
        %swap3A_772 = arith.index_cast %add3A_771 : i32 to index
        %swap3A_773 = tpu.vector_load %arg11[%swap3A_772] {strides = array<i32>} : memref<4096xf32, #tpu.memory_space<vmem>>, vector<16xf32>,
        tpu.vector_store %arg11[%swap3A_772], %gather3A_748 {strides = array<i32>} : memref<4096xf32, #tpu.memory_space<vmem>>, vector<16xf32>,
        %add3A_774 = arith.constant 96 : i32
        %add3A_775 = arith.addi %mul3A_712, %add3A_774 : i32
        %swap3A_776 = arith.index_cast %add3A_775 : i32 to index
        %swap3A_777 = tpu.vector_load %arg11[%swap3A_776] {strides = array<i32>} : memref<4096xf32, #tpu.memory_space<vmem>>, vector<16xf32>,
        tpu.vector_store %arg11[%swap3A_776], %gather3A_749 {strides = array<i32>} : memref<4096xf32, #tpu.memory_space<vmem>>, vector<16xf32>,
        %add3A_778 = arith.constant 112 : i32
        %add3A_779 = arith.addi %mul3A_712, %add3A_778 : i32
        %swap3A_780 = arith.index_cast %add3A_779 : i32 to index
        %swap3A_781 = tpu.vector_load %arg11[%swap3A_780] {strides = array<i32>} : memref<4096xf32, #tpu.memory_space<vmem>>, vector<16xf32>,
        tpu.vector_store %arg11[%swap3A_780], %gather3A_750 {strides = array<i32>} : memref<4096xf32, #tpu.memory_space<vmem>>, vector<16xf32>,
      }
      %scan3A_401 = arith.constant 32 : i32
      %mul3A_402 = arith.constant 50 : i32
      %mul3A_403 = arith.muli %mul3A_402, %convert_element_type3A_363 : i32
      %sub3A_404 = arith.subi %sub3A_360, %mul3A_403 : i32
      %dma_start3A_405 = arith.constant 0 : i32
      %dma_start3A_406 = tpu.memref_slice %arg4[%sub3A_404, %add3A_366, %dma_start3A_405] : memref<50x64x4096xf32, #tpu.memory_space<hbm>> -> memref<1x1x4096xf32, #tpu.memory_space<hbm>>
      %dma_start3A_407 = tpu.memref_squeeze %dma_start3A_406 : memref<1x1x4096xf32, #tpu.memory_space<hbm>> -> memref<4096xf32, #tpu.memory_space<hbm>>
      %dma_start3A_408 = arith.constant 0 : i32
      %dma_start3A_409 = tpu.memref_slice %arg4[%sub3A_404, %add3A_366, %dma_start3A_408] : memref<50x64x4096xf32, #tpu.memory_space<hbm>> -> memref<1x1x4096xf32, #tpu.memory_space<hbm>>
      %dma_start3A_410 = tpu.memref_squeeze %dma_start3A_409 : memref<1x1x4096xf32, #tpu.memory_space<hbm>> -> memref<4096xf32, #tpu.memory_space<hbm>>
      tpu.enqueue_dma source(%arg11 : memref<4096xf32, #tpu.memory_space<vmem>>) target(%dma_start3A_410 : memref<4096xf32, #tpu.memory_space<hbm>>) target_semaphore(%arg18 : memref<!tpu.dma_semaphore, #tpu.memory_space<semaphore_mem>>)
      %add3A_411 = arith.constant 5 : i32
      %add3A_412 = arith.addi %add3A_119, %add3A_411 : i32
      %add3A_413 = arith.addi %add3A_412, %select_n3A : i32
      %ge3A_414 = arith.constant 100 : i32
      %ge3A_415 = arith.cmpi sge, %add3A_413, %ge3A_414 : i32
      %convert_element_type3A_416 = arith.extui %ge3A_415 : i1 to i32
      %mul3A_417 = arith.constant 100 : i32
      %mul3A_418 = arith.muli %mul3A_417, %convert_element_type3A_416 : i32
      %sub3A_419 = arith.subi %add3A_413, %mul3A_418 : i32
      %ge3A_420 = arith.constant 50 : i32
      %ge3A_421 = arith.cmpi sge, %sub3A_419, %ge3A_420 : i32
      %convert_element_type3A_422 = arith.extui %ge3A_421 : i1 to i32
      %mul3A_423 = arith.constant 32 : i32
      %mul3A_424 = arith.muli %mul3A_423, %convert_element_type3A_422 : i32
      %add3A_425 = arith.addi %add3A, %mul3A_424 : i32
      %eq3A_426 = arith.constant 0 : i32
      %eq3A_427 = arith.cmpi eq, %add3A_412, %eq3A_426 : i32
      %mul3A_428 = arith.constant 50 : i32
      %mul3A_429 = arith.muli %mul3A_428, %convert_element_type3A_422 : i32
      %sub3A_430 = arith.subi %sub3A_419, %mul3A_429 : i32
      %eq3A_431 = arith.constant 0 : i32
      %eq3A_432 = arith.cmpi eq, %sub3A_430, %eq3A_431 : i32
      %or3A_433 = arith.ori %eq3A_427, %eq3A_432 : i1
      %convert_element_type3A_434 = arith.extui %or3A_433 : i1 to i32
      %cond3A_435 = arith.constant 0 : i32
      %cond3A_436 = arith.cmpi ne, %convert_element_type3A_434, %cond3A_435 : i32
      scf.if %cond3A_436 {
        "tpu.region"() ({
          %run_scoped3A = tpu.sem_alloc : memref<!tpu.dma_semaphore, #tpu.memory_space<semaphore_mem>>
          %dma_start3A_706 = arith.constant 0 : i32
          %dma_start3A_707 = tpu.memref_slice %arg2[%add3A_425, %dma_start3A_706] : memref<64x100000xf32, #tpu.memory_space<hbm>> -> memref<1x100000xf32, #tpu.memory_space<hbm>>
          %dma_start3A_708 = tpu.memref_squeeze %dma_start3A_707 : memref<1x100000xf32, #tpu.memory_space<hbm>> -> memref<100000xf32, #tpu.memory_space<hbm>>
          %dma_start3A_709 = arith.constant 0 : i32
          %dma_start3A_710 = tpu.memref_slice %arg2[%add3A_425, %dma_start3A_709] : memref<64x100000xf32, #tpu.memory_space<hbm>> -> memref<1x100000xf32, #tpu.memory_space<hbm>>
          %dma_start3A_711 = tpu.memref_squeeze %dma_start3A_710 : memref<1x100000xf32, #tpu.memory_space<hbm>> -> memref<100000xf32, #tpu.memory_space<hbm>>
          tpu.enqueue_dma source(%dma_start3A_711 : memref<100000xf32, #tpu.memory_space<hbm>>) target(%arg5 : memref<100000xf32, #tpu.memory_space<vmem>>) target_semaphore(%run_scoped3A : memref<!tpu.dma_semaphore, #tpu.memory_space<semaphore_mem>>)
          %dma_wait3A_712 = arith.constant 0 : i32
          %dma_wait3A_713 = tpu.memref_slice %arg2[%add3A_425, %dma_wait3A_712] : memref<64x100000xf32, #tpu.memory_space<hbm>> -> memref<1x100000xf32, #tpu.memory_space<hbm>>
          %dma_wait3A_714 = tpu.memref_squeeze %dma_wait3A_713 : memref<1x100000xf32, #tpu.memory_space<hbm>> -> memref<100000xf32, #tpu.memory_space<hbm>>
          %dma_wait3A_715 = arith.constant 0 : i32
          %dma_wait3A_716 = tpu.memref_slice %arg2[%add3A_425, %dma_wait3A_715] : memref<64x100000xf32, #tpu.memory_space<hbm>> -> memref<1x100000xf32, #tpu.memory_space<hbm>>
          %dma_wait3A_717 = tpu.memref_squeeze %dma_wait3A_716 : memref<1x100000xf32, #tpu.memory_space<hbm>> -> memref<100000xf32, #tpu.memory_space<hbm>>
          tpu.wait_dma2 semaphore(%run_scoped3A : memref<!tpu.dma_semaphore, #tpu.memory_space<semaphore_mem>>) src(%dma_wait3A_717 : memref<100000xf32, #tpu.memory_space<hbm>>) dst(%arg5 : memref<100000xf32, #tpu.memory_space<vmem>>)
          tpu.yield
        }) : () -> ()
      } else {
      }
      %add3A_437 = arith.constant 4 : i32
      %add3A_438 = arith.addi %add3A_412, %add3A_437 : i32
      %lt3A_439 = arith.constant 100 : i32
      %lt3A_440 = arith.cmpi slt, %add3A_438, %lt3A_439 : i32
      %convert_element_type3A_441 = arith.extui %lt3A_440 : i1 to i32
      %cond3A_442 = arith.constant 0 : i32
      %cond3A_443 = arith.cmpi ne, %convert_element_type3A_441, %cond3A_442 : i32
      scf.if %cond3A_443 {
        %add3A_706 = arith.constant 4 : i32
        %add3A_707 = arith.addi %add3A_412, %add3A_706 : i32
        %add3A_708 = arith.addi %add3A_707, %select_n3A : i32
        %ge3A_709 = arith.constant 100 : i32
        %ge3A_710 = arith.cmpi sge, %add3A_708, %ge3A_709 : i32
        %convert_element_type3A_711 = arith.extui %ge3A_710 : i1 to i32
        %mul3A_712 = arith.constant 100 : i32
        %mul3A_713 = arith.muli %mul3A_712, %convert_element_type3A_711 : i32
        %sub3A_714 = arith.subi %add3A_708, %mul3A_713 : i32
        %ge3A_715 = arith.constant 50 : i32
        %ge3A_716 = arith.cmpi sge, %sub3A_714, %ge3A_715 : i32
        %convert_element_type3A_717 = arith.extui %ge3A_716 : i1 to i32
        %mul3A_718 = arith.constant 50 : i32
        %mul3A_719 = arith.muli %mul3A_718, %convert_element_type3A_717 : i32
        %sub3A_720 = arith.subi %sub3A_714, %mul3A_719 : i32
        %dma_start3A_721 = arith.constant 0 : i32
        %dma_start3A_722 = tpu.memref_slice %arg3[%sub3A_720, %dma_start3A_721] : memref<50x4096xi32, #tpu.memory_space<hbm>> -> memref<1x4096xi32, #tpu.memory_space<hbm>>
        %dma_start3A_723 = tpu.memref_squeeze %dma_start3A_722 : memref<1x4096xi32, #tpu.memory_space<hbm>> -> memref<4096xi32, #tpu.memory_space<hbm>>
        %dma_start3A_724 = arith.constant 0 : i32
        %dma_start3A_725 = tpu.memref_slice %arg3[%sub3A_720, %dma_start3A_724] : memref<50x4096xi32, #tpu.memory_space<hbm>> -> memref<1x4096xi32, #tpu.memory_space<hbm>>
        %dma_start3A_726 = tpu.memref_squeeze %dma_start3A_725 : memref<1x4096xi32, #tpu.memory_space<hbm>> -> memref<4096xi32, #tpu.memory_space<hbm>>
        tpu.enqueue_dma source(%dma_start3A_726 : memref<4096xi32, #tpu.memory_space<hbm>>) target(%arg10 : memref<4096xi32, #tpu.memory_space<vmem>>) target_semaphore(%arg17 : memref<!tpu.dma_semaphore, #tpu.memory_space<semaphore_mem>>)
      } else {
      }
      %dma_wait3A_444 = arith.constant 0 : i32
      %dma_wait3A_445 = arith.constant 0 : i32
      %dma_wait3A_446 = tpu.memref_slice %arg3[%dma_wait3A_444, %dma_wait3A_445] : memref<50x4096xi32, #tpu.memory_space<hbm>> -> memref<1x4096xi32, #tpu.memory_space<hbm>>
      %dma_wait3A_447 = tpu.memref_squeeze %dma_wait3A_446 : memref<1x4096xi32, #tpu.memory_space<hbm>> -> memref<4096xi32, #tpu.memory_space<hbm>>
      %dma_wait3A_448 = arith.constant 0 : i32
      %dma_wait3A_449 = tpu.memref_slice %arg3[%dma_wait3A_444, %dma_wait3A_448] : memref<50x4096xi32, #tpu.memory_space<hbm>> -> memref<1x4096xi32, #tpu.memory_space<hbm>>
      %dma_wait3A_450 = tpu.memref_squeeze %dma_wait3A_449 : memref<1x4096xi32, #tpu.memory_space<hbm>> -> memref<4096xi32, #tpu.memory_space<hbm>>
      tpu.wait_dma2 semaphore(%arg13 : memref<!tpu.dma_semaphore, #tpu.memory_space<semaphore_mem>>) src(%dma_wait3A_450 : memref<4096xi32, #tpu.memory_space<hbm>>) dst(%arg6 : memref<4096xi32, #tpu.memory_space<vmem>>)
      %ge3A_451 = arith.constant 2 : i32
      %ge3A_452 = arith.cmpi sge, %add3A_412, %ge3A_451 : i32
      %convert_element_type3A_453 = arith.extui %ge3A_452 : i1 to i32
      %cond3A_454 = arith.constant 0 : i32
      %cond3A_455 = arith.cmpi ne, %convert_element_type3A_453, %cond3A_454 : i32
      scf.if %cond3A_455 {
        %dma_wait3A_706 = arith.constant 0 : i32
        %dma_wait3A_707 = arith.constant 0 : i32
        %dma_wait3A_708 = arith.constant 0 : i32
        %dma_wait3A_709 = tpu.memref_slice %arg4[%dma_wait3A_706, %dma_wait3A_707, %dma_wait3A_708] : memref<50x64x4096xf32, #tpu.memory_space<hbm>> -> memref<1x1x4096xf32, #tpu.memory_space<hbm>>
        %dma_wait3A_710 = tpu.memref_squeeze %dma_wait3A_709 : memref<1x1x4096xf32, #tpu.memory_space<hbm>> -> memref<4096xf32, #tpu.memory_space<hbm>>
        %dma_wait3A_711 = arith.constant 0 : i32
        %dma_wait3A_712 = tpu.memref_slice %arg4[%dma_wait3A_706, %dma_wait3A_707, %dma_wait3A_711] : memref<50x64x4096xf32, #tpu.memory_space<hbm>> -> memref<1x1x4096xf32, #tpu.memory_space<hbm>>
        %dma_wait3A_713 = tpu.memref_squeeze %dma_wait3A_712 : memref<1x1x4096xf32, #tpu.memory_space<hbm>> -> memref<4096xf32, #tpu.memory_space<hbm>>
        tpu.wait_dma2 semaphore(%arg19 : memref<!tpu.dma_semaphore, #tpu.memory_space<semaphore_mem>>) src(%arg12 : memref<4096xf32, #tpu.memory_space<vmem>>) dst(%dma_wait3A_713 : memref<4096xf32, #tpu.memory_space<hbm>>)
      } else {
      }
      %scan3A_456 = arith.constant 0 : i32
      %scan3A_457 = arith.constant 32 : i32
      %scan3A_458 = arith.addi %scan3A_456, %scan3A_457 : i32
      %scan3A_459 = arith.constant 1 : i32
      scf.for %scan3A_706 = %scan3A_456 to %scan3A_458 step %scan3A_459  : i32 {
        %mul3A_707 = arith.constant 1 : i32
        %mul3A_708 = arith.muli %scan3A_706, %mul3A_707 : i32
        %add3A_709 = arith.constant 0 : i32
        %add3A_710 = arith.addi %add3A_709, %mul3A_708 : i32
        %mul3A_711 = arith.constant 128 : i32
        %mul3A_712 = arith.muli %add3A_710, %mul3A_711 : i32
        %add3A_713 = arith.constant 0 : i32
        %add3A_714 = arith.addi %mul3A_712, %add3A_713 : i32
        %get3A = arith.index_cast %add3A_714 : i32 to index
        %get3A_715 = tpu.vector_load %arg6[%get3A] {strides = array<i32>} : memref<4096xi32, #tpu.memory_space<vmem>>, vector<16xi32>,
        %add3A_716 = arith.constant 16 : i32
        %add3A_717 = arith.addi %mul3A_712, %add3A_716 : i32
        %get3A_718 = arith.index_cast %add3A_717 : i32 to index
        %get3A_719 = tpu.vector_load %arg6[%get3A_718] {strides = array<i32>} : memref<4096xi32, #tpu.memory_space<vmem>>, vector<16xi32>,
        %add3A_720 = arith.constant 32 : i32
        %add3A_721 = arith.addi %mul3A_712, %add3A_720 : i32
        %get3A_722 = arith.index_cast %add3A_721 : i32 to index
        %get3A_723 = tpu.vector_load %arg6[%get3A_722] {strides = array<i32>} : memref<4096xi32, #tpu.memory_space<vmem>>, vector<16xi32>,
        %add3A_724 = arith.constant 48 : i32
        %add3A_725 = arith.addi %mul3A_712, %add3A_724 : i32
        %get3A_726 = arith.index_cast %add3A_725 : i32 to index
        %get3A_727 = tpu.vector_load %arg6[%get3A_726] {strides = array<i32>} : memref<4096xi32, #tpu.memory_space<vmem>>, vector<16xi32>,
        %add3A_728 = arith.constant 64 : i32
        %add3A_729 = arith.addi %mul3A_712, %add3A_728 : i32
        %get3A_730 = arith.index_cast %add3A_729 : i32 to index
        %get3A_731 = tpu.vector_load %arg6[%get3A_730] {strides = array<i32>} : memref<4096xi32, #tpu.memory_space<vmem>>, vector<16xi32>,
        %add3A_732 = arith.constant 80 : i32
        %add3A_733 = arith.addi %mul3A_712, %add3A_732 : i32
        %get3A_734 = arith.index_cast %add3A_733 : i32 to index
        %get3A_735 = tpu.vector_load %arg6[%get3A_734] {strides = array<i32>} : memref<4096xi32, #tpu.memory_space<vmem>>, vector<16xi32>,
        %add3A_736 = arith.constant 96 : i32
        %add3A_737 = arith.addi %mul3A_712, %add3A_736 : i32
        %get3A_738 = arith.index_cast %add3A_737 : i32 to index
        %get3A_739 = tpu.vector_load %arg6[%get3A_738] {strides = array<i32>} : memref<4096xi32, #tpu.memory_space<vmem>>, vector<16xi32>,
        %add3A_740 = arith.constant 112 : i32
        %add3A_741 = arith.addi %mul3A_712, %add3A_740 : i32
        %get3A_742 = arith.index_cast %add3A_741 : i32 to index
        %get3A_743 = tpu.vector_load %arg6[%get3A_742] {strides = array<i32>} : memref<4096xi32, #tpu.memory_space<vmem>>, vector<16xi32>,
        %gather3A = tpu.vector_load_idx %arg5[%get3A_715] : memref<100000xf32, #tpu.memory_space<vmem>>[vector<16xi32>], vector<16xf32>,
        %gather3A_744 = tpu.vector_load_idx %arg5[%get3A_719] : memref<100000xf32, #tpu.memory_space<vmem>>[vector<16xi32>], vector<16xf32>,
        %gather3A_745 = tpu.vector_load_idx %arg5[%get3A_723] : memref<100000xf32, #tpu.memory_space<vmem>>[vector<16xi32>], vector<16xf32>,
        %gather3A_746 = tpu.vector_load_idx %arg5[%get3A_727] : memref<100000xf32, #tpu.memory_space<vmem>>[vector<16xi32>], vector<16xf32>,
        %gather3A_747 = tpu.vector_load_idx %arg5[%get3A_731] : memref<100000xf32, #tpu.memory_space<vmem>>[vector<16xi32>], vector<16xf32>,
        %gather3A_748 = tpu.vector_load_idx %arg5[%get3A_735] : memref<100000xf32, #tpu.memory_space<vmem>>[vector<16xi32>], vector<16xf32>,
        %gather3A_749 = tpu.vector_load_idx %arg5[%get3A_739] : memref<100000xf32, #tpu.memory_space<vmem>>[vector<16xi32>], vector<16xf32>,
        %gather3A_750 = tpu.vector_load_idx %arg5[%get3A_743] : memref<100000xf32, #tpu.memory_space<vmem>>[vector<16xi32>], vector<16xf32>,
        %add3A_751 = arith.constant 0 : i32
        %add3A_752 = arith.addi %mul3A_712, %add3A_751 : i32
        %swap3A = arith.index_cast %add3A_752 : i32 to index
        %swap3A_753 = tpu.vector_load %arg12[%swap3A] {strides = array<i32>} : memref<4096xf32, #tpu.memory_space<vmem>>, vector<16xf32>,
        tpu.vector_store %arg12[%swap3A], %gather3A {strides = array<i32>} : memref<4096xf32, #tpu.memory_space<vmem>>, vector<16xf32>,
        %add3A_754 = arith.constant 16 : i32
        %add3A_755 = arith.addi %mul3A_712, %add3A_754 : i32
        %swap3A_756 = arith.index_cast %add3A_755 : i32 to index
        %swap3A_757 = tpu.vector_load %arg12[%swap3A_756] {strides = array<i32>} : memref<4096xf32, #tpu.memory_space<vmem>>, vector<16xf32>,
        tpu.vector_store %arg12[%swap3A_756], %gather3A_744 {strides = array<i32>} : memref<4096xf32, #tpu.memory_space<vmem>>, vector<16xf32>,
        %add3A_758 = arith.constant 32 : i32
        %add3A_759 = arith.addi %mul3A_712, %add3A_758 : i32
        %swap3A_760 = arith.index_cast %add3A_759 : i32 to index
        %swap3A_761 = tpu.vector_load %arg12[%swap3A_760] {strides = array<i32>} : memref<4096xf32, #tpu.memory_space<vmem>>, vector<16xf32>,
        tpu.vector_store %arg12[%swap3A_760], %gather3A_745 {strides = array<i32>} : memref<4096xf32, #tpu.memory_space<vmem>>, vector<16xf32>,
        %add3A_762 = arith.constant 48 : i32
        %add3A_763 = arith.addi %mul3A_712, %add3A_762 : i32
        %swap3A_764 = arith.index_cast %add3A_763 : i32 to index
        %swap3A_765 = tpu.vector_load %arg12[%swap3A_764] {strides = array<i32>} : memref<4096xf32, #tpu.memory_space<vmem>>, vector<16xf32>,
        tpu.vector_store %arg12[%swap3A_764], %gather3A_746 {strides = array<i32>} : memref<4096xf32, #tpu.memory_space<vmem>>, vector<16xf32>,
        %add3A_766 = arith.constant 64 : i32
        %add3A_767 = arith.addi %mul3A_712, %add3A_766 : i32
        %swap3A_768 = arith.index_cast %add3A_767 : i32 to index
        %swap3A_769 = tpu.vector_load %arg12[%swap3A_768] {strides = array<i32>} : memref<4096xf32, #tpu.memory_space<vmem>>, vector<16xf32>,
        tpu.vector_store %arg12[%swap3A_768], %gather3A_747 {strides = array<i32>} : memref<4096xf32, #tpu.memory_space<vmem>>, vector<16xf32>,
        %add3A_770 = arith.constant 80 : i32
        %add3A_771 = arith.addi %mul3A_712, %add3A_770 : i32
        %swap3A_772 = arith.index_cast %add3A_771 : i32 to index
        %swap3A_773 = tpu.vector_load %arg12[%swap3A_772] {strides = array<i32>} : memref<4096xf32, #tpu.memory_space<vmem>>, vector<16xf32>,
        tpu.vector_store %arg12[%swap3A_772], %gather3A_748 {strides = array<i32>} : memref<4096xf32, #tpu.memory_space<vmem>>, vector<16xf32>,
        %add3A_774 = arith.constant 96 : i32
        %add3A_775 = arith.addi %mul3A_712, %add3A_774 : i32
        %swap3A_776 = arith.index_cast %add3A_775 : i32 to index
        %swap3A_777 = tpu.vector_load %arg12[%swap3A_776] {strides = array<i32>} : memref<4096xf32, #tpu.memory_space<vmem>>, vector<16xf32>,
        tpu.vector_store %arg12[%swap3A_776], %gather3A_749 {strides = array<i32>} : memref<4096xf32, #tpu.memory_space<vmem>>, vector<16xf32>,
        %add3A_778 = arith.constant 112 : i32
        %add3A_779 = arith.addi %mul3A_712, %add3A_778 : i32
        %swap3A_780 = arith.index_cast %add3A_779 : i32 to index
        %swap3A_781 = tpu.vector_load %arg12[%swap3A_780] {strides = array<i32>} : memref<4096xf32, #tpu.memory_space<vmem>>, vector<16xf32>,
        tpu.vector_store %arg12[%swap3A_780], %gather3A_750 {strides = array<i32>} : memref<4096xf32, #tpu.memory_space<vmem>>, vector<16xf32>,
      }
      %scan3A_460 = arith.constant 32 : i32
      %mul3A_461 = arith.constant 50 : i32
      %mul3A_462 = arith.muli %mul3A_461, %convert_element_type3A_422 : i32
      %sub3A_463 = arith.subi %sub3A_419, %mul3A_462 : i32
      %dma_start3A_464 = arith.constant 0 : i32
      %dma_start3A_465 = tpu.memref_slice %arg4[%sub3A_463, %add3A_425, %dma_start3A_464] : memref<50x64x4096xf32, #tpu.memory_space<hbm>> -> memref<1x1x4096xf32, #tpu.memory_space<hbm>>
      %dma_start3A_466 = tpu.memref_squeeze %dma_start3A_465 : memref<1x1x4096xf32, #tpu.memory_space<hbm>> -> memref<4096xf32, #tpu.memory_space<hbm>>
      %dma_start3A_467 = arith.constant 0 : i32
      %dma_start3A_468 = tpu.memref_slice %arg4[%sub3A_463, %add3A_425, %dma_start3A_467] : memref<50x64x4096xf32, #tpu.memory_space<hbm>> -> memref<1x1x4096xf32, #tpu.memory_space<hbm>>
      %dma_start3A_469 = tpu.memref_squeeze %dma_start3A_468 : memref<1x1x4096xf32, #tpu.memory_space<hbm>> -> memref<4096xf32, #tpu.memory_space<hbm>>
      tpu.enqueue_dma source(%arg12 : memref<4096xf32, #tpu.memory_space<vmem>>) target(%dma_start3A_469 : memref<4096xf32, #tpu.memory_space<hbm>>) target_semaphore(%arg19 : memref<!tpu.dma_semaphore, #tpu.memory_space<semaphore_mem>>)
      %add3A_470 = arith.constant 6 : i32
      %add3A_471 = arith.addi %add3A_119, %add3A_470 : i32
      %add3A_472 = arith.addi %add3A_471, %select_n3A : i32
      %ge3A_473 = arith.constant 100 : i32
      %ge3A_474 = arith.cmpi sge, %add3A_472, %ge3A_473 : i32
      %convert_element_type3A_475 = arith.extui %ge3A_474 : i1 to i32
      %mul3A_476 = arith.constant 100 : i32
      %mul3A_477 = arith.muli %mul3A_476, %convert_element_type3A_475 : i32
      %sub3A_478 = arith.subi %add3A_472, %mul3A_477 : i32
      %ge3A_479 = arith.constant 50 : i32
      %ge3A_480 = arith.cmpi sge, %sub3A_478, %ge3A_479 : i32
      %convert_element_type3A_481 = arith.extui %ge3A_480 : i1 to i32
      %mul3A_482 = arith.constant 32 : i32
      %mul3A_483 = arith.muli %mul3A_482, %convert_element_type3A_481 : i32
      %add3A_484 = arith.addi %add3A, %mul3A_483 : i32
      %eq3A_485 = arith.constant 0 : i32
      %eq3A_486 = arith.cmpi eq, %add3A_471, %eq3A_485 : i32
      %mul3A_487 = arith.constant 50 : i32
      %mul3A_488 = arith.muli %mul3A_487, %convert_element_type3A_481 : i32
      %sub3A_489 = arith.subi %sub3A_478, %mul3A_488 : i32
      %eq3A_490 = arith.constant 0 : i32
      %eq3A_491 = arith.cmpi eq, %sub3A_489, %eq3A_490 : i32
      %or3A_492 = arith.ori %eq3A_486, %eq3A_491 : i1
      %convert_element_type3A_493 = arith.extui %or3A_492 : i1 to i32
      %cond3A_494 = arith.constant 0 : i32
      %cond3A_495 = arith.cmpi ne, %convert_element_type3A_493, %cond3A_494 : i32
      scf.if %cond3A_495 {
        "tpu.region"() ({
          %run_scoped3A = tpu.sem_alloc : memref<!tpu.dma_semaphore, #tpu.memory_space<semaphore_mem>>
          %dma_start3A_706 = arith.constant 0 : i32
          %dma_start3A_707 = tpu.memref_slice %arg2[%add3A_484, %dma_start3A_706] : memref<64x100000xf32, #tpu.memory_space<hbm>> -> memref<1x100000xf32, #tpu.memory_space<hbm>>
          %dma_start3A_708 = tpu.memref_squeeze %dma_start3A_707 : memref<1x100000xf32, #tpu.memory_space<hbm>> -> memref<100000xf32, #tpu.memory_space<hbm>>
          %dma_start3A_709 = arith.constant 0 : i32
          %dma_start3A_710 = tpu.memref_slice %arg2[%add3A_484, %dma_start3A_709] : memref<64x100000xf32, #tpu.memory_space<hbm>> -> memref<1x100000xf32, #tpu.memory_space<hbm>>
          %dma_start3A_711 = tpu.memref_squeeze %dma_start3A_710 : memref<1x100000xf32, #tpu.memory_space<hbm>> -> memref<100000xf32, #tpu.memory_space<hbm>>
          tpu.enqueue_dma source(%dma_start3A_711 : memref<100000xf32, #tpu.memory_space<hbm>>) target(%arg5 : memref<100000xf32, #tpu.memory_space<vmem>>) target_semaphore(%run_scoped3A : memref<!tpu.dma_semaphore, #tpu.memory_space<semaphore_mem>>)
          %dma_wait3A_712 = arith.constant 0 : i32
          %dma_wait3A_713 = tpu.memref_slice %arg2[%add3A_484, %dma_wait3A_712] : memref<64x100000xf32, #tpu.memory_space<hbm>> -> memref<1x100000xf32, #tpu.memory_space<hbm>>
          %dma_wait3A_714 = tpu.memref_squeeze %dma_wait3A_713 : memref<1x100000xf32, #tpu.memory_space<hbm>> -> memref<100000xf32, #tpu.memory_space<hbm>>
          %dma_wait3A_715 = arith.constant 0 : i32
          %dma_wait3A_716 = tpu.memref_slice %arg2[%add3A_484, %dma_wait3A_715] : memref<64x100000xf32, #tpu.memory_space<hbm>> -> memref<1x100000xf32, #tpu.memory_space<hbm>>
          %dma_wait3A_717 = tpu.memref_squeeze %dma_wait3A_716 : memref<1x100000xf32, #tpu.memory_space<hbm>> -> memref<100000xf32, #tpu.memory_space<hbm>>
          tpu.wait_dma2 semaphore(%run_scoped3A : memref<!tpu.dma_semaphore, #tpu.memory_space<semaphore_mem>>) src(%dma_wait3A_717 : memref<100000xf32, #tpu.memory_space<hbm>>) dst(%arg5 : memref<100000xf32, #tpu.memory_space<vmem>>)
          tpu.yield
        }) : () -> ()
      } else {
      }
      %add3A_496 = arith.constant 4 : i32
      %add3A_497 = arith.addi %add3A_471, %add3A_496 : i32
      %lt3A_498 = arith.constant 100 : i32
      %lt3A_499 = arith.cmpi slt, %add3A_497, %lt3A_498 : i32
      %convert_element_type3A_500 = arith.extui %lt3A_499 : i1 to i32
      %cond3A_501 = arith.constant 0 : i32
      %cond3A_502 = arith.cmpi ne, %convert_element_type3A_500, %cond3A_501 : i32
      scf.if %cond3A_502 {
        %add3A_706 = arith.constant 4 : i32
        %add3A_707 = arith.addi %add3A_471, %add3A_706 : i32
        %add3A_708 = arith.addi %add3A_707, %select_n3A : i32
        %ge3A_709 = arith.constant 100 : i32
        %ge3A_710 = arith.cmpi sge, %add3A_708, %ge3A_709 : i32
        %convert_element_type3A_711 = arith.extui %ge3A_710 : i1 to i32
        %mul3A_712 = arith.constant 100 : i32
        %mul3A_713 = arith.muli %mul3A_712, %convert_element_type3A_711 : i32
        %sub3A_714 = arith.subi %add3A_708, %mul3A_713 : i32
        %ge3A_715 = arith.constant 50 : i32
        %ge3A_716 = arith.cmpi sge, %sub3A_714, %ge3A_715 : i32
        %convert_element_type3A_717 = arith.extui %ge3A_716 : i1 to i32
        %mul3A_718 = arith.constant 50 : i32
        %mul3A_719 = arith.muli %mul3A_718, %convert_element_type3A_717 : i32
        %sub3A_720 = arith.subi %sub3A_714, %mul3A_719 : i32
        %dma_start3A_721 = arith.constant 0 : i32
        %dma_start3A_722 = tpu.memref_slice %arg3[%sub3A_720, %dma_start3A_721] : memref<50x4096xi32, #tpu.memory_space<hbm>> -> memref<1x4096xi32, #tpu.memory_space<hbm>>
        %dma_start3A_723 = tpu.memref_squeeze %dma_start3A_722 : memref<1x4096xi32, #tpu.memory_space<hbm>> -> memref<4096xi32, #tpu.memory_space<hbm>>
        %dma_start3A_724 = arith.constant 0 : i32
        %dma_start3A_725 = tpu.memref_slice %arg3[%sub3A_720, %dma_start3A_724] : memref<50x4096xi32, #tpu.memory_space<hbm>> -> memref<1x4096xi32, #tpu.memory_space<hbm>>
        %dma_start3A_726 = tpu.memref_squeeze %dma_start3A_725 : memref<1x4096xi32, #tpu.memory_space<hbm>> -> memref<4096xi32, #tpu.memory_space<hbm>>
        tpu.enqueue_dma source(%dma_start3A_726 : memref<4096xi32, #tpu.memory_space<hbm>>) target(%arg6 : memref<4096xi32, #tpu.memory_space<vmem>>) target_semaphore(%arg13 : memref<!tpu.dma_semaphore, #tpu.memory_space<semaphore_mem>>)
      } else {
      }
      %dma_wait3A_503 = arith.constant 0 : i32
      %dma_wait3A_504 = arith.constant 0 : i32
      %dma_wait3A_505 = tpu.memref_slice %arg3[%dma_wait3A_503, %dma_wait3A_504] : memref<50x4096xi32, #tpu.memory_space<hbm>> -> memref<1x4096xi32, #tpu.memory_space<hbm>>
      %dma_wait3A_506 = tpu.memref_squeeze %dma_wait3A_505 : memref<1x4096xi32, #tpu.memory_space<hbm>> -> memref<4096xi32, #tpu.memory_space<hbm>>
      %dma_wait3A_507 = arith.constant 0 : i32
      %dma_wait3A_508 = tpu.memref_slice %arg3[%dma_wait3A_503, %dma_wait3A_507] : memref<50x4096xi32, #tpu.memory_space<hbm>> -> memref<1x4096xi32, #tpu.memory_space<hbm>>
      %dma_wait3A_509 = tpu.memref_squeeze %dma_wait3A_508 : memref<1x4096xi32, #tpu.memory_space<hbm>> -> memref<4096xi32, #tpu.memory_space<hbm>>
      tpu.wait_dma2 semaphore(%arg14 : memref<!tpu.dma_semaphore, #tpu.memory_space<semaphore_mem>>) src(%dma_wait3A_509 : memref<4096xi32, #tpu.memory_space<hbm>>) dst(%arg7 : memref<4096xi32, #tpu.memory_space<vmem>>)
      %ge3A_510 = arith.constant 2 : i32
      %ge3A_511 = arith.cmpi sge, %add3A_471, %ge3A_510 : i32
      %convert_element_type3A_512 = arith.extui %ge3A_511 : i1 to i32
      %cond3A_513 = arith.constant 0 : i32
      %cond3A_514 = arith.cmpi ne, %convert_element_type3A_512, %cond3A_513 : i32
      scf.if %cond3A_514 {
        %dma_wait3A_706 = arith.constant 0 : i32
        %dma_wait3A_707 = arith.constant 0 : i32
        %dma_wait3A_708 = arith.constant 0 : i32
        %dma_wait3A_709 = tpu.memref_slice %arg4[%dma_wait3A_706, %dma_wait3A_707, %dma_wait3A_708] : memref<50x64x4096xf32, #tpu.memory_space<hbm>> -> memref<1x1x4096xf32, #tpu.memory_space<hbm>>
        %dma_wait3A_710 = tpu.memref_squeeze %dma_wait3A_709 : memref<1x1x4096xf32, #tpu.memory_space<hbm>> -> memref<4096xf32, #tpu.memory_space<hbm>>
        %dma_wait3A_711 = arith.constant 0 : i32
        %dma_wait3A_712 = tpu.memref_slice %arg4[%dma_wait3A_706, %dma_wait3A_707, %dma_wait3A_711] : memref<50x64x4096xf32, #tpu.memory_space<hbm>> -> memref<1x1x4096xf32, #tpu.memory_space<hbm>>
        %dma_wait3A_713 = tpu.memref_squeeze %dma_wait3A_712 : memref<1x1x4096xf32, #tpu.memory_space<hbm>> -> memref<4096xf32, #tpu.memory_space<hbm>>
        tpu.wait_dma2 semaphore(%arg18 : memref<!tpu.dma_semaphore, #tpu.memory_space<semaphore_mem>>) src(%arg11 : memref<4096xf32, #tpu.memory_space<vmem>>) dst(%dma_wait3A_713 : memref<4096xf32, #tpu.memory_space<hbm>>)
      } else {
      }
      %scan3A_515 = arith.constant 0 : i32
      %scan3A_516 = arith.constant 32 : i32
      %scan3A_517 = arith.addi %scan3A_515, %scan3A_516 : i32
      %scan3A_518 = arith.constant 1 : i32
      scf.for %scan3A_706 = %scan3A_515 to %scan3A_517 step %scan3A_518  : i32 {
        %mul3A_707 = arith.constant 1 : i32
        %mul3A_708 = arith.muli %scan3A_706, %mul3A_707 : i32
        %add3A_709 = arith.constant 0 : i32
        %add3A_710 = arith.addi %add3A_709, %mul3A_708 : i32
        %mul3A_711 = arith.constant 128 : i32
        %mul3A_712 = arith.muli %add3A_710, %mul3A_711 : i32
        %add3A_713 = arith.constant 0 : i32
        %add3A_714 = arith.addi %mul3A_712, %add3A_713 : i32
        %get3A = arith.index_cast %add3A_714 : i32 to index
        %get3A_715 = tpu.vector_load %arg7[%get3A] {strides = array<i32>} : memref<4096xi32, #tpu.memory_space<vmem>>, vector<16xi32>,
        %add3A_716 = arith.constant 16 : i32
        %add3A_717 = arith.addi %mul3A_712, %add3A_716 : i32
        %get3A_718 = arith.index_cast %add3A_717 : i32 to index
        %get3A_719 = tpu.vector_load %arg7[%get3A_718] {strides = array<i32>} : memref<4096xi32, #tpu.memory_space<vmem>>, vector<16xi32>,
        %add3A_720 = arith.constant 32 : i32
        %add3A_721 = arith.addi %mul3A_712, %add3A_720 : i32
        %get3A_722 = arith.index_cast %add3A_721 : i32 to index
        %get3A_723 = tpu.vector_load %arg7[%get3A_722] {strides = array<i32>} : memref<4096xi32, #tpu.memory_space<vmem>>, vector<16xi32>,
        %add3A_724 = arith.constant 48 : i32
        %add3A_725 = arith.addi %mul3A_712, %add3A_724 : i32
        %get3A_726 = arith.index_cast %add3A_725 : i32 to index
        %get3A_727 = tpu.vector_load %arg7[%get3A_726] {strides = array<i32>} : memref<4096xi32, #tpu.memory_space<vmem>>, vector<16xi32>,
        %add3A_728 = arith.constant 64 : i32
        %add3A_729 = arith.addi %mul3A_712, %add3A_728 : i32
        %get3A_730 = arith.index_cast %add3A_729 : i32 to index
        %get3A_731 = tpu.vector_load %arg7[%get3A_730] {strides = array<i32>} : memref<4096xi32, #tpu.memory_space<vmem>>, vector<16xi32>,
        %add3A_732 = arith.constant 80 : i32
        %add3A_733 = arith.addi %mul3A_712, %add3A_732 : i32
        %get3A_734 = arith.index_cast %add3A_733 : i32 to index
        %get3A_735 = tpu.vector_load %arg7[%get3A_734] {strides = array<i32>} : memref<4096xi32, #tpu.memory_space<vmem>>, vector<16xi32>,
        %add3A_736 = arith.constant 96 : i32
        %add3A_737 = arith.addi %mul3A_712, %add3A_736 : i32
        %get3A_738 = arith.index_cast %add3A_737 : i32 to index
        %get3A_739 = tpu.vector_load %arg7[%get3A_738] {strides = array<i32>} : memref<4096xi32, #tpu.memory_space<vmem>>, vector<16xi32>,
        %add3A_740 = arith.constant 112 : i32
        %add3A_741 = arith.addi %mul3A_712, %add3A_740 : i32
        %get3A_742 = arith.index_cast %add3A_741 : i32 to index
        %get3A_743 = tpu.vector_load %arg7[%get3A_742] {strides = array<i32>} : memref<4096xi32, #tpu.memory_space<vmem>>, vector<16xi32>,
        %gather3A = tpu.vector_load_idx %arg5[%get3A_715] : memref<100000xf32, #tpu.memory_space<vmem>>[vector<16xi32>], vector<16xf32>,
        %gather3A_744 = tpu.vector_load_idx %arg5[%get3A_719] : memref<100000xf32, #tpu.memory_space<vmem>>[vector<16xi32>], vector<16xf32>,
        %gather3A_745 = tpu.vector_load_idx %arg5[%get3A_723] : memref<100000xf32, #tpu.memory_space<vmem>>[vector<16xi32>], vector<16xf32>,
        %gather3A_746 = tpu.vector_load_idx %arg5[%get3A_727] : memref<100000xf32, #tpu.memory_space<vmem>>[vector<16xi32>], vector<16xf32>,
        %gather3A_747 = tpu.vector_load_idx %arg5[%get3A_731] : memref<100000xf32, #tpu.memory_space<vmem>>[vector<16xi32>], vector<16xf32>,
        %gather3A_748 = tpu.vector_load_idx %arg5[%get3A_735] : memref<100000xf32, #tpu.memory_space<vmem>>[vector<16xi32>], vector<16xf32>,
        %gather3A_749 = tpu.vector_load_idx %arg5[%get3A_739] : memref<100000xf32, #tpu.memory_space<vmem>>[vector<16xi32>], vector<16xf32>,
        %gather3A_750 = tpu.vector_load_idx %arg5[%get3A_743] : memref<100000xf32, #tpu.memory_space<vmem>>[vector<16xi32>], vector<16xf32>,
        %add3A_751 = arith.constant 0 : i32
        %add3A_752 = arith.addi %mul3A_712, %add3A_751 : i32
        %swap3A = arith.index_cast %add3A_752 : i32 to index
        %swap3A_753 = tpu.vector_load %arg11[%swap3A] {strides = array<i32>} : memref<4096xf32, #tpu.memory_space<vmem>>, vector<16xf32>,
        tpu.vector_store %arg11[%swap3A], %gather3A {strides = array<i32>} : memref<4096xf32, #tpu.memory_space<vmem>>, vector<16xf32>,
        %add3A_754 = arith.constant 16 : i32
        %add3A_755 = arith.addi %mul3A_712, %add3A_754 : i32
        %swap3A_756 = arith.index_cast %add3A_755 : i32 to index
        %swap3A_757 = tpu.vector_load %arg11[%swap3A_756] {strides = array<i32>} : memref<4096xf32, #tpu.memory_space<vmem>>, vector<16xf32>,
        tpu.vector_store %arg11[%swap3A_756], %gather3A_744 {strides = array<i32>} : memref<4096xf32, #tpu.memory_space<vmem>>, vector<16xf32>,
        %add3A_758 = arith.constant 32 : i32
        %add3A_759 = arith.addi %mul3A_712, %add3A_758 : i32
        %swap3A_760 = arith.index_cast %add3A_759 : i32 to index
        %swap3A_761 = tpu.vector_load %arg11[%swap3A_760] {strides = array<i32>} : memref<4096xf32, #tpu.memory_space<vmem>>, vector<16xf32>,
        tpu.vector_store %arg11[%swap3A_760], %gather3A_745 {strides = array<i32>} : memref<4096xf32, #tpu.memory_space<vmem>>, vector<16xf32>,
        %add3A_762 = arith.constant 48 : i32
        %add3A_763 = arith.addi %mul3A_712, %add3A_762 : i32
        %swap3A_764 = arith.index_cast %add3A_763 : i32 to index
        %swap3A_765 = tpu.vector_load %arg11[%swap3A_764] {strides = array<i32>} : memref<4096xf32, #tpu.memory_space<vmem>>, vector<16xf32>,
        tpu.vector_store %arg11[%swap3A_764], %gather3A_746 {strides = array<i32>} : memref<4096xf32, #tpu.memory_space<vmem>>, vector<16xf32>,
        %add3A_766 = arith.constant 64 : i32
        %add3A_767 = arith.addi %mul3A_712, %add3A_766 : i32
        %swap3A_768 = arith.index_cast %add3A_767 : i32 to index
        %swap3A_769 = tpu.vector_load %arg11[%swap3A_768] {strides = array<i32>} : memref<4096xf32, #tpu.memory_space<vmem>>, vector<16xf32>,
        tpu.vector_store %arg11[%swap3A_768], %gather3A_747 {strides = array<i32>} : memref<4096xf32, #tpu.memory_space<vmem>>, vector<16xf32>,
        %add3A_770 = arith.constant 80 : i32
        %add3A_771 = arith.addi %mul3A_712, %add3A_770 : i32
        %swap3A_772 = arith.index_cast %add3A_771 : i32 to index
        %swap3A_773 = tpu.vector_load %arg11[%swap3A_772] {strides = array<i32>} : memref<4096xf32, #tpu.memory_space<vmem>>, vector<16xf32>,
        tpu.vector_store %arg11[%swap3A_772], %gather3A_748 {strides = array<i32>} : memref<4096xf32, #tpu.memory_space<vmem>>, vector<16xf32>,
        %add3A_774 = arith.constant 96 : i32
        %add3A_775 = arith.addi %mul3A_712, %add3A_774 : i32
        %swap3A_776 = arith.index_cast %add3A_775 : i32 to index
        %swap3A_777 = tpu.vector_load %arg11[%swap3A_776] {strides = array<i32>} : memref<4096xf32, #tpu.memory_space<vmem>>, vector<16xf32>,
        tpu.vector_store %arg11[%swap3A_776], %gather3A_749 {strides = array<i32>} : memref<4096xf32, #tpu.memory_space<vmem>>, vector<16xf32>,
        %add3A_778 = arith.constant 112 : i32
        %add3A_779 = arith.addi %mul3A_712, %add3A_778 : i32
        %swap3A_780 = arith.index_cast %add3A_779 : i32 to index
        %swap3A_781 = tpu.vector_load %arg11[%swap3A_780] {strides = array<i32>} : memref<4096xf32, #tpu.memory_space<vmem>>, vector<16xf32>,
        tpu.vector_store %arg11[%swap3A_780], %gather3A_750 {strides = array<i32>} : memref<4096xf32, #tpu.memory_space<vmem>>, vector<16xf32>,
      }
      %scan3A_519 = arith.constant 32 : i32
      %mul3A_520 = arith.constant 50 : i32
      %mul3A_521 = arith.muli %mul3A_520, %convert_element_type3A_481 : i32
      %sub3A_522 = arith.subi %sub3A_478, %mul3A_521 : i32
      %dma_start3A_523 = arith.constant 0 : i32
      %dma_start3A_524 = tpu.memref_slice %arg4[%sub3A_522, %add3A_484, %dma_start3A_523] : memref<50x64x4096xf32, #tpu.memory_space<hbm>> -> memref<1x1x4096xf32, #tpu.memory_space<hbm>>
      %dma_start3A_525 = tpu.memref_squeeze %dma_start3A_524 : memref<1x1x4096xf32, #tpu.memory_space<hbm>> -> memref<4096xf32, #tpu.memory_space<hbm>>
      %dma_start3A_526 = arith.constant 0 : i32
      %dma_start3A_527 = tpu.memref_slice %arg4[%sub3A_522, %add3A_484, %dma_start3A_526] : memref<50x64x4096xf32, #tpu.memory_space<hbm>> -> memref<1x1x4096xf32, #tpu.memory_space<hbm>>
      %dma_start3A_528 = tpu.memref_squeeze %dma_start3A_527 : memref<1x1x4096xf32, #tpu.memory_space<hbm>> -> memref<4096xf32, #tpu.memory_space<hbm>>
      tpu.enqueue_dma source(%arg11 : memref<4096xf32, #tpu.memory_space<vmem>>) target(%dma_start3A_528 : memref<4096xf32, #tpu.memory_space<hbm>>) target_semaphore(%arg18 : memref<!tpu.dma_semaphore, #tpu.memory_space<semaphore_mem>>)
      %add3A_529 = arith.constant 7 : i32
      %add3A_530 = arith.addi %add3A_119, %add3A_529 : i32
      %add3A_531 = arith.addi %add3A_530, %select_n3A : i32
      %ge3A_532 = arith.constant 100 : i32
      %ge3A_533 = arith.cmpi sge, %add3A_531, %ge3A_532 : i32
      %convert_element_type3A_534 = arith.extui %ge3A_533 : i1 to i32
      %mul3A_535 = arith.constant 100 : i32
      %mul3A_536 = arith.muli %mul3A_535, %convert_element_type3A_534 : i32
      %sub3A_537 = arith.subi %add3A_531, %mul3A_536 : i32
      %ge3A_538 = arith.constant 50 : i32
      %ge3A_539 = arith.cmpi sge, %sub3A_537, %ge3A_538 : i32
      %convert_element_type3A_540 = arith.extui %ge3A_539 : i1 to i32
      %mul3A_541 = arith.constant 32 : i32
      %mul3A_542 = arith.muli %mul3A_541, %convert_element_type3A_540 : i32
      %add3A_543 = arith.addi %add3A, %mul3A_542 : i32
      %eq3A_544 = arith.constant 0 : i32
      %eq3A_545 = arith.cmpi eq, %add3A_530, %eq3A_544 : i32
      %mul3A_546 = arith.constant 50 : i32
      %mul3A_547 = arith.muli %mul3A_546, %convert_element_type3A_540 : i32
      %sub3A_548 = arith.subi %sub3A_537, %mul3A_547 : i32
      %eq3A_549 = arith.constant 0 : i32
      %eq3A_550 = arith.cmpi eq, %sub3A_548, %eq3A_549 : i32
      %or3A_551 = arith.ori %eq3A_545, %eq3A_550 : i1
      %convert_element_type3A_552 = arith.extui %or3A_551 : i1 to i32
      %cond3A_553 = arith.constant 0 : i32
      %cond3A_554 = arith.cmpi ne, %convert_element_type3A_552, %cond3A_553 : i32
      scf.if %cond3A_554 {
        "tpu.region"() ({
          %run_scoped3A = tpu.sem_alloc : memref<!tpu.dma_semaphore, #tpu.memory_space<semaphore_mem>>
          %dma_start3A_706 = arith.constant 0 : i32
          %dma_start3A_707 = tpu.memref_slice %arg2[%add3A_543, %dma_start3A_706] : memref<64x100000xf32, #tpu.memory_space<hbm>> -> memref<1x100000xf32, #tpu.memory_space<hbm>>
          %dma_start3A_708 = tpu.memref_squeeze %dma_start3A_707 : memref<1x100000xf32, #tpu.memory_space<hbm>> -> memref<100000xf32, #tpu.memory_space<hbm>>
          %dma_start3A_709 = arith.constant 0 : i32
          %dma_start3A_710 = tpu.memref_slice %arg2[%add3A_543, %dma_start3A_709] : memref<64x100000xf32, #tpu.memory_space<hbm>> -> memref<1x100000xf32, #tpu.memory_space<hbm>>
          %dma_start3A_711 = tpu.memref_squeeze %dma_start3A_710 : memref<1x100000xf32, #tpu.memory_space<hbm>> -> memref<100000xf32, #tpu.memory_space<hbm>>
          tpu.enqueue_dma source(%dma_start3A_711 : memref<100000xf32, #tpu.memory_space<hbm>>) target(%arg5 : memref<100000xf32, #tpu.memory_space<vmem>>) target_semaphore(%run_scoped3A : memref<!tpu.dma_semaphore, #tpu.memory_space<semaphore_mem>>)
          %dma_wait3A_712 = arith.constant 0 : i32
          %dma_wait3A_713 = tpu.memref_slice %arg2[%add3A_543, %dma_wait3A_712] : memref<64x100000xf32, #tpu.memory_space<hbm>> -> memref<1x100000xf32, #tpu.memory_space<hbm>>
          %dma_wait3A_714 = tpu.memref_squeeze %dma_wait3A_713 : memref<1x100000xf32, #tpu.memory_space<hbm>> -> memref<100000xf32, #tpu.memory_space<hbm>>
          %dma_wait3A_715 = arith.constant 0 : i32
          %dma_wait3A_716 = tpu.memref_slice %arg2[%add3A_543, %dma_wait3A_715] : memref<64x100000xf32, #tpu.memory_space<hbm>> -> memref<1x100000xf32, #tpu.memory_space<hbm>>
          %dma_wait3A_717 = tpu.memref_squeeze %dma_wait3A_716 : memref<1x100000xf32, #tpu.memory_space<hbm>> -> memref<100000xf32, #tpu.memory_space<hbm>>
          tpu.wait_dma2 semaphore(%run_scoped3A : memref<!tpu.dma_semaphore, #tpu.memory_space<semaphore_mem>>) src(%dma_wait3A_717 : memref<100000xf32, #tpu.memory_space<hbm>>) dst(%arg5 : memref<100000xf32, #tpu.memory_space<vmem>>)
          tpu.yield
        }) : () -> ()
      } else {
      }
      %add3A_555 = arith.constant 4 : i32
      %add3A_556 = arith.addi %add3A_530, %add3A_555 : i32
      %lt3A_557 = arith.constant 100 : i32
      %lt3A_558 = arith.cmpi slt, %add3A_556, %lt3A_557 : i32
      %convert_element_type3A_559 = arith.extui %lt3A_558 : i1 to i32
      %cond3A_560 = arith.constant 0 : i32
      %cond3A_561 = arith.cmpi ne, %convert_element_type3A_559, %cond3A_560 : i32
      scf.if %cond3A_561 {
        %add3A_706 = arith.constant 4 : i32
        %add3A_707 = arith.addi %add3A_530, %add3A_706 : i32
        %add3A_708 = arith.addi %add3A_707, %select_n3A : i32
        %ge3A_709 = arith.constant 100 : i32
        %ge3A_710 = arith.cmpi sge, %add3A_708, %ge3A_709 : i32
        %convert_element_type3A_711 = arith.extui %ge3A_710 : i1 to i32
        %mul3A_712 = arith.constant 100 : i32
        %mul3A_713 = arith.muli %mul3A_712, %convert_element_type3A_711 : i32
        %sub3A_714 = arith.subi %add3A_708, %mul3A_713 : i32
        %ge3A_715 = arith.constant 50 : i32
        %ge3A_716 = arith.cmpi sge, %sub3A_714, %ge3A_715 : i32
        %convert_element_type3A_717 = arith.extui %ge3A_716 : i1 to i32
        %mul3A_718 = arith.constant 50 : i32
        %mul3A_719 = arith.muli %mul3A_718, %convert_element_type3A_717 : i32
        %sub3A_720 = arith.subi %sub3A_714, %mul3A_719 : i32
        %dma_start3A_721 = arith.constant 0 : i32
        %dma_start3A_722 = tpu.memref_slice %arg3[%sub3A_720, %dma_start3A_721] : memref<50x4096xi32, #tpu.memory_space<hbm>> -> memref<1x4096xi32, #tpu.memory_space<hbm>>
        %dma_start3A_723 = tpu.memref_squeeze %dma_start3A_722 : memref<1x4096xi32, #tpu.memory_space<hbm>> -> memref<4096xi32, #tpu.memory_space<hbm>>
        %dma_start3A_724 = arith.constant 0 : i32
        %dma_start3A_725 = tpu.memref_slice %arg3[%sub3A_720, %dma_start3A_724] : memref<50x4096xi32, #tpu.memory_space<hbm>> -> memref<1x4096xi32, #tpu.memory_space<hbm>>
        %dma_start3A_726 = tpu.memref_squeeze %dma_start3A_725 : memref<1x4096xi32, #tpu.memory_space<hbm>> -> memref<4096xi32, #tpu.memory_space<hbm>>
        tpu.enqueue_dma source(%dma_start3A_726 : memref<4096xi32, #tpu.memory_space<hbm>>) target(%arg7 : memref<4096xi32, #tpu.memory_space<vmem>>) target_semaphore(%arg14 : memref<!tpu.dma_semaphore, #tpu.memory_space<semaphore_mem>>)
      } else {
      }
      %dma_wait3A_562 = arith.constant 0 : i32
      %dma_wait3A_563 = arith.constant 0 : i32
      %dma_wait3A_564 = tpu.memref_slice %arg3[%dma_wait3A_562, %dma_wait3A_563] : memref<50x4096xi32, #tpu.memory_space<hbm>> -> memref<1x4096xi32, #tpu.memory_space<hbm>>
      %dma_wait3A_565 = tpu.memref_squeeze %dma_wait3A_564 : memref<1x4096xi32, #tpu.memory_space<hbm>> -> memref<4096xi32, #tpu.memory_space<hbm>>
      %dma_wait3A_566 = arith.constant 0 : i32
      %dma_wait3A_567 = tpu.memref_slice %arg3[%dma_wait3A_562, %dma_wait3A_566] : memref<50x4096xi32, #tpu.memory_space<hbm>> -> memref<1x4096xi32, #tpu.memory_space<hbm>>
      %dma_wait3A_568 = tpu.memref_squeeze %dma_wait3A_567 : memref<1x4096xi32, #tpu.memory_space<hbm>> -> memref<4096xi32, #tpu.memory_space<hbm>>
      tpu.wait_dma2 semaphore(%arg15 : memref<!tpu.dma_semaphore, #tpu.memory_space<semaphore_mem>>) src(%dma_wait3A_568 : memref<4096xi32, #tpu.memory_space<hbm>>) dst(%arg8 : memref<4096xi32, #tpu.memory_space<vmem>>)
      %ge3A_569 = arith.constant 2 : i32
      %ge3A_570 = arith.cmpi sge, %add3A_530, %ge3A_569 : i32
      %convert_element_type3A_571 = arith.extui %ge3A_570 : i1 to i32
      %cond3A_572 = arith.constant 0 : i32
      %cond3A_573 = arith.cmpi ne, %convert_element_type3A_571, %cond3A_572 : i32
      scf.if %cond3A_573 {
        %dma_wait3A_706 = arith.constant 0 : i32
        %dma_wait3A_707 = arith.constant 0 : i32
        %dma_wait3A_708 = arith.constant 0 : i32
        %dma_wait3A_709 = tpu.memref_slice %arg4[%dma_wait3A_706, %dma_wait3A_707, %dma_wait3A_708] : memref<50x64x4096xf32, #tpu.memory_space<hbm>> -> memref<1x1x4096xf32, #tpu.memory_space<hbm>>
        %dma_wait3A_710 = tpu.memref_squeeze %dma_wait3A_709 : memref<1x1x4096xf32, #tpu.memory_space<hbm>> -> memref<4096xf32, #tpu.memory_space<hbm>>
        %dma_wait3A_711 = arith.constant 0 : i32
        %dma_wait3A_712 = tpu.memref_slice %arg4[%dma_wait3A_706, %dma_wait3A_707, %dma_wait3A_711] : memref<50x64x4096xf32, #tpu.memory_space<hbm>> -> memref<1x1x4096xf32, #tpu.memory_space<hbm>>
        %dma_wait3A_713 = tpu.memref_squeeze %dma_wait3A_712 : memref<1x1x4096xf32, #tpu.memory_space<hbm>> -> memref<4096xf32, #tpu.memory_space<hbm>>
        tpu.wait_dma2 semaphore(%arg19 : memref<!tpu.dma_semaphore, #tpu.memory_space<semaphore_mem>>) src(%arg12 : memref<4096xf32, #tpu.memory_space<vmem>>) dst(%dma_wait3A_713 : memref<4096xf32, #tpu.memory_space<hbm>>)
      } else {
      }
      %scan3A_574 = arith.constant 0 : i32
      %scan3A_575 = arith.constant 32 : i32
      %scan3A_576 = arith.addi %scan3A_574, %scan3A_575 : i32
      %scan3A_577 = arith.constant 1 : i32
      scf.for %scan3A_706 = %scan3A_574 to %scan3A_576 step %scan3A_577  : i32 {
        %mul3A_707 = arith.constant 1 : i32
        %mul3A_708 = arith.muli %scan3A_706, %mul3A_707 : i32
        %add3A_709 = arith.constant 0 : i32
        %add3A_710 = arith.addi %add3A_709, %mul3A_708 : i32
        %mul3A_711 = arith.constant 128 : i32
        %mul3A_712 = arith.muli %add3A_710, %mul3A_711 : i32
        %add3A_713 = arith.constant 0 : i32
        %add3A_714 = arith.addi %mul3A_712, %add3A_713 : i32
        %get3A = arith.index_cast %add3A_714 : i32 to index
        %get3A_715 = tpu.vector_load %arg8[%get3A] {strides = array<i32>} : memref<4096xi32, #tpu.memory_space<vmem>>, vector<16xi32>,
        %add3A_716 = arith.constant 16 : i32
        %add3A_717 = arith.addi %mul3A_712, %add3A_716 : i32
        %get3A_718 = arith.index_cast %add3A_717 : i32 to index
        %get3A_719 = tpu.vector_load %arg8[%get3A_718] {strides = array<i32>} : memref<4096xi32, #tpu.memory_space<vmem>>, vector<16xi32>,
        %add3A_720 = arith.constant 32 : i32
        %add3A_721 = arith.addi %mul3A_712, %add3A_720 : i32
        %get3A_722 = arith.index_cast %add3A_721 : i32 to index
        %get3A_723 = tpu.vector_load %arg8[%get3A_722] {strides = array<i32>} : memref<4096xi32, #tpu.memory_space<vmem>>, vector<16xi32>,
        %add3A_724 = arith.constant 48 : i32
        %add3A_725 = arith.addi %mul3A_712, %add3A_724 : i32
        %get3A_726 = arith.index_cast %add3A_725 : i32 to index
        %get3A_727 = tpu.vector_load %arg8[%get3A_726] {strides = array<i32>} : memref<4096xi32, #tpu.memory_space<vmem>>, vector<16xi32>,
        %add3A_728 = arith.constant 64 : i32
        %add3A_729 = arith.addi %mul3A_712, %add3A_728 : i32
        %get3A_730 = arith.index_cast %add3A_729 : i32 to index
        %get3A_731 = tpu.vector_load %arg8[%get3A_730] {strides = array<i32>} : memref<4096xi32, #tpu.memory_space<vmem>>, vector<16xi32>,
        %add3A_732 = arith.constant 80 : i32
        %add3A_733 = arith.addi %mul3A_712, %add3A_732 : i32
        %get3A_734 = arith.index_cast %add3A_733 : i32 to index
        %get3A_735 = tpu.vector_load %arg8[%get3A_734] {strides = array<i32>} : memref<4096xi32, #tpu.memory_space<vmem>>, vector<16xi32>,
        %add3A_736 = arith.constant 96 : i32
        %add3A_737 = arith.addi %mul3A_712, %add3A_736 : i32
        %get3A_738 = arith.index_cast %add3A_737 : i32 to index
        %get3A_739 = tpu.vector_load %arg8[%get3A_738] {strides = array<i32>} : memref<4096xi32, #tpu.memory_space<vmem>>, vector<16xi32>,
        %add3A_740 = arith.constant 112 : i32
        %add3A_741 = arith.addi %mul3A_712, %add3A_740 : i32
        %get3A_742 = arith.index_cast %add3A_741 : i32 to index
        %get3A_743 = tpu.vector_load %arg8[%get3A_742] {strides = array<i32>} : memref<4096xi32, #tpu.memory_space<vmem>>, vector<16xi32>,
        %gather3A = tpu.vector_load_idx %arg5[%get3A_715] : memref<100000xf32, #tpu.memory_space<vmem>>[vector<16xi32>], vector<16xf32>,
        %gather3A_744 = tpu.vector_load_idx %arg5[%get3A_719] : memref<100000xf32, #tpu.memory_space<vmem>>[vector<16xi32>], vector<16xf32>,
        %gather3A_745 = tpu.vector_load_idx %arg5[%get3A_723] : memref<100000xf32, #tpu.memory_space<vmem>>[vector<16xi32>], vector<16xf32>,
        %gather3A_746 = tpu.vector_load_idx %arg5[%get3A_727] : memref<100000xf32, #tpu.memory_space<vmem>>[vector<16xi32>], vector<16xf32>,
        %gather3A_747 = tpu.vector_load_idx %arg5[%get3A_731] : memref<100000xf32, #tpu.memory_space<vmem>>[vector<16xi32>], vector<16xf32>,
        %gather3A_748 = tpu.vector_load_idx %arg5[%get3A_735] : memref<100000xf32, #tpu.memory_space<vmem>>[vector<16xi32>], vector<16xf32>,
        %gather3A_749 = tpu.vector_load_idx %arg5[%get3A_739] : memref<100000xf32, #tpu.memory_space<vmem>>[vector<16xi32>], vector<16xf32>,
        %gather3A_750 = tpu.vector_load_idx %arg5[%get3A_743] : memref<100000xf32, #tpu.memory_space<vmem>>[vector<16xi32>], vector<16xf32>,
        %add3A_751 = arith.constant 0 : i32
        %add3A_752 = arith.addi %mul3A_712, %add3A_751 : i32
        %swap3A = arith.index_cast %add3A_752 : i32 to index
        %swap3A_753 = tpu.vector_load %arg12[%swap3A] {strides = array<i32>} : memref<4096xf32, #tpu.memory_space<vmem>>, vector<16xf32>,
        tpu.vector_store %arg12[%swap3A], %gather3A {strides = array<i32>} : memref<4096xf32, #tpu.memory_space<vmem>>, vector<16xf32>,
        %add3A_754 = arith.constant 16 : i32
        %add3A_755 = arith.addi %mul3A_712, %add3A_754 : i32
        %swap3A_756 = arith.index_cast %add3A_755 : i32 to index
        %swap3A_757 = tpu.vector_load %arg12[%swap3A_756] {strides = array<i32>} : memref<4096xf32, #tpu.memory_space<vmem>>, vector<16xf32>,
        tpu.vector_store %arg12[%swap3A_756], %gather3A_744 {strides = array<i32>} : memref<4096xf32, #tpu.memory_space<vmem>>, vector<16xf32>,
        %add3A_758 = arith.constant 32 : i32
        %add3A_759 = arith.addi %mul3A_712, %add3A_758 : i32
        %swap3A_760 = arith.index_cast %add3A_759 : i32 to index
        %swap3A_761 = tpu.vector_load %arg12[%swap3A_760] {strides = array<i32>} : memref<4096xf32, #tpu.memory_space<vmem>>, vector<16xf32>,
        tpu.vector_store %arg12[%swap3A_760], %gather3A_745 {strides = array<i32>} : memref<4096xf32, #tpu.memory_space<vmem>>, vector<16xf32>,
        %add3A_762 = arith.constant 48 : i32
        %add3A_763 = arith.addi %mul3A_712, %add3A_762 : i32
        %swap3A_764 = arith.index_cast %add3A_763 : i32 to index
        %swap3A_765 = tpu.vector_load %arg12[%swap3A_764] {strides = array<i32>} : memref<4096xf32, #tpu.memory_space<vmem>>, vector<16xf32>,
        tpu.vector_store %arg12[%swap3A_764], %gather3A_746 {strides = array<i32>} : memref<4096xf32, #tpu.memory_space<vmem>>, vector<16xf32>,
        %add3A_766 = arith.constant 64 : i32
        %add3A_767 = arith.addi %mul3A_712, %add3A_766 : i32
        %swap3A_768 = arith.index_cast %add3A_767 : i32 to index
        %swap3A_769 = tpu.vector_load %arg12[%swap3A_768] {strides = array<i32>} : memref<4096xf32, #tpu.memory_space<vmem>>, vector<16xf32>,
        tpu.vector_store %arg12[%swap3A_768], %gather3A_747 {strides = array<i32>} : memref<4096xf32, #tpu.memory_space<vmem>>, vector<16xf32>,
        %add3A_770 = arith.constant 80 : i32
        %add3A_771 = arith.addi %mul3A_712, %add3A_770 : i32
        %swap3A_772 = arith.index_cast %add3A_771 : i32 to index
        %swap3A_773 = tpu.vector_load %arg12[%swap3A_772] {strides = array<i32>} : memref<4096xf32, #tpu.memory_space<vmem>>, vector<16xf32>,
        tpu.vector_store %arg12[%swap3A_772], %gather3A_748 {strides = array<i32>} : memref<4096xf32, #tpu.memory_space<vmem>>, vector<16xf32>,
        %add3A_774 = arith.constant 96 : i32
        %add3A_775 = arith.addi %mul3A_712, %add3A_774 : i32
        %swap3A_776 = arith.index_cast %add3A_775 : i32 to index
        %swap3A_777 = tpu.vector_load %arg12[%swap3A_776] {strides = array<i32>} : memref<4096xf32, #tpu.memory_space<vmem>>, vector<16xf32>,
        tpu.vector_store %arg12[%swap3A_776], %gather3A_749 {strides = array<i32>} : memref<4096xf32, #tpu.memory_space<vmem>>, vector<16xf32>,
        %add3A_778 = arith.constant 112 : i32
        %add3A_779 = arith.addi %mul3A_712, %add3A_778 : i32
        %swap3A_780 = arith.index_cast %add3A_779 : i32 to index
        %swap3A_781 = tpu.vector_load %arg12[%swap3A_780] {strides = array<i32>} : memref<4096xf32, #tpu.memory_space<vmem>>, vector<16xf32>,
        tpu.vector_store %arg12[%swap3A_780], %gather3A_750 {strides = array<i32>} : memref<4096xf32, #tpu.memory_space<vmem>>, vector<16xf32>,
      }
      %scan3A_578 = arith.constant 32 : i32
      %mul3A_579 = arith.constant 50 : i32
      %mul3A_580 = arith.muli %mul3A_579, %convert_element_type3A_540 : i32
      %sub3A_581 = arith.subi %sub3A_537, %mul3A_580 : i32
      %dma_start3A_582 = arith.constant 0 : i32
      %dma_start3A_583 = tpu.memref_slice %arg4[%sub3A_581, %add3A_543, %dma_start3A_582] : memref<50x64x4096xf32, #tpu.memory_space<hbm>> -> memref<1x1x4096xf32, #tpu.memory_space<hbm>>
      %dma_start3A_584 = tpu.memref_squeeze %dma_start3A_583 : memref<1x1x4096xf32, #tpu.memory_space<hbm>> -> memref<4096xf32, #tpu.memory_space<hbm>>
      %dma_start3A_585 = arith.constant 0 : i32
      %dma_start3A_586 = tpu.memref_slice %arg4[%sub3A_581, %add3A_543, %dma_start3A_585] : memref<50x64x4096xf32, #tpu.memory_space<hbm>> -> memref<1x1x4096xf32, #tpu.memory_space<hbm>>
      %dma_start3A_587 = tpu.memref_squeeze %dma_start3A_586 : memref<1x1x4096xf32, #tpu.memory_space<hbm>> -> memref<4096xf32, #tpu.memory_space<hbm>>
      tpu.enqueue_dma source(%arg12 : memref<4096xf32, #tpu.memory_space<vmem>>) target(%dma_start3A_587 : memref<4096xf32, #tpu.memory_space<hbm>>) target_semaphore(%arg19 : memref<!tpu.dma_semaphore, #tpu.memory_space<semaphore_mem>>)
      %add3A_588 = arith.constant 8 : i32
      %add3A_589 = arith.addi %add3A_119, %add3A_588 : i32
      %add3A_590 = arith.addi %add3A_589, %select_n3A : i32
      %ge3A_591 = arith.constant 100 : i32
      %ge3A_592 = arith.cmpi sge, %add3A_590, %ge3A_591 : i32
      %convert_element_type3A_593 = arith.extui %ge3A_592 : i1 to i32
      %mul3A_594 = arith.constant 100 : i32
      %mul3A_595 = arith.muli %mul3A_594, %convert_element_type3A_593 : i32
      %sub3A_596 = arith.subi %add3A_590, %mul3A_595 : i32
      %ge3A_597 = arith.constant 50 : i32
      %ge3A_598 = arith.cmpi sge, %sub3A_596, %ge3A_597 : i32
      %convert_element_type3A_599 = arith.extui %ge3A_598 : i1 to i32
      %mul3A_600 = arith.constant 32 : i32
      %mul3A_601 = arith.muli %mul3A_600, %convert_element_type3A_599 : i32
      %add3A_602 = arith.addi %add3A, %mul3A_601 : i32
      %eq3A_603 = arith.constant 0 : i32
      %eq3A_604 = arith.cmpi eq, %add3A_589, %eq3A_603 : i32
      %mul3A_605 = arith.constant 50 : i32
      %mul3A_606 = arith.muli %mul3A_605, %convert_element_type3A_599 : i32
      %sub3A_607 = arith.subi %sub3A_596, %mul3A_606 : i32
      %eq3A_608 = arith.constant 0 : i32
      %eq3A_609 = arith.cmpi eq, %sub3A_607, %eq3A_608 : i32
      %or3A_610 = arith.ori %eq3A_604, %eq3A_609 : i1
      %convert_element_type3A_611 = arith.extui %or3A_610 : i1 to i32
      %cond3A_612 = arith.constant 0 : i32
      %cond3A_613 = arith.cmpi ne, %convert_element_type3A_611, %cond3A_612 : i32
      scf.if %cond3A_613 {
        "tpu.region"() ({
          %run_scoped3A = tpu.sem_alloc : memref<!tpu.dma_semaphore, #tpu.memory_space<semaphore_mem>>
          %dma_start3A_706 = arith.constant 0 : i32
          %dma_start3A_707 = tpu.memref_slice %arg2[%add3A_602, %dma_start3A_706] : memref<64x100000xf32, #tpu.memory_space<hbm>> -> memref<1x100000xf32, #tpu.memory_space<hbm>>
          %dma_start3A_708 = tpu.memref_squeeze %dma_start3A_707 : memref<1x100000xf32, #tpu.memory_space<hbm>> -> memref<100000xf32, #tpu.memory_space<hbm>>
          %dma_start3A_709 = arith.constant 0 : i32
          %dma_start3A_710 = tpu.memref_slice %arg2[%add3A_602, %dma_start3A_709] : memref<64x100000xf32, #tpu.memory_space<hbm>> -> memref<1x100000xf32, #tpu.memory_space<hbm>>
          %dma_start3A_711 = tpu.memref_squeeze %dma_start3A_710 : memref<1x100000xf32, #tpu.memory_space<hbm>> -> memref<100000xf32, #tpu.memory_space<hbm>>
          tpu.enqueue_dma source(%dma_start3A_711 : memref<100000xf32, #tpu.memory_space<hbm>>) target(%arg5 : memref<100000xf32, #tpu.memory_space<vmem>>) target_semaphore(%run_scoped3A : memref<!tpu.dma_semaphore, #tpu.memory_space<semaphore_mem>>)
          %dma_wait3A_712 = arith.constant 0 : i32
          %dma_wait3A_713 = tpu.memref_slice %arg2[%add3A_602, %dma_wait3A_712] : memref<64x100000xf32, #tpu.memory_space<hbm>> -> memref<1x100000xf32, #tpu.memory_space<hbm>>
          %dma_wait3A_714 = tpu.memref_squeeze %dma_wait3A_713 : memref<1x100000xf32, #tpu.memory_space<hbm>> -> memref<100000xf32, #tpu.memory_space<hbm>>
          %dma_wait3A_715 = arith.constant 0 : i32
          %dma_wait3A_716 = tpu.memref_slice %arg2[%add3A_602, %dma_wait3A_715] : memref<64x100000xf32, #tpu.memory_space<hbm>> -> memref<1x100000xf32, #tpu.memory_space<hbm>>
          %dma_wait3A_717 = tpu.memref_squeeze %dma_wait3A_716 : memref<1x100000xf32, #tpu.memory_space<hbm>> -> memref<100000xf32, #tpu.memory_space<hbm>>
          tpu.wait_dma2 semaphore(%run_scoped3A : memref<!tpu.dma_semaphore, #tpu.memory_space<semaphore_mem>>) src(%dma_wait3A_717 : memref<100000xf32, #tpu.memory_space<hbm>>) dst(%arg5 : memref<100000xf32, #tpu.memory_space<vmem>>)
          tpu.yield
        }) : () -> ()
      } else {
      }
      %add3A_614 = arith.constant 4 : i32
      %add3A_615 = arith.addi %add3A_589, %add3A_614 : i32
      %lt3A_616 = arith.constant 100 : i32
      %lt3A_617 = arith.cmpi slt, %add3A_615, %lt3A_616 : i32
      %convert_element_type3A_618 = arith.extui %lt3A_617 : i1 to i32
      %cond3A_619 = arith.constant 0 : i32
      %cond3A_620 = arith.cmpi ne, %convert_element_type3A_618, %cond3A_619 : i32
      scf.if %cond3A_620 {
        %add3A_706 = arith.constant 4 : i32
        %add3A_707 = arith.addi %add3A_589, %add3A_706 : i32
        %add3A_708 = arith.addi %add3A_707, %select_n3A : i32
        %ge3A_709 = arith.constant 100 : i32
        %ge3A_710 = arith.cmpi sge, %add3A_708, %ge3A_709 : i32
        %convert_element_type3A_711 = arith.extui %ge3A_710 : i1 to i32
        %mul3A_712 = arith.constant 100 : i32
        %mul3A_713 = arith.muli %mul3A_712, %convert_element_type3A_711 : i32
        %sub3A_714 = arith.subi %add3A_708, %mul3A_713 : i32
        %ge3A_715 = arith.constant 50 : i32
        %ge3A_716 = arith.cmpi sge, %sub3A_714, %ge3A_715 : i32
        %convert_element_type3A_717 = arith.extui %ge3A_716 : i1 to i32
        %mul3A_718 = arith.constant 50 : i32
        %mul3A_719 = arith.muli %mul3A_718, %convert_element_type3A_717 : i32
        %sub3A_720 = arith.subi %sub3A_714, %mul3A_719 : i32
        %dma_start3A_721 = arith.constant 0 : i32
        %dma_start3A_722 = tpu.memref_slice %arg3[%sub3A_720, %dma_start3A_721] : memref<50x4096xi32, #tpu.memory_space<hbm>> -> memref<1x4096xi32, #tpu.memory_space<hbm>>
        %dma_start3A_723 = tpu.memref_squeeze %dma_start3A_722 : memref<1x4096xi32, #tpu.memory_space<hbm>> -> memref<4096xi32, #tpu.memory_space<hbm>>
        %dma_start3A_724 = arith.constant 0 : i32
        %dma_start3A_725 = tpu.memref_slice %arg3[%sub3A_720, %dma_start3A_724] : memref<50x4096xi32, #tpu.memory_space<hbm>> -> memref<1x4096xi32, #tpu.memory_space<hbm>>
        %dma_start3A_726 = tpu.memref_squeeze %dma_start3A_725 : memref<1x4096xi32, #tpu.memory_space<hbm>> -> memref<4096xi32, #tpu.memory_space<hbm>>
        tpu.enqueue_dma source(%dma_start3A_726 : memref<4096xi32, #tpu.memory_space<hbm>>) target(%arg8 : memref<4096xi32, #tpu.memory_space<vmem>>) target_semaphore(%arg15 : memref<!tpu.dma_semaphore, #tpu.memory_space<semaphore_mem>>)
      } else {
      }
      %dma_wait3A_621 = arith.constant 0 : i32
      %dma_wait3A_622 = arith.constant 0 : i32
      %dma_wait3A_623 = tpu.memref_slice %arg3[%dma_wait3A_621, %dma_wait3A_622] : memref<50x4096xi32, #tpu.memory_space<hbm>> -> memref<1x4096xi32, #tpu.memory_space<hbm>>
      %dma_wait3A_624 = tpu.memref_squeeze %dma_wait3A_623 : memref<1x4096xi32, #tpu.memory_space<hbm>> -> memref<4096xi32, #tpu.memory_space<hbm>>
      %dma_wait3A_625 = arith.constant 0 : i32
      %dma_wait3A_626 = tpu.memref_slice %arg3[%dma_wait3A_621, %dma_wait3A_625] : memref<50x4096xi32, #tpu.memory_space<hbm>> -> memref<1x4096xi32, #tpu.memory_space<hbm>>
      %dma_wait3A_627 = tpu.memref_squeeze %dma_wait3A_626 : memref<1x4096xi32, #tpu.memory_space<hbm>> -> memref<4096xi32, #tpu.memory_space<hbm>>
      tpu.wait_dma2 semaphore(%arg16 : memref<!tpu.dma_semaphore, #tpu.memory_space<semaphore_mem>>) src(%dma_wait3A_627 : memref<4096xi32, #tpu.memory_space<hbm>>) dst(%arg9 : memref<4096xi32, #tpu.memory_space<vmem>>)
      %ge3A_628 = arith.constant 2 : i32
      %ge3A_629 = arith.cmpi sge, %add3A_589, %ge3A_628 : i32
      %convert_element_type3A_630 = arith.extui %ge3A_629 : i1 to i32
      %cond3A_631 = arith.constant 0 : i32
      %cond3A_632 = arith.cmpi ne, %convert_element_type3A_630, %cond3A_631 : i32
      scf.if %cond3A_632 {
        %dma_wait3A_706 = arith.constant 0 : i32
        %dma_wait3A_707 = arith.constant 0 : i32
        %dma_wait3A_708 = arith.constant 0 : i32
        %dma_wait3A_709 = tpu.memref_slice %arg4[%dma_wait3A_706, %dma_wait3A_707, %dma_wait3A_708] : memref<50x64x4096xf32, #tpu.memory_space<hbm>> -> memref<1x1x4096xf32, #tpu.memory_space<hbm>>
        %dma_wait3A_710 = tpu.memref_squeeze %dma_wait3A_709 : memref<1x1x4096xf32, #tpu.memory_space<hbm>> -> memref<4096xf32, #tpu.memory_space<hbm>>
        %dma_wait3A_711 = arith.constant 0 : i32
        %dma_wait3A_712 = tpu.memref_slice %arg4[%dma_wait3A_706, %dma_wait3A_707, %dma_wait3A_711] : memref<50x64x4096xf32, #tpu.memory_space<hbm>> -> memref<1x1x4096xf32, #tpu.memory_space<hbm>>
        %dma_wait3A_713 = tpu.memref_squeeze %dma_wait3A_712 : memref<1x1x4096xf32, #tpu.memory_space<hbm>> -> memref<4096xf32, #tpu.memory_space<hbm>>
        tpu.wait_dma2 semaphore(%arg18 : memref<!tpu.dma_semaphore, #tpu.memory_space<semaphore_mem>>) src(%arg11 : memref<4096xf32, #tpu.memory_space<vmem>>) dst(%dma_wait3A_713 : memref<4096xf32, #tpu.memory_space<hbm>>)
      } else {
      }
      %scan3A_633 = arith.constant 0 : i32
      %scan3A_634 = arith.constant 32 : i32
      %scan3A_635 = arith.addi %scan3A_633, %scan3A_634 : i32
      %scan3A_636 = arith.constant 1 : i32
      scf.for %scan3A_706 = %scan3A_633 to %scan3A_635 step %scan3A_636  : i32 {
        %mul3A_707 = arith.constant 1 : i32
        %mul3A_708 = arith.muli %scan3A_706, %mul3A_707 : i32
        %add3A_709 = arith.constant 0 : i32
        %add3A_710 = arith.addi %add3A_709, %mul3A_708 : i32
        %mul3A_711 = arith.constant 128 : i32
        %mul3A_712 = arith.muli %add3A_710, %mul3A_711 : i32
        %add3A_713 = arith.constant 0 : i32
        %add3A_714 = arith.addi %mul3A_712, %add3A_713 : i32
        %get3A = arith.index_cast %add3A_714 : i32 to index
        %get3A_715 = tpu.vector_load %arg9[%get3A] {strides = array<i32>} : memref<4096xi32, #tpu.memory_space<vmem>>, vector<16xi32>,
        %add3A_716 = arith.constant 16 : i32
        %add3A_717 = arith.addi %mul3A_712, %add3A_716 : i32
        %get3A_718 = arith.index_cast %add3A_717 : i32 to index
        %get3A_719 = tpu.vector_load %arg9[%get3A_718] {strides = array<i32>} : memref<4096xi32, #tpu.memory_space<vmem>>, vector<16xi32>,
        %add3A_720 = arith.constant 32 : i32
        %add3A_721 = arith.addi %mul3A_712, %add3A_720 : i32
        %get3A_722 = arith.index_cast %add3A_721 : i32 to index
        %get3A_723 = tpu.vector_load %arg9[%get3A_722] {strides = array<i32>} : memref<4096xi32, #tpu.memory_space<vmem>>, vector<16xi32>,
        %add3A_724 = arith.constant 48 : i32
        %add3A_725 = arith.addi %mul3A_712, %add3A_724 : i32
        %get3A_726 = arith.index_cast %add3A_725 : i32 to index
        %get3A_727 = tpu.vector_load %arg9[%get3A_726] {strides = array<i32>} : memref<4096xi32, #tpu.memory_space<vmem>>, vector<16xi32>,
        %add3A_728 = arith.constant 64 : i32
        %add3A_729 = arith.addi %mul3A_712, %add3A_728 : i32
        %get3A_730 = arith.index_cast %add3A_729 : i32 to index
        %get3A_731 = tpu.vector_load %arg9[%get3A_730] {strides = array<i32>} : memref<4096xi32, #tpu.memory_space<vmem>>, vector<16xi32>,
        %add3A_732 = arith.constant 80 : i32
        %add3A_733 = arith.addi %mul3A_712, %add3A_732 : i32
        %get3A_734 = arith.index_cast %add3A_733 : i32 to index
        %get3A_735 = tpu.vector_load %arg9[%get3A_734] {strides = array<i32>} : memref<4096xi32, #tpu.memory_space<vmem>>, vector<16xi32>,
        %add3A_736 = arith.constant 96 : i32
        %add3A_737 = arith.addi %mul3A_712, %add3A_736 : i32
        %get3A_738 = arith.index_cast %add3A_737 : i32 to index
        %get3A_739 = tpu.vector_load %arg9[%get3A_738] {strides = array<i32>} : memref<4096xi32, #tpu.memory_space<vmem>>, vector<16xi32>,
        %add3A_740 = arith.constant 112 : i32
        %add3A_741 = arith.addi %mul3A_712, %add3A_740 : i32
        %get3A_742 = arith.index_cast %add3A_741 : i32 to index
        %get3A_743 = tpu.vector_load %arg9[%get3A_742] {strides = array<i32>} : memref<4096xi32, #tpu.memory_space<vmem>>, vector<16xi32>,
        %gather3A = tpu.vector_load_idx %arg5[%get3A_715] : memref<100000xf32, #tpu.memory_space<vmem>>[vector<16xi32>], vector<16xf32>,
        %gather3A_744 = tpu.vector_load_idx %arg5[%get3A_719] : memref<100000xf32, #tpu.memory_space<vmem>>[vector<16xi32>], vector<16xf32>,
        %gather3A_745 = tpu.vector_load_idx %arg5[%get3A_723] : memref<100000xf32, #tpu.memory_space<vmem>>[vector<16xi32>], vector<16xf32>,
        %gather3A_746 = tpu.vector_load_idx %arg5[%get3A_727] : memref<100000xf32, #tpu.memory_space<vmem>>[vector<16xi32>], vector<16xf32>,
        %gather3A_747 = tpu.vector_load_idx %arg5[%get3A_731] : memref<100000xf32, #tpu.memory_space<vmem>>[vector<16xi32>], vector<16xf32>,
        %gather3A_748 = tpu.vector_load_idx %arg5[%get3A_735] : memref<100000xf32, #tpu.memory_space<vmem>>[vector<16xi32>], vector<16xf32>,
        %gather3A_749 = tpu.vector_load_idx %arg5[%get3A_739] : memref<100000xf32, #tpu.memory_space<vmem>>[vector<16xi32>], vector<16xf32>,
        %gather3A_750 = tpu.vector_load_idx %arg5[%get3A_743] : memref<100000xf32, #tpu.memory_space<vmem>>[vector<16xi32>], vector<16xf32>,
        %add3A_751 = arith.constant 0 : i32
        %add3A_752 = arith.addi %mul3A_712, %add3A_751 : i32
        %swap3A = arith.index_cast %add3A_752 : i32 to index
        %swap3A_753 = tpu.vector_load %arg11[%swap3A] {strides = array<i32>} : memref<4096xf32, #tpu.memory_space<vmem>>, vector<16xf32>,
        tpu.vector_store %arg11[%swap3A], %gather3A {strides = array<i32>} : memref<4096xf32, #tpu.memory_space<vmem>>, vector<16xf32>,
        %add3A_754 = arith.constant 16 : i32
        %add3A_755 = arith.addi %mul3A_712, %add3A_754 : i32
        %swap3A_756 = arith.index_cast %add3A_755 : i32 to index
        %swap3A_757 = tpu.vector_load %arg11[%swap3A_756] {strides = array<i32>} : memref<4096xf32, #tpu.memory_space<vmem>>, vector<16xf32>,
        tpu.vector_store %arg11[%swap3A_756], %gather3A_744 {strides = array<i32>} : memref<4096xf32, #tpu.memory_space<vmem>>, vector<16xf32>,
        %add3A_758 = arith.constant 32 : i32
        %add3A_759 = arith.addi %mul3A_712, %add3A_758 : i32
        %swap3A_760 = arith.index_cast %add3A_759 : i32 to index
        %swap3A_761 = tpu.vector_load %arg11[%swap3A_760] {strides = array<i32>} : memref<4096xf32, #tpu.memory_space<vmem>>, vector<16xf32>,
        tpu.vector_store %arg11[%swap3A_760], %gather3A_745 {strides = array<i32>} : memref<4096xf32, #tpu.memory_space<vmem>>, vector<16xf32>,
        %add3A_762 = arith.constant 48 : i32
        %add3A_763 = arith.addi %mul3A_712, %add3A_762 : i32
        %swap3A_764 = arith.index_cast %add3A_763 : i32 to index
        %swap3A_765 = tpu.vector_load %arg11[%swap3A_764] {strides = array<i32>} : memref<4096xf32, #tpu.memory_space<vmem>>, vector<16xf32>,
        tpu.vector_store %arg11[%swap3A_764], %gather3A_746 {strides = array<i32>} : memref<4096xf32, #tpu.memory_space<vmem>>, vector<16xf32>,
        %add3A_766 = arith.constant 64 : i32
        %add3A_767 = arith.addi %mul3A_712, %add3A_766 : i32
        %swap3A_768 = arith.index_cast %add3A_767 : i32 to index
        %swap3A_769 = tpu.vector_load %arg11[%swap3A_768] {strides = array<i32>} : memref<4096xf32, #tpu.memory_space<vmem>>, vector<16xf32>,
        tpu.vector_store %arg11[%swap3A_768], %gather3A_747 {strides = array<i32>} : memref<4096xf32, #tpu.memory_space<vmem>>, vector<16xf32>,
        %add3A_770 = arith.constant 80 : i32
        %add3A_771 = arith.addi %mul3A_712, %add3A_770 : i32
        %swap3A_772 = arith.index_cast %add3A_771 : i32 to index
        %swap3A_773 = tpu.vector_load %arg11[%swap3A_772] {strides = array<i32>} : memref<4096xf32, #tpu.memory_space<vmem>>, vector<16xf32>,
        tpu.vector_store %arg11[%swap3A_772], %gather3A_748 {strides = array<i32>} : memref<4096xf32, #tpu.memory_space<vmem>>, vector<16xf32>,
        %add3A_774 = arith.constant 96 : i32
        %add3A_775 = arith.addi %mul3A_712, %add3A_774 : i32
        %swap3A_776 = arith.index_cast %add3A_775 : i32 to index
        %swap3A_777 = tpu.vector_load %arg11[%swap3A_776] {strides = array<i32>} : memref<4096xf32, #tpu.memory_space<vmem>>, vector<16xf32>,
        tpu.vector_store %arg11[%swap3A_776], %gather3A_749 {strides = array<i32>} : memref<4096xf32, #tpu.memory_space<vmem>>, vector<16xf32>,
        %add3A_778 = arith.constant 112 : i32
        %add3A_779 = arith.addi %mul3A_712, %add3A_778 : i32
        %swap3A_780 = arith.index_cast %add3A_779 : i32 to index
        %swap3A_781 = tpu.vector_load %arg11[%swap3A_780] {strides = array<i32>} : memref<4096xf32, #tpu.memory_space<vmem>>, vector<16xf32>,
        tpu.vector_store %arg11[%swap3A_780], %gather3A_750 {strides = array<i32>} : memref<4096xf32, #tpu.memory_space<vmem>>, vector<16xf32>,
      }
      %scan3A_637 = arith.constant 32 : i32
      %mul3A_638 = arith.constant 50 : i32
      %mul3A_639 = arith.muli %mul3A_638, %convert_element_type3A_599 : i32
      %sub3A_640 = arith.subi %sub3A_596, %mul3A_639 : i32
      %dma_start3A_641 = arith.constant 0 : i32
      %dma_start3A_642 = tpu.memref_slice %arg4[%sub3A_640, %add3A_602, %dma_start3A_641] : memref<50x64x4096xf32, #tpu.memory_space<hbm>> -> memref<1x1x4096xf32, #tpu.memory_space<hbm>>
      %dma_start3A_643 = tpu.memref_squeeze %dma_start3A_642 : memref<1x1x4096xf32, #tpu.memory_space<hbm>> -> memref<4096xf32, #tpu.memory_space<hbm>>
      %dma_start3A_644 = arith.constant 0 : i32
      %dma_start3A_645 = tpu.memref_slice %arg4[%sub3A_640, %add3A_602, %dma_start3A_644] : memref<50x64x4096xf32, #tpu.memory_space<hbm>> -> memref<1x1x4096xf32, #tpu.memory_space<hbm>>
      %dma_start3A_646 = tpu.memref_squeeze %dma_start3A_645 : memref<1x1x4096xf32, #tpu.memory_space<hbm>> -> memref<4096xf32, #tpu.memory_space<hbm>>
      tpu.enqueue_dma source(%arg11 : memref<4096xf32, #tpu.memory_space<vmem>>) target(%dma_start3A_646 : memref<4096xf32, #tpu.memory_space<hbm>>) target_semaphore(%arg18 : memref<!tpu.dma_semaphore, #tpu.memory_space<semaphore_mem>>)
      %add3A_647 = arith.constant 9 : i32
      %add3A_648 = arith.addi %add3A_119, %add3A_647 : i32
      %add3A_649 = arith.addi %add3A_648, %select_n3A : i32
      %ge3A_650 = arith.constant 100 : i32
      %ge3A_651 = arith.cmpi sge, %add3A_649, %ge3A_650 : i32
      %convert_element_type3A_652 = arith.extui %ge3A_651 : i1 to i32
      %mul3A_653 = arith.constant 100 : i32
      %mul3A_654 = arith.muli %mul3A_653, %convert_element_type3A_652 : i32
      %sub3A_655 = arith.subi %add3A_649, %mul3A_654 : i32
      %ge3A_656 = arith.constant 50 : i32
      %ge3A_657 = arith.cmpi sge, %sub3A_655, %ge3A_656 : i32
      %convert_element_type3A_658 = arith.extui %ge3A_657 : i1 to i32
      %mul3A_659 = arith.constant 32 : i32
      %mul3A_660 = arith.muli %mul3A_659, %convert_element_type3A_658 : i32
      %add3A_661 = arith.addi %add3A, %mul3A_660 : i32
      %eq3A_662 = arith.constant 0 : i32
      %eq3A_663 = arith.cmpi eq, %add3A_648, %eq3A_662 : i32
      %mul3A_664 = arith.constant 50 : i32
      %mul3A_665 = arith.muli %mul3A_664, %convert_element_type3A_658 : i32
      %sub3A_666 = arith.subi %sub3A_655, %mul3A_665 : i32
      %eq3A_667 = arith.constant 0 : i32
      %eq3A_668 = arith.cmpi eq, %sub3A_666, %eq3A_667 : i32
      %or3A_669 = arith.ori %eq3A_663, %eq3A_668 : i1
      %convert_element_type3A_670 = arith.extui %or3A_669 : i1 to i32
      %cond3A_671 = arith.constant 0 : i32
      %cond3A_672 = arith.cmpi ne, %convert_element_type3A_670, %cond3A_671 : i32
      scf.if %cond3A_672 {
        "tpu.region"() ({
          %run_scoped3A = tpu.sem_alloc : memref<!tpu.dma_semaphore, #tpu.memory_space<semaphore_mem>>
          %dma_start3A_706 = arith.constant 0 : i32
          %dma_start3A_707 = tpu.memref_slice %arg2[%add3A_661, %dma_start3A_706] : memref<64x100000xf32, #tpu.memory_space<hbm>> -> memref<1x100000xf32, #tpu.memory_space<hbm>>
          %dma_start3A_708 = tpu.memref_squeeze %dma_start3A_707 : memref<1x100000xf32, #tpu.memory_space<hbm>> -> memref<100000xf32, #tpu.memory_space<hbm>>
          %dma_start3A_709 = arith.constant 0 : i32
          %dma_start3A_710 = tpu.memref_slice %arg2[%add3A_661, %dma_start3A_709] : memref<64x100000xf32, #tpu.memory_space<hbm>> -> memref<1x100000xf32, #tpu.memory_space<hbm>>
          %dma_start3A_711 = tpu.memref_squeeze %dma_start3A_710 : memref<1x100000xf32, #tpu.memory_space<hbm>> -> memref<100000xf32, #tpu.memory_space<hbm>>
          tpu.enqueue_dma source(%dma_start3A_711 : memref<100000xf32, #tpu.memory_space<hbm>>) target(%arg5 : memref<100000xf32, #tpu.memory_space<vmem>>) target_semaphore(%run_scoped3A : memref<!tpu.dma_semaphore, #tpu.memory_space<semaphore_mem>>)
          %dma_wait3A_712 = arith.constant 0 : i32
          %dma_wait3A_713 = tpu.memref_slice %arg2[%add3A_661, %dma_wait3A_712] : memref<64x100000xf32, #tpu.memory_space<hbm>> -> memref<1x100000xf32, #tpu.memory_space<hbm>>
          %dma_wait3A_714 = tpu.memref_squeeze %dma_wait3A_713 : memref<1x100000xf32, #tpu.memory_space<hbm>> -> memref<100000xf32, #tpu.memory_space<hbm>>
          %dma_wait3A_715 = arith.constant 0 : i32
          %dma_wait3A_716 = tpu.memref_slice %arg2[%add3A_661, %dma_wait3A_715] : memref<64x100000xf32, #tpu.memory_space<hbm>> -> memref<1x100000xf32, #tpu.memory_space<hbm>>
          %dma_wait3A_717 = tpu.memref_squeeze %dma_wait3A_716 : memref<1x100000xf32, #tpu.memory_space<hbm>> -> memref<100000xf32, #tpu.memory_space<hbm>>
          tpu.wait_dma2 semaphore(%run_scoped3A : memref<!tpu.dma_semaphore, #tpu.memory_space<semaphore_mem>>) src(%dma_wait3A_717 : memref<100000xf32, #tpu.memory_space<hbm>>) dst(%arg5 : memref<100000xf32, #tpu.memory_space<vmem>>)
          tpu.yield
        }) : () -> ()
      } else {
      }
      %add3A_673 = arith.constant 4 : i32
      %add3A_674 = arith.addi %add3A_648, %add3A_673 : i32
      %lt3A_675 = arith.constant 100 : i32
      %lt3A_676 = arith.cmpi slt, %add3A_674, %lt3A_675 : i32
      %convert_element_type3A_677 = arith.extui %lt3A_676 : i1 to i32
      %cond3A_678 = arith.constant 0 : i32
      %cond3A_679 = arith.cmpi ne, %convert_element_type3A_677, %cond3A_678 : i32
      scf.if %cond3A_679 {
        %add3A_706 = arith.constant 4 : i32
        %add3A_707 = arith.addi %add3A_648, %add3A_706 : i32
        %add3A_708 = arith.addi %add3A_707, %select_n3A : i32
        %ge3A_709 = arith.constant 100 : i32
        %ge3A_710 = arith.cmpi sge, %add3A_708, %ge3A_709 : i32
        %convert_element_type3A_711 = arith.extui %ge3A_710 : i1 to i32
        %mul3A_712 = arith.constant 100 : i32
        %mul3A_713 = arith.muli %mul3A_712, %convert_element_type3A_711 : i32
        %sub3A_714 = arith.subi %add3A_708, %mul3A_713 : i32
        %ge3A_715 = arith.constant 50 : i32
        %ge3A_716 = arith.cmpi sge, %sub3A_714, %ge3A_715 : i32
        %convert_element_type3A_717 = arith.extui %ge3A_716 : i1 to i32
        %mul3A_718 = arith.constant 50 : i32
        %mul3A_719 = arith.muli %mul3A_718, %convert_element_type3A_717 : i32
        %sub3A_720 = arith.subi %sub3A_714, %mul3A_719 : i32
        %dma_start3A_721 = arith.constant 0 : i32
        %dma_start3A_722 = tpu.memref_slice %arg3[%sub3A_720, %dma_start3A_721] : memref<50x4096xi32, #tpu.memory_space<hbm>> -> memref<1x4096xi32, #tpu.memory_space<hbm>>
        %dma_start3A_723 = tpu.memref_squeeze %dma_start3A_722 : memref<1x4096xi32, #tpu.memory_space<hbm>> -> memref<4096xi32, #tpu.memory_space<hbm>>
        %dma_start3A_724 = arith.constant 0 : i32
        %dma_start3A_725 = tpu.memref_slice %arg3[%sub3A_720, %dma_start3A_724] : memref<50x4096xi32, #tpu.memory_space<hbm>> -> memref<1x4096xi32, #tpu.memory_space<hbm>>
        %dma_start3A_726 = tpu.memref_squeeze %dma_start3A_725 : memref<1x4096xi32, #tpu.memory_space<hbm>> -> memref<4096xi32, #tpu.memory_space<hbm>>
        tpu.enqueue_dma source(%dma_start3A_726 : memref<4096xi32, #tpu.memory_space<hbm>>) target(%arg9 : memref<4096xi32, #tpu.memory_space<vmem>>) target_semaphore(%arg16 : memref<!tpu.dma_semaphore, #tpu.memory_space<semaphore_mem>>)
      } else {
      }
      %dma_wait3A_680 = arith.constant 0 : i32
      %dma_wait3A_681 = arith.constant 0 : i32
      %dma_wait3A_682 = tpu.memref_slice %arg3[%dma_wait3A_680, %dma_wait3A_681] : memref<50x4096xi32, #tpu.memory_space<hbm>> -> memref<1x4096xi32, #tpu.memory_space<hbm>>
      %dma_wait3A_683 = tpu.memref_squeeze %dma_wait3A_682 : memref<1x4096xi32, #tpu.memory_space<hbm>> -> memref<4096xi32, #tpu.memory_space<hbm>>
      %dma_wait3A_684 = arith.constant 0 : i32
      %dma_wait3A_685 = tpu.memref_slice %arg3[%dma_wait3A_680, %dma_wait3A_684] : memref<50x4096xi32, #tpu.memory_space<hbm>> -> memref<1x4096xi32, #tpu.memory_space<hbm>>
      %dma_wait3A_686 = tpu.memref_squeeze %dma_wait3A_685 : memref<1x4096xi32, #tpu.memory_space<hbm>> -> memref<4096xi32, #tpu.memory_space<hbm>>
      tpu.wait_dma2 semaphore(%arg17 : memref<!tpu.dma_semaphore, #tpu.memory_space<semaphore_mem>>) src(%dma_wait3A_686 : memref<4096xi32, #tpu.memory_space<hbm>>) dst(%arg10 : memref<4096xi32, #tpu.memory_space<vmem>>)
      %ge3A_687 = arith.constant 2 : i32
      %ge3A_688 = arith.cmpi sge, %add3A_648, %ge3A_687 : i32
      %convert_element_type3A_689 = arith.extui %ge3A_688 : i1 to i32
      %cond3A_690 = arith.constant 0 : i32
      %cond3A_691 = arith.cmpi ne, %convert_element_type3A_689, %cond3A_690 : i32
      scf.if %cond3A_691 {
        %dma_wait3A_706 = arith.constant 0 : i32
        %dma_wait3A_707 = arith.constant 0 : i32
        %dma_wait3A_708 = arith.constant 0 : i32
        %dma_wait3A_709 = tpu.memref_slice %arg4[%dma_wait3A_706, %dma_wait3A_707, %dma_wait3A_708] : memref<50x64x4096xf32, #tpu.memory_space<hbm>> -> memref<1x1x4096xf32, #tpu.memory_space<hbm>>
        %dma_wait3A_710 = tpu.memref_squeeze %dma_wait3A_709 : memref<1x1x4096xf32, #tpu.memory_space<hbm>> -> memref<4096xf32, #tpu.memory_space<hbm>>
        %dma_wait3A_711 = arith.constant 0 : i32
        %dma_wait3A_712 = tpu.memref_slice %arg4[%dma_wait3A_706, %dma_wait3A_707, %dma_wait3A_711] : memref<50x64x4096xf32, #tpu.memory_space<hbm>> -> memref<1x1x4096xf32, #tpu.memory_space<hbm>>
        %dma_wait3A_713 = tpu.memref_squeeze %dma_wait3A_712 : memref<1x1x4096xf32, #tpu.memory_space<hbm>> -> memref<4096xf32, #tpu.memory_space<hbm>>
        tpu.wait_dma2 semaphore(%arg19 : memref<!tpu.dma_semaphore, #tpu.memory_space<semaphore_mem>>) src(%arg12 : memref<4096xf32, #tpu.memory_space<vmem>>) dst(%dma_wait3A_713 : memref<4096xf32, #tpu.memory_space<hbm>>)
      } else {
      }
      %scan3A_692 = arith.constant 0 : i32
      %scan3A_693 = arith.constant 32 : i32
      %scan3A_694 = arith.addi %scan3A_692, %scan3A_693 : i32
      %scan3A_695 = arith.constant 1 : i32
      scf.for %scan3A_706 = %scan3A_692 to %scan3A_694 step %scan3A_695  : i32 {
        %mul3A_707 = arith.constant 1 : i32
        %mul3A_708 = arith.muli %scan3A_706, %mul3A_707 : i32
        %add3A_709 = arith.constant 0 : i32
        %add3A_710 = arith.addi %add3A_709, %mul3A_708 : i32
        %mul3A_711 = arith.constant 128 : i32
        %mul3A_712 = arith.muli %add3A_710, %mul3A_711 : i32
        %add3A_713 = arith.constant 0 : i32
        %add3A_714 = arith.addi %mul3A_712, %add3A_713 : i32
        %get3A = arith.index_cast %add3A_714 : i32 to index
        %get3A_715 = tpu.vector_load %arg10[%get3A] {strides = array<i32>} : memref<4096xi32, #tpu.memory_space<vmem>>, vector<16xi32>,
        %add3A_716 = arith.constant 16 : i32
        %add3A_717 = arith.addi %mul3A_712, %add3A_716 : i32
        %get3A_718 = arith.index_cast %add3A_717 : i32 to index
        %get3A_719 = tpu.vector_load %arg10[%get3A_718] {strides = array<i32>} : memref<4096xi32, #tpu.memory_space<vmem>>, vector<16xi32>,
        %add3A_720 = arith.constant 32 : i32
        %add3A_721 = arith.addi %mul3A_712, %add3A_720 : i32
        %get3A_722 = arith.index_cast %add3A_721 : i32 to index
        %get3A_723 = tpu.vector_load %arg10[%get3A_722] {strides = array<i32>} : memref<4096xi32, #tpu.memory_space<vmem>>, vector<16xi32>,
        %add3A_724 = arith.constant 48 : i32
        %add3A_725 = arith.addi %mul3A_712, %add3A_724 : i32
        %get3A_726 = arith.index_cast %add3A_725 : i32 to index
        %get3A_727 = tpu.vector_load %arg10[%get3A_726] {strides = array<i32>} : memref<4096xi32, #tpu.memory_space<vmem>>, vector<16xi32>,
        %add3A_728 = arith.constant 64 : i32
        %add3A_729 = arith.addi %mul3A_712, %add3A_728 : i32
        %get3A_730 = arith.index_cast %add3A_729 : i32 to index
        %get3A_731 = tpu.vector_load %arg10[%get3A_730] {strides = array<i32>} : memref<4096xi32, #tpu.memory_space<vmem>>, vector<16xi32>,
        %add3A_732 = arith.constant 80 : i32
        %add3A_733 = arith.addi %mul3A_712, %add3A_732 : i32
        %get3A_734 = arith.index_cast %add3A_733 : i32 to index
        %get3A_735 = tpu.vector_load %arg10[%get3A_734] {strides = array<i32>} : memref<4096xi32, #tpu.memory_space<vmem>>, vector<16xi32>,
        %add3A_736 = arith.constant 96 : i32
        %add3A_737 = arith.addi %mul3A_712, %add3A_736 : i32
        %get3A_738 = arith.index_cast %add3A_737 : i32 to index
        %get3A_739 = tpu.vector_load %arg10[%get3A_738] {strides = array<i32>} : memref<4096xi32, #tpu.memory_space<vmem>>, vector<16xi32>,
        %add3A_740 = arith.constant 112 : i32
        %add3A_741 = arith.addi %mul3A_712, %add3A_740 : i32
        %get3A_742 = arith.index_cast %add3A_741 : i32 to index
        %get3A_743 = tpu.vector_load %arg10[%get3A_742] {strides = array<i32>} : memref<4096xi32, #tpu.memory_space<vmem>>, vector<16xi32>,
        %gather3A = tpu.vector_load_idx %arg5[%get3A_715] : memref<100000xf32, #tpu.memory_space<vmem>>[vector<16xi32>], vector<16xf32>,
        %gather3A_744 = tpu.vector_load_idx %arg5[%get3A_719] : memref<100000xf32, #tpu.memory_space<vmem>>[vector<16xi32>], vector<16xf32>,
        %gather3A_745 = tpu.vector_load_idx %arg5[%get3A_723] : memref<100000xf32, #tpu.memory_space<vmem>>[vector<16xi32>], vector<16xf32>,
        %gather3A_746 = tpu.vector_load_idx %arg5[%get3A_727] : memref<100000xf32, #tpu.memory_space<vmem>>[vector<16xi32>], vector<16xf32>,
        %gather3A_747 = tpu.vector_load_idx %arg5[%get3A_731] : memref<100000xf32, #tpu.memory_space<vmem>>[vector<16xi32>], vector<16xf32>,
        %gather3A_748 = tpu.vector_load_idx %arg5[%get3A_735] : memref<100000xf32, #tpu.memory_space<vmem>>[vector<16xi32>], vector<16xf32>,
        %gather3A_749 = tpu.vector_load_idx %arg5[%get3A_739] : memref<100000xf32, #tpu.memory_space<vmem>>[vector<16xi32>], vector<16xf32>,
        %gather3A_750 = tpu.vector_load_idx %arg5[%get3A_743] : memref<100000xf32, #tpu.memory_space<vmem>>[vector<16xi32>], vector<16xf32>,
        %add3A_751 = arith.constant 0 : i32
        %add3A_752 = arith.addi %mul3A_712, %add3A_751 : i32
        %swap3A = arith.index_cast %add3A_752 : i32 to index
        %swap3A_753 = tpu.vector_load %arg12[%swap3A] {strides = array<i32>} : memref<4096xf32, #tpu.memory_space<vmem>>, vector<16xf32>,
        tpu.vector_store %arg12[%swap3A], %gather3A {strides = array<i32>} : memref<4096xf32, #tpu.memory_space<vmem>>, vector<16xf32>,
        %add3A_754 = arith.constant 16 : i32
        %add3A_755 = arith.addi %mul3A_712, %add3A_754 : i32
        %swap3A_756 = arith.index_cast %add3A_755 : i32 to index
        %swap3A_757 = tpu.vector_load %arg12[%swap3A_756] {strides = array<i32>} : memref<4096xf32, #tpu.memory_space<vmem>>, vector<16xf32>,
        tpu.vector_store %arg12[%swap3A_756], %gather3A_744 {strides = array<i32>} : memref<4096xf32, #tpu.memory_space<vmem>>, vector<16xf32>,
        %add3A_758 = arith.constant 32 : i32
        %add3A_759 = arith.addi %mul3A_712, %add3A_758 : i32
        %swap3A_760 = arith.index_cast %add3A_759 : i32 to index
        %swap3A_761 = tpu.vector_load %arg12[%swap3A_760] {strides = array<i32>} : memref<4096xf32, #tpu.memory_space<vmem>>, vector<16xf32>,
        tpu.vector_store %arg12[%swap3A_760], %gather3A_745 {strides = array<i32>} : memref<4096xf32, #tpu.memory_space<vmem>>, vector<16xf32>,
        %add3A_762 = arith.constant 48 : i32
        %add3A_763 = arith.addi %mul3A_712, %add3A_762 : i32
        %swap3A_764 = arith.index_cast %add3A_763 : i32 to index
        %swap3A_765 = tpu.vector_load %arg12[%swap3A_764] {strides = array<i32>} : memref<4096xf32, #tpu.memory_space<vmem>>, vector<16xf32>,
        tpu.vector_store %arg12[%swap3A_764], %gather3A_746 {strides = array<i32>} : memref<4096xf32, #tpu.memory_space<vmem>>, vector<16xf32>,
        %add3A_766 = arith.constant 64 : i32
        %add3A_767 = arith.addi %mul3A_712, %add3A_766 : i32
        %swap3A_768 = arith.index_cast %add3A_767 : i32 to index
        %swap3A_769 = tpu.vector_load %arg12[%swap3A_768] {strides = array<i32>} : memref<4096xf32, #tpu.memory_space<vmem>>, vector<16xf32>,
        tpu.vector_store %arg12[%swap3A_768], %gather3A_747 {strides = array<i32>} : memref<4096xf32, #tpu.memory_space<vmem>>, vector<16xf32>,
        %add3A_770 = arith.constant 80 : i32
        %add3A_771 = arith.addi %mul3A_712, %add3A_770 : i32
        %swap3A_772 = arith.index_cast %add3A_771 : i32 to index
        %swap3A_773 = tpu.vector_load %arg12[%swap3A_772] {strides = array<i32>} : memref<4096xf32, #tpu.memory_space<vmem>>, vector<16xf32>,
        tpu.vector_store %arg12[%swap3A_772], %gather3A_748 {strides = array<i32>} : memref<4096xf32, #tpu.memory_space<vmem>>, vector<16xf32>,
        %add3A_774 = arith.constant 96 : i32
        %add3A_775 = arith.addi %mul3A_712, %add3A_774 : i32
        %swap3A_776 = arith.index_cast %add3A_775 : i32 to index
        %swap3A_777 = tpu.vector_load %arg12[%swap3A_776] {strides = array<i32>} : memref<4096xf32, #tpu.memory_space<vmem>>, vector<16xf32>,
        tpu.vector_store %arg12[%swap3A_776], %gather3A_749 {strides = array<i32>} : memref<4096xf32, #tpu.memory_space<vmem>>, vector<16xf32>,
        %add3A_778 = arith.constant 112 : i32
        %add3A_779 = arith.addi %mul3A_712, %add3A_778 : i32
        %swap3A_780 = arith.index_cast %add3A_779 : i32 to index
        %swap3A_781 = tpu.vector_load %arg12[%swap3A_780] {strides = array<i32>} : memref<4096xf32, #tpu.memory_space<vmem>>, vector<16xf32>,
        tpu.vector_store %arg12[%swap3A_780], %gather3A_750 {strides = array<i32>} : memref<4096xf32, #tpu.memory_space<vmem>>, vector<16xf32>,
      }
      %scan3A_696 = arith.constant 32 : i32
      %mul3A_697 = arith.constant 50 : i32
      %mul3A_698 = arith.muli %mul3A_697, %convert_element_type3A_658 : i32
      %sub3A_699 = arith.subi %sub3A_655, %mul3A_698 : i32
      %dma_start3A_700 = arith.constant 0 : i32
      %dma_start3A_701 = tpu.memref_slice %arg4[%sub3A_699, %add3A_661, %dma_start3A_700] : memref<50x64x4096xf32, #tpu.memory_space<hbm>> -> memref<1x1x4096xf32, #tpu.memory_space<hbm>>
      %dma_start3A_702 = tpu.memref_squeeze %dma_start3A_701 : memref<1x1x4096xf32, #tpu.memory_space<hbm>> -> memref<4096xf32, #tpu.memory_space<hbm>>
      %dma_start3A_703 = arith.constant 0 : i32
      %dma_start3A_704 = tpu.memref_slice %arg4[%sub3A_699, %add3A_661, %dma_start3A_703] : memref<50x64x4096xf32, #tpu.memory_space<hbm>> -> memref<1x1x4096xf32, #tpu.memory_space<hbm>>
      %dma_start3A_705 = tpu.memref_squeeze %dma_start3A_704 : memref<1x1x4096xf32, #tpu.memory_space<hbm>> -> memref<4096xf32, #tpu.memory_space<hbm>>
      tpu.enqueue_dma source(%arg12 : memref<4096xf32, #tpu.memory_space<vmem>>) target(%dma_start3A_705 : memref<4096xf32, #tpu.memory_space<hbm>>) target_semaphore(%arg19 : memref<!tpu.dma_semaphore, #tpu.memory_space<semaphore_mem>>)
    }
    %scan3A_99 = arith.constant 10 : i32
    %dma_wait3A = arith.constant 0 : i32
    %dma_wait3A_100 = arith.constant 0 : i32
    %dma_wait3A_101 = arith.constant 0 : i32
    %dma_wait3A_102 = tpu.memref_slice %arg4[%dma_wait3A, %dma_wait3A_100, %dma_wait3A_101] : memref<50x64x4096xf32, #tpu.memory_space<hbm>> -> memref<1x1x4096xf32, #tpu.memory_space<hbm>>
    %dma_wait3A_103 = tpu.memref_squeeze %dma_wait3A_102 : memref<1x1x4096xf32, #tpu.memory_space<hbm>> -> memref<4096xf32, #tpu.memory_space<hbm>>
    %dma_wait3A_104 = arith.constant 0 : i32
    %dma_wait3A_105 = tpu.memref_slice %arg4[%dma_wait3A, %dma_wait3A_100, %dma_wait3A_104] : memref<50x64x4096xf32, #tpu.memory_space<hbm>> -> memref<1x1x4096xf32, #tpu.memory_space<hbm>>
    %dma_wait3A_106 = tpu.memref_squeeze %dma_wait3A_105 : memref<1x1x4096xf32, #tpu.memory_space<hbm>> -> memref<4096xf32, #tpu.memory_space<hbm>>
    tpu.wait_dma2 semaphore(%arg18 : memref<!tpu.dma_semaphore, #tpu.memory_space<semaphore_mem>>) src(%arg11 : memref<4096xf32, #tpu.memory_space<vmem>>) dst(%dma_wait3A_106 : memref<4096xf32, #tpu.memory_space<hbm>>)
    %dma_wait3A_107 = arith.constant 0 : i32
    %dma_wait3A_108 = arith.constant 0 : i32
    %dma_wait3A_109 = arith.constant 0 : i32
    %dma_wait3A_110 = tpu.memref_slice %arg4[%dma_wait3A_107, %dma_wait3A_108, %dma_wait3A_109] : memref<50x64x4096xf32, #tpu.memory_space<hbm>> -> memref<1x1x4096xf32, #tpu.memory_space<hbm>>
    %dma_wait3A_111 = tpu.memref_squeeze %dma_wait3A_110 : memref<1x1x4096xf32, #tpu.memory_space<hbm>> -> memref<4096xf32, #tpu.memory_space<hbm>>
    %dma_wait3A_112 = arith.constant 0 : i32
    %dma_wait3A_113 = tpu.memref_slice %arg4[%dma_wait3A_107, %dma_wait3A_108, %dma_wait3A_112] : memref<50x64x4096xf32, #tpu.memory_space<hbm>> -> memref<1x1x4096xf32, #tpu.memory_space<hbm>>
    %dma_wait3A_114 = tpu.memref_squeeze %dma_wait3A_113 : memref<1x1x4096xf32, #tpu.memory_space<hbm>> -> memref<4096xf32, #tpu.memory_space<hbm>>
    tpu.wait_dma2 semaphore(%arg19 : memref<!tpu.dma_semaphore, #tpu.memory_space<semaphore_mem>>) src(%arg12 : memref<4096xf32, #tpu.memory_space<vmem>>) dst(%dma_wait3A_114 : memref<4096xf32, #tpu.memory_space<hbm>>)
    return
  }
}

</mosaic_0001>

<sc_bundles>
// kernel: kernel.3.cloned.1.call-start
scs
__scs_entry_jumppad:
0x0: {  	(pc) =	sbr.rel $0x88, $3  }
0x1: {  	(tag) =	ssettag $0x0;
	lr =	simm.s32 $0x1  }
0x2: {  	[smem:$0x3F9F] =	sst lr;
	_ =	strace $0xD0000000  }
0x3: {  	_ = 	snop  }
0x4: {  	_ = 	snop  }
0x5: {  	_ = 	snop  }
0x6: {  	_ = 	snop  }
0x7: {  	_ = 	snop  }
__scs_overlays_trampoline_lowered:
0x8: {  	[smem:$0x3FAE] =	sst s0  }
0x9: {  	[smem:$0x3FAF] =	sst s1  }
0xa: {  	[smem:$0x3FB0] =	sst s2  }
0xb: {  	[smem:$0x3FB1] =	sst s3  }
0xc: {  	[smem:$0x3FB2] =	sst s4  }
0xd: {  	[smem:$0x3FB3] =	sst s5  }
0xe: {  	[smem:$0x3FB4] =	sst s6  }
0xf: {  	[smem:$0x3FB5] =	sst s7  }
0x10: {  	[smem:$0x3FB6] =	sst s8  }
0x11: {  	[smem:$0x3FB7] =	sst s9;
	s0 =	simm.s32 @!p0 $0x0  }
0x12: {  	s1 =	sld [smem:$0x3F9D];
	s0 =	simm.s32 @p0 $0x1  }
0x13: {  	[smem:$0x3FB8] =	sst s0;
	s0 =	simm.s32 @!p1 $0x0  }
0x14: {  	s2 =	sld [smem:$0x3F9C];
	s0 =	simm.s32 @p1 $0x1  }
0x15: {  	[smem:$0x3FB9] =	sst s0;
	s0 =	simm.s32 @!p2 $0x0  }
0x16: {  	s3 =	sld [smem:$0x3FDB];
	s0 =	simm.s32 @p2 $0x1  }
0x17: {  	s4 =	simm.s32 $0x1BF5;
	[smem:$0x3FBB] =	sst s0  }
0x18: {  	s0 =	sld [smem:$0x3F9E];
	_ =	swait.ge [sflag:s4], $0x0  }
0x19: {  	s7 =	sld [smem:$0x3F9F]  }
0x1a: {  	s8 =	sadd.s32 $0xFFFFE003, lr  }
0x1b: {  	s9 =	sadd.s32 $0xFFFFFEF7, lr;
	s5 =	simm.s32 $0xFFFFFFFF;
	p2 =	slt.u32 s8, $0xFFFFF086  }
0x1c: {  	p1 =	slt.u32 s9, $0xF7A;
	s5 =	simm.s32 @!p2 $0x0  }
0x1d: {  	s5 =	simm.s32 @p1 $0x1;
	p0 =	seq.s32 s7, s2  }
0x1e: {  	s7 =	smul.u32 @!p0 $0xF7A, s2;
	p2 =	seq.s32 @!p0 s5, $0x0  }
0x1f: {  	s9 =	smul.u32 $0xF7A, s1;
	s8 =	simm.s32 @!p0 $0x1BF5;
	p2 =	por !p2, p0  }
0x20: {  	[sflag:s8] =	ssyncset.s32 @!p0 $0xFFFFF086;
	s6 =	sadd.s32 @!p0 s3, s7;
	s7 =	simm.s32 @!p0 $0x108  }
0x21: {  	s3 =	sadd.s32 s3, s9;
	s6 =	sadd.s32 @!p0 $0x88, s6;
	s7 =	simm.s32 @p2 $0x1082  }
0x22: {  	[simem:s7], [sflag:s8] =	dma.local @!p0 [hbm:s6], $0xF7A  }
0x23: {  	s9 =	sor.u32 $0xD0000000, s2;
	s6 =	simm.s32 $0x108;
	_ =	swait.ge @!p0 [sflag:s8], $0x0  }
0x24: {  	s3 =	sadd.s32 $0x88, s3;
	s6 =	simm.s32 @!p1 $0x1082;
	[sflag:s4] =	ssyncset.s32 $0xFFFFF086  }
0x25: {  	[simem:s6], [sflag:s4] =	dma.local [hbm:s3], $0xF7A  }
0x26: {  	[smem:$0x3F9F] =	sst s1;
	(tag) =	ssettag s2;
	_ =	strace s9  }
0x27: {  	s1 =	sld [smem:$0x3FAF]  }
0x28: {  	s2 =	sld [smem:$0x3FB0]  }
0x29: {  	s4 =	sld [smem:$0x3FB2]  }
0x2a: {  	p0 =	seq.s32 s5, $0x0;
	s5 =	sld [smem:$0x3FB3]  }
0x2b: {  	s6 =	sld [smem:$0x3FB4]  }
0x2c: {  	s7 =	sld [smem:$0x3FB5]  }
0x2d: {  	s3 =	simm.s32 $0x108;
	s8 =	sld [smem:$0x3FB6]  }
0x2e: {  	s3 =	simm.s32 @!p0 $0x1082;
	s9 =	sld [smem:$0x3FB7]  }
0x2f: {  	lr =	sadd.s32 s0, s3;
	s0 =	sld [smem:$0x3FAE]  }
0x30: {  	s3 =	sld [smem:$0x3FB1]  }
0x31: {  	[smem:$0x3FBA] =	sst s10  }
0x32: {  	s10 =	sld [smem:$0x3FB8];
	_ =	sdelay $0x3  }
0x33: {  	p0 =	seq.s32 s10, $0x1;
	s10 =	sld [smem:$0x3FBA];
	_ =	sdelay $0x3  }
0x34: {  	[smem:$0x3FBA] =	sst s10  }
0x35: {  	s10 =	sld [smem:$0x3FB9];
	_ =	sdelay $0x3  }
0x36: {  	p1 =	seq.s32 s10, $0x1;
	s10 =	sld [smem:$0x3FBA];
	_ =	sdelay $0x3  }
0x37: {  	[smem:$0x3FBA] =	sst s10  }
0x38: {  	s10 =	sld [smem:$0x3FBB]  }
0x39: {  	_ = 	snop;
	(pc) =	sbr.ind lr, $3  }
0x3a: {  	_ = 	snop  }
0x3b: {  	_ = 	snop  }
0x3c: {  	p2 =	seq.s32 s10, $0x1;
	s10 =	sld [smem:$0x3FBA]  }
0x3d: {  	_ =	shalt  }
0x3e: {  	_ =	shalt  }
0x3f: {  	_ =	shalt  }
0x40: {  	_ =	shalt  }
0x41: {  	_ =	shalt  }
0x42: {  	_ =	shalt  }
0x43: {  	_ =	shalt  }
0x44: {  	_ =	shalt  }
0x45: {  	_ =	shalt  }
0x46: {  	_ =	shalt  }
0x47: {  	_ =	shalt  }
0x48: {  	_ =	shalt  }
0x49: {  	_ =	shalt  }
0x4a: {  	_ =	shalt  }
0x4b: {  	_ =	shalt  }
0x4c: {  	_ =	shalt  }
0x4d: {  	_ =	shalt  }
0x4e: {  	_ =	shalt  }
0x4f: {  	_ =	shalt  }
0x50: {  	_ =	shalt  }
0x51: {  	_ =	shalt  }
0x52: {  	_ =	shalt  }
0x53: {  	_ =	shalt  }
0x54: {  	_ =	shalt  }
0x55: {  	_ =	shalt  }
0x56: {  	_ =	shalt  }
0x57: {  	_ =	shalt  }
0x58: {  	_ =	shalt  }
0x59: {  	_ =	shalt  }
0x5a: {  	_ =	shalt  }
0x5b: {  	_ =	shalt  }
0x5c: {  	_ =	shalt  }
0x5d: {  	_ =	shalt  }
0x5e: {  	_ =	shalt  }
0x5f: {  	_ =	shalt  }
0x60: {  	_ =	shalt  }
0x61: {  	_ =	shalt  }
0x62: {  	_ =	shalt  }
0x63: {  	_ =	shalt  }
0x64: {  	_ =	shalt  }
0x65: {  	_ =	shalt  }
0x66: {  	_ =	shalt  }
0x67: {  	_ =	shalt  }
0x68: {  	_ =	shalt  }
0x69: {  	_ =	shalt  }
0x6a: {  	_ =	shalt  }
0x6b: {  	_ =	shalt  }
0x6c: {  	_ =	shalt  }
0x6d: {  	_ =	shalt  }
0x6e: {  	_ =	shalt  }
0x6f: {  	_ =	shalt  }
0x70: {  	_ =	shalt  }
0x71: {  	_ =	shalt  }
0x72: {  	_ =	shalt  }
0x73: {  	_ =	shalt  }
0x74: {  	_ =	shalt  }
0x75: {  	_ =	shalt  }
0x76: {  	_ =	shalt  }
0x77: {  	_ =	shalt  }
0x78: {  	_ =	shalt  }
0x79: {  	_ =	shalt  }
0x7a: {  	_ =	shalt  }
0x7b: {  	_ =	shalt  }
0x7c: {  	_ =	shalt  }
0x7d: {  	_ =	shalt  }
0x7e: {  	_ =	shalt  }
0x7f: {  	_ =	shalt  }
0x80: {  	_ =	shalt  }
0x81: {  	_ =	shalt  }
0x82: {  	_ =	shalt  }
0x83: {  	_ =	shalt  }
0x84: {  	_ =	shalt  }
0x85: {  	_ =	shalt  }
0x86: {  	_ =	shalt  }
0x87: {  	_ =	shalt  }
.Lfunc_end0:
.L_simem_size_0:
called_computation_lowered:
.L_overlay_start_0:
0x88: {  	s2 =	sld [smem:$0x3FD9]  }
0x89: {  	s3 =	sld [smem:$0x3FFE];
	_ =	sdelay $0x1  }
0x8a: {  	s1 =	srdreg.scid  }
0x8b: {  	s0 =	sand.u32 $0x1, s1  }
0x8c: {  	s18 =	sshll.u32 s0, $0xA;
	s2 =	sadd.s32 s3, s2  }
0x8d: {  	s2 =	sadd.s32 s2, s18  }
0x8e: {  	[smem:$0x3FC6] =	sst s2  }
0x8f: {  	_ = 	snop  }
0x90: {  	s2 =	sld [smem:$0x3FC9]  }
0x91: {  	s19 =	sld [smem:$0x3FC8]  }
0x92: {  	s4 =	sld [smem:$0x3FD0];
	(tm) =	ssettm $0x1  }
0x93: {  	s5 =	sld [smem:$0x3FFB];
	_ =	sdelay $0x3  }
0x94: {  	_ =	strace s5  }
0x95: {  	s5 =	sld [smem:$0x3FFC];
	_ =	sdelay $0x3  }
0x96: {  	_ =	strace s5  }
0x97: {  	s5 =	sld [smem:$0x3FFD];
	_ =	sdelay $0x3  }
0x98: {  	_ =	strace s5  }
0x99: {  	_ =	strace $0x8FFFFFFF  }
0x9a: {  	s20 =	sld [smem:$0x3FDB];
	_ =	sdelay $0x1  }
0x9b: {  	s6 =	simm.s32 $_scs_section_size  }
0x9c: {  	s7 =	simm.s32 $_size__tile_overlayer_lowered;
	s8 =	simm.s32 $_tile_overlayer_lowered  }
0x9d: {  	s23 =	simm.s32 $0x1BFF;
	s22 =	sshll.u32 s8, $0x1;
	s5 =	sadd.s32 s6, s20  }
0x9e: {  	s9 =	simm.s32 $0x0;
	s21 =	sshll.u32 s7, $0x1;
	s7 =	sadd.s32 s22, s5  }
0x9f: {  	[timem:s9], [sflag:s23] =	dma.local [hbm:s7], s21  }
0xa0: {  	_ =	swait.ge [sflag:s23], s21  }
0xa1: {  	s6 =	ssub.s32 $0x0, s21;
	[sflag:s23] =	ssyncset.done $0x0  }
0xa2: {  	[sflag:s23] =	ssyncadd.s32 s6;
	_ =	sdelay $0x1  }
0xa3: {  	s24 =	simm.s32 $0x1B8B  }
0xa4: {  	_ =	swait.ge [sflag:s24], $0x1  }
0xa5: {  	[sflag:s24] =	ssyncset.done $0x0  }
0xa6: {  	s25 =	simm.s32 $0x1B8E;
	[sflag:s24] =	ssyncadd.s32 $0xFFFFFFFF  }
0xa7: {  	s26 =	simm.s32 $execute0_lowered;
	[smem:$0x3FD2] =	sst s25  }
0xa8: {  	s6 =	sshll.u32 s26, $0x1;
	_ =	strace $0x80000046;
	[dreg:$0x1] =	wrdreg $0xFFFFFFFF  }
0xa9: {  	s28 =	simm.s32 $_size_execute0_lowered;
	s5 =	sadd.s32 s5, s6;
	[dreg:$0x0] =	wrdreg $0x0  }
0xaa: {  	s6 =	sshll.u32 s28, $0x1;
	[dreg:$0x2] =	wrdreg s5  }
0xab: {  	[dreg:$0x3] =	wrdreg s6  }
0xac: {  	[dreg:$0x4] =	wrdreg $0xC0  }
0xad: {  	_ =	task [dreg:s9], $0x5FFFF  }
0xae: {  	[dreg:$0x1] =	wrdreg $0xFFFFFFFF  }
0xaf: {  	[dreg:$0x0] =	wrdreg $0x60  }
0xb0: {  	[dreg:$0x2] =	wrdreg s2  }
0xb1: {  	[dreg:$0x3] =	wrdreg s19  }
0xb2: {  	[dreg:$0x4] =	wrdreg s4  }
0xb3: {  	[dreg:$0x5] =	wrdreg $0x9  }
0xb4: {  	_ =	task.clear_ibuf [dreg:s9], $0x6FFFF;
	_ =	strace $0x90000046  }
0xb5: {  	s29 =	simm.s32 $0x9;
	_ =	strace $0x80000048  }
0xb6: {  	_ =	swait.ge [sflag:s29], $0x1  }
0xb7: {  	[sflag:s29] =	ssyncadd.s32 $0xFFFFFFFF  }
0xb8: {  	_ =	strace $0x90000048  }
0xb9: {  	_ =	sfence  }
0xba: {  	s30 =	sld [smem:$0x0];
	_ =	sdelay $0x2  }
0xbb: {  	s31 =	sshll.u32 s1, $0xD;
	s1 =	sshrl.u32 s1, $0x2  }
0xbc: {  	s3 =	sand.u32 $0x4000, s31;
	s1 =	sadd.s32 s1, s30  }
0xbd: {  	s0 =	sor.u32 s3, s0;
	s1 =	sshll.u32 s1, $0x11  }
0xbe: {  	s0 =	sor.u32 s1, s0  }
0xbf: {  	s0 =	sadd.s32 $0x8F2B, s0  }
0xc0: {  	[sflag:s0] =	ssyncadd.remote.s32 $0x1  }
0xc1: {  	_ =	sfence.sel $0xFFFF  }
0xc2: {  	[dreg:$0x0] =	wrdreg $0xFFFFFFFF;
	(pc) =	sbr.abs _section_cstart, $3  }
0xc3: {  	[dreg:$0x1] =	wrdreg $0xFFFFFFFF  }
0xc4: {  	_ =	task.clear_ibuf [dreg:s9], $0x2FFFF;
	_ =	strace $0x9FFFFFFF  }
0xc5: {  	(tm) =	ssettm $0x7FFFFFFF  }
tec
execute0_lowered:
.L_overlay_start_1:
0x0: {  	(tag) =	ssettag $0x1  }
0x1: {  	s2 =	rddreg [dreg:$0x0]  }
0x2: {  	s3 =	rddreg [dreg:$0x1]  }
0x3: {  	s4 =	rddreg [dreg:$0x2]  }
0x4: {  	s0 =	srdreg.scid;
	s7 =	stileid.u32;
	s5 =	simm.s32 $0x0  }
0x5: {  	s28 =	simm.s32 $0x400;
	s29 =	simm.s32 $0x6;
	s30 =	simm.s32 $0x4  }
0x6: {  	s31 =	simm.s32 $0x7;
	s0 =	sand.u32 $0x1, s0;
	s1 =	sshll.u32 s7, $0x1  }
0x7: {  	[smem:$0x7FF] =	sst s5;
	s8 =	ssub.s32 $0x2, s0;
	s6 =	sor.u32 s0, s1  }
0x8: {  	_ =	strace $0x80000047;
	s24 =	sshrl.u32 s8, $0x1;
	s7 =	sadd.s32 s7, s6  }
0x9: {  	s17 =	sshll.u32 s6, $0x7;
	s0 =	ssub.s32 s8, s24;
	s11 =	sadd.s32 $0x2, s7  }
0xa: {  	s25 =	sshll.u32 s7, $0x4;
	s13 =	sadd.s32 $0x3, s7;
	[dreg:$0x5] =	wrdreg s11  }
0xb: {  	s26 =	sshll.u32 s7, $0x9;
	s18 =	sadd.s32 $0x4, s7;
	[dreg:$0x7] =	wrdreg s13  }
0xc: {  	s9 =	sadd.s32 $0x1, s7;
	s19 =	sadd.s32 $0x5, s7;
	[dreg:$0xa] =	wrdreg s18  }
0xd: {  	s20 =	sadd.s32 $0x6, s7;
	s21 =	sadd.s32 $0x7, s7;
	[dreg:$0xb] =	wrdreg s19  }
0xe: {  	s22 =	sadd.s32 $0x8, s7;
	s23 =	sadd.s32 $0x9, s7;
	[dreg:$0xc] =	wrdreg s20  }
0xf: {  	s24 =	sadd.s32 $0xA, s7;
	s1 =	sand.u32 $0x70, s25;
	[dreg:$0xd] =	wrdreg s21  }
0x10: {  	s8 =	sand.u32 $0x7000, s26;
	s10 =	sshll.u32 s9, $0x4;
	[dreg:$0xe] =	wrdreg s22  }
0x11: {  	s9 =	sshll.u32 s9, $0x9;
	s12 =	sshll.u32 s11, $0x9;
	[dreg:$0xf] =	wrdreg s23  }
0x12: {  	s14 =	sshll.u32 s11, $0x4;
	s15 =	sshll.u32 s13, $0x4;
	[dreg:$0x10] =	wrdreg s24  }
0x13: {  	s25 =	sadd.s32 $0xB, s7;
	s26 =	sadd.s32 $0xC, s7;
	s24 =	sadd.s32 $0xD, s7  }
0x14: {  	s0 =	smax.u32 s0, $0x1;
	s11 =	simm.s32 $0x0;
	[dreg:$0x11] =	wrdreg s25  }
0x15: {  	s1 =	sadd.s32 s3, s1;
	s10 =	sand.u32 $0x70, s10;
	[dreg:$0x12] =	wrdreg s26  }
0x16: {  	[dreg:$0x13] =	wrdreg s0;
	s26 =	simm.s32 $0x80;
	s25 =	simm.s32 $0x1E700  }
0x17: {  	s0 =	simm.s32 $0x5;
	s1 =	sadd.s32 s8, s1;
	s8 =	sadd.s32 s3, s10  }
0x18: {  	s10 =	sshll.u32 s13, $0x9;
	s13 =	simm.s32 $0x2;
	[dreg:$0x4] =	wrdreg s1  }
0x19: {  	s1 =	sand.u32 $0xF000, s9;
	s9 =	sand.u32 $0x70, s15;
	s10 =	sand.u32 $0xF000, s10  }
0x1a: {  	s1 =	sadd.s32 s1, s8;
	s8 =	sand.u32 $0x70, s14;
	s9 =	sadd.s32 s3, s9  }
0x1b: {  	s14 =	sand.u32 $0x380, s17;
	[dreg:$0x6] =	wrdreg s1;
	s1 =	sand.u32 $0xF000, s12  }
0x1c: {  	s8 =	sadd.s32 s3, s8;
	s16 =	sadd.s32 s10, s9;
	s10 =	simm.s32 $0x1  }
0x1d: {  	s12 =	simm.s32 $0x1D700;
	s1 =	sadd.s32 s1, s8;
	[dreg:$0x9] =	wrdreg s16  }
0x1e: {  	s8 =	simm.s32 $0x1C700;
	[dreg:$0x8] =	wrdreg s1;
	s1 =	simm.s32 $0x3  }
.LBB2_1:
0x1f: {  	[dreg:$0x14] =	wrdreg s11  }
0x20: {  	s9 =	rddreg [dreg:$0x4];
	s17 =	simm.s32 $0x18700  }
0x21: {  	[tilespmem:s17], [sflag:$0x1] =	stream.strided.gather [hbm4b:s9+s26], $0x1000, s28, s26, $0x38;
	[tilespmem:$0x1F700] =	vst v63  }
0x22: {  	s18 =	rddreg [dreg:$0x6];
	s19 =	simm.s32 $0x19700  }
0x23: {  	[tilespmem:s19], [sflag:$0x2] =	stream.strided.gather [hbm4b:s18+s26], $0x1000, s28, s26, $0x38;
	[tilespmem:$0x1F700] =	vst v63  }
0x24: {  	s20 =	rddreg [dreg:$0x8];
	s21 =	simm.s32 $0x1A700  }
0x25: {  	[tilespmem:s21], [sflag:$0x3] =	stream.strided.gather [hbm4b:s20+s26], $0x1000, s28, s26, $0x38;
	[tilespmem:$0x1F700] =	vst v63  }
0x26: {  	s22 =	rddreg [dreg:$0x9];
	s23 =	simm.s32 $0x1B700;
	s9 =	simm.s32 $0x0  }
0x27: {  	[tilespmem:s23], [sflag:$0x4] =	stream.strided.gather [hbm4b:s22+s26], $0x1000, s28, s26, $0x38;
	[tilespmem:$0x1F700] =	vst v63  }
.LBB2_2:
0x28: {  	s11 =	smul.u32 $0xA, s9;
	_ =	sdelay $0x1  }
0x29: {  	s15 =	sadd.s32 s7, s11  }
0x2a: {  	s16 =	simm.s32 $0x0;
	p0 =	slt.u32 s15, $0x64  }
0x2b: {  	s16 =	simm.s32 @!p0 $0xFFFFFF9C  }
0x2c: {  	s15 =	sadd.s32 s15, s16  }
0x2d: {  	s16 =	simm.s32 $0xFFFFFFCE;
	p1 =	sgt.s32 s15, $0x31  }
0x2e: {  	s16 =	simm.s32 @!p1 $0x0  }
0x2f: {  	p0 =	seq.s32 s9, $0x0;
	s16 =	sadd.s32 s15, s16;
	s15 =	simm.s32 $0x20  }
0x30: {  	p2 =	sne.s32 @!p0 s16, $0x0;
	s15 =	simm.s32 @!p1 $0x0  }
0x31: {  	p1 =	por p0, !p2;
	s17 =	sor.u32 s6, s15  }
0x32: {  	s15 =	sshrl.u32 @p1 s17, $0x3  }
0x33: {  	s15 =	smul.u32 @p1 $0xC3800, s15;
	_ =	sdelay $0x1  }
0x34: {  	s15 =	sor.u32 @p1 s14, s15  }
0x35: {  	s15 =	sshrl.u32 @p1 s15, $0x3  }
0x36: {  	s15 =	sadd.s32 @p1 s2, s15  }
0x37: {  	[tilespmem:s5], [sflag:$0x8] =	stream.strided.gather @p1 [hbm4b:s15+s26], $0x18700, s28, s26, $0x38;
	[tilespmem:$0x1F700] =	vst v63  }
0x38: {  	s15 =	simm.s32 @p1 $0x8  }
0x39: {  	_ =	swait.ge @p1 [sflag:s15], $0x18700  }
0x3a: {  	[sflag:s15] =	ssyncset.done @p1 $0x0;
	s23 =	rddreg [dreg:$0xa]  }
0x3b: {  	[sflag:s15] =	ssyncadd.s32 @p1 $0xFFFE7900;
	s15 =	sadd.s32 s11, s23  }
0x3c: {  	s18 =	simm.s32 $0x0;
	p1 =	slt.u32 s15, $0x64  }
0x3d: {  	s18 =	simm.s32 @!p1 $0xFFFFFF9C  }
0x3e: {  	s15 =	sadd.s32 s15, s18  }
0x3f: {  	s18 =	simm.s32 $0x0;
	p1 =	slt.s32 s15, $0x32  }
0x40: {  	s18 =	simm.s32 @!p1 $0xFFFFFFCE  }
0x41: {  	s18 =	sadd.s32 s15, s18  }
0x42: {  	s19 =	sshll.u32 s18, $0xC;
	s18 =	sshll.u32 s18, $0x7  }
0x43: {  	s19 =	sand.u32 $0xFFFF8000, s19;
	s18 =	sand.u32 $0x380, s18  }
0x44: {  	s18 =	sor.u32 s18, s19  }
0x45: {  	s18 =	sshrl.u32 s18, $0x3  }
0x46: {  	s18 =	sadd.s32 s3, s18  }
0x47: {  	[tilespmem:s8], [sflag:$0x5] =	stream.strided.gather [hbm4b:s18+s26], $0x1000, s28, s26, $0x38;
	[tilespmem:$0x1F700] =	vst v63  }
0x48: {  	_ =	swait.ge [sflag:s10], $0x1000  }
0x49: {  	[sflag:s10] =	ssyncset.done $0x0  }
0x4a: {  	s18 =	simm.s32 @!p0 $0x6;
	[sflag:s10] =	ssyncadd.s32 $0xFFFFF000  }
0x4b: {  	_ =	swait.ge @!p0 [sflag:s18], $0x1000  }
0x4c: {  	[sflag:s18] =	ssyncset.done @!p0 $0x0  }
0x4d: {  	[sflag:s18] =	ssyncadd.s32 @!p0 $0xFFFFF000;
	s18 =	simm.s32 $0x0  }
0x4e: {  	v0 =	vld [tilespmem:s18+$0x18700]  }
0x4f: {  	v1 =	vld [tilespmem:s18+$0x18770]  }
0x50: {  	v2 =	vld [tilespmem:s18+$0x18710]  }
0x51: {  	v3 =	vld [tilespmem:s18+$0x18720]  }
0x52: {  	v4 =	vld [tilespmem:s18+$0x18730]  }
0x53: {  	v7 =	vld [tilespmem:s18+$0x18740]  }
0x54: {  	v8 =	vld [tilespmem:s18+$0x18750]  }
0x55: {  	v9 =	vld [tilespmem:s18+$0x18760]  }
0x56: {  	v10 =	vld.idx.msk [tilespmem:v0+s5+$0x0], $0xffff  }
0x57: {  	v0 =	vld.idx.msk [tilespmem:v1+s5+$0x0], $0xffff  }
0x58: {  	v6 =	vld.idx.msk [tilespmem:v2+s5+$0x0], $0xffff  }
0x59: {  	v5 =	vld.idx.msk [tilespmem:v3+s5+$0x0], $0xffff  }
0x5a: {  	v4 =	vld.idx.msk [tilespmem:v4+s5+$0x0], $0xffff  }
0x5b: {  	v3 =	vld.idx.msk [tilespmem:v7+s5+$0x0], $0xffff  }
0x5c: {  	v2 =	vld.idx.msk [tilespmem:v8+s5+$0x0], $0xffff  }
0x5d: {  	s19 =	simm.s32 $0x80;
	v1 =	vld.idx.msk [tilespmem:v9+s5+$0x0], $0xffff;
	[tilespmem:s18+$0x1D770] =	vst v0  }
0x5e: {  	s20 =	simm.s32 $0x400;
	v0 =	vld [tilespmem:s19+$0x18700];
	[tilespmem:s18+$0x1D700] =	vst v10  }
.LBB2_3:
0x5f: {  	p1 =	sne.s32 s20, $0x3E00;
	v7 =	vld [tilespmem:s19+$0x18770];
	[tilespmem:s18+$0x1D710] =	vst v6  }
0x60: {  	v6 =	vld [tilespmem:s19+$0x18710];
	[tilespmem:s18+$0x1D720] =	vst v5  }
0x61: {  	v5 =	vld [tilespmem:s19+$0x18720];
	[tilespmem:s18+$0x1D730] =	vst v4  }
0x62: {  	v4 =	vld [tilespmem:s19+$0x18730];
	[tilespmem:s18+$0x1D740] =	vst v3  }
0x63: {  	v3 =	vld [tilespmem:s19+$0x18740];
	[tilespmem:s18+$0x1D750] =	vst v2  }
0x64: {  	v2 =	vld [tilespmem:s19+$0x18750];
	[tilespmem:s18+$0x1D760] =	vst v1;
	s18 =	smov.u32 s19  }
0x65: {  	v1 =	vld [tilespmem:s18+$0x18760]  }
0x66: {  	v8 =	vld.idx.msk [tilespmem:v0+s5+$0x0], $0xffff  }
0x67: {  	v0 =	vld.idx.msk [tilespmem:v7+s5+$0x0], $0xffff  }
0x68: {  	v6 =	vld.idx.msk [tilespmem:v6+s5+$0x0], $0xffff  }
0x69: {  	v5 =	vld.idx.msk [tilespmem:v5+s5+$0x0], $0xffff  }
.Ltmp0:
0x6a: {  	v4 =	vld.idx.msk [tilespmem:v4+s5+$0x0], $0xffff;
	(pc) =	sbr.rel @p1 .LBB2_3-.Ltmp0, $4  }
0x6b: {  	v3 =	vld.idx.msk [tilespmem:v3+s5+$0x0], $0xffff  }
0x6c: {  	v2 =	vld.idx.msk [tilespmem:v2+s5+$0x0], $0xffff  }
0x6d: {  	s19 =	sshra.s32 s20, $0x2;
	v1 =	vld.idx.msk [tilespmem:v1+s5+$0x0], $0xffff;
	[tilespmem:s18+$0x1D770] =	vst v0  }
0x6e: {  	s20 =	sadd.s32 $0x200, s20;
	v0 =	vld [tilespmem:s19+$0x18700];
	[tilespmem:s18+$0x1D700] =	vst v8  }
0x6f: {  	_ = 	snop  }
0x70: {  	v7 =	vld [tilespmem:s19+$0x18770];
	[tilespmem:s18+$0x1D710] =	vst v6  }
0x71: {  	v6 =	vld [tilespmem:s19+$0x18710];
	[tilespmem:s18+$0x1D720] =	vst v5  }
0x72: {  	v5 =	vld [tilespmem:s19+$0x18720];
	[tilespmem:s18+$0x1D730] =	vst v4  }
0x73: {  	v4 =	vld [tilespmem:s19+$0x18730];
	[tilespmem:s18+$0x1D740] =	vst v3  }
0x74: {  	v3 =	vld [tilespmem:s19+$0x18740];
	[tilespmem:s18+$0x1D750] =	vst v2  }
0x75: {  	v2 =	vld [tilespmem:s19+$0x18750];
	[tilespmem:s18+$0x1D760] =	vst v1  }
0x76: {  	v1 =	vld [tilespmem:s19+$0x18760]  }
0x77: {  	v0 =	vld.idx.msk [tilespmem:v0+s5+$0x0], $0xffff  }
0x78: {  	v7 =	vld.idx.msk [tilespmem:v7+s5+$0x0], $0xffff  }
0x79: {  	v6 =	vld.idx.msk [tilespmem:v6+s5+$0x0], $0xffff  }
0x7a: {  	v5 =	vld.idx.msk [tilespmem:v5+s5+$0x0], $0xffff  }
0x7b: {  	s20 =	sadd.s32 s11, s7;
	v4 =	vld.idx.msk [tilespmem:v4+s5+$0x0], $0xffff  }
0x7c: {  	s18 =	sadd.s32 $0x1, s20;
	v3 =	vld.idx.msk [tilespmem:v3+s5+$0x0], $0xffff  }
0x7d: {  	s20 =	simm.s32 $0x0;
	p1 =	slt.u32 s18, $0x64;
	v2 =	vld.idx.msk [tilespmem:v2+s5+$0x0], $0xffff  }
0x7e: {  	s20 =	simm.s32 @!p1 $0xFFFFFF9C;
	v1 =	vld.idx.msk [tilespmem:v1+s5+$0x0], $0xffff;
	[tilespmem:s19+$0x1D770] =	vst v7  }
0x7f: {  	s16 =	sshll.u32 s16, $0x12;
	s18 =	sadd.s32 s18, s20;
	[tilespmem:s19+$0x1D700] =	vst v0  }
0x80: {  	s17 =	sshll.u32 s17, $0xC;
	s20 =	simm.s32 $0xFFFFFFCE;
	p1 =	sgt.s32 s18, $0x31;
	[tilespmem:s19+$0x1D710] =	vst v6  }
0x81: {  	s21 =	simm.s32 $0x20;
	s17 =	sand.u32 $0x38000, s17;
	s20 =	simm.s32 @!p1 $0x0;
	[tilespmem:s19+$0x1D720] =	vst v5  }
0x82: {  	s16 =	sor.u32 s16, s17;
	s21 =	simm.s32 @!p1 $0x0;
	s18 =	sadd.s32 s18, s20;
	[tilespmem:s19+$0x1D730] =	vst v4  }
0x83: {  	s16 =	sor.u32 s14, s16;
	s17 =	sor.u32 s6, s21;
	p1 =	sne.s32 s18, $0x0;
	[tilespmem:s19+$0x1D740] =	vst v3  }
0x84: {  	s16 =	sshrl.u32 s16, $0x3;
	s20 =	sshrl.u32 @!p1 s17, $0x3;
	[tilespmem:s19+$0x1D750] =	vst v2  }
0x85: {  	s16 =	sadd.s32 s4, s16;
	[tilespmem:s19+$0x1D760] =	vst v1;
	s19 =	smul.u32 @!p1 $0xC3800, s20  }
0x86: {  	[hbm4b:s16+s26] =	stream.strided.scatter [tilespmem:s12], [sflag:$0x6], $0x1000, s28, s26, $0x38;
	[tilespmem:$0x1F700] =	vst v63  }
0x87: {  	s16 =	sor.u32 @!p1 s14, s19  }
0x88: {  	s21 =	simm.s32 @!p1 $0x0;
	s16 =	sshrl.u32 @!p1 s16, $0x3  }
0x89: {  	s20 =	simm.s32 @!p1 $0x400;
	s19 =	simm.s32 @!p1 $0x80;
	s16 =	sadd.s32 @!p1 s2, s16  }
0x8a: {  	[tilespmem:s21], [sflag:$0x8] =	stream.strided.gather @!p1 [hbm4b:s16+s19], $0x18700, s20, s19, $0x38;
	[tilespmem:$0x1F700] =	vst v63  }
0x8b: {  	s21 =	rddreg [dreg:$0xb]  }
0x8c: {  	s16 =	sadd.s32 s11, s21  }
0x8d: {  	s19 =	simm.s32 $0x0;
	p2 =	slt.u32 s16, $0x64  }
0x8e: {  	s19 =	simm.s32 @!p2 $0xFFFFFF9C  }
0x8f: {  	s16 =	sadd.s32 s16, s19  }
0x90: {  	s19 =	simm.s32 $0x0;
	p2 =	slt.s32 s16, $0x32  }
0x91: {  	s19 =	simm.s32 @!p2 $0xFFFFFFCE  }
0x92: {  	s19 =	sadd.s32 s16, s19  }
0x93: {  	s22 =	sshll.u32 s19, $0xC;
	s19 =	sshll.u32 s19, $0x7  }
0x94: {  	s21 =	simm.s32 @!p1 $0x8;
	s20 =	sand.u32 $0xFFFF8000, s22;
	s19 =	sand.u32 $0x380, s19  }
0x95: {  	_ =	swait.ge @!p1 [sflag:s21], $0x18700;
	s19 =	sor.u32 s19, s20  }
0x96: {  	[sflag:s21] =	ssyncset.done @!p1 $0x0;
	s19 =	sshrl.u32 s19, $0x3  }
0x97: {  	s23 =	simm.s32 $0x18700;
	[sflag:s21] =	ssyncadd.s32 @!p1 $0xFFFE7900;
	s19 =	sadd.s32 s3, s19  }
0x98: {  	[tilespmem:s23], [sflag:$0x1] =	stream.strided.gather [hbm4b:s19+s26], $0x1000, s28, s26, $0x38;
	[tilespmem:$0x1F700] =	vst v63  }
0x99: {  	_ =	swait.ge [sflag:s13], $0x1000  }
0x9a: {  	[sflag:s13] =	ssyncset.done $0x0  }
0x9b: {  	s19 =	simm.s32 @!p0 $0x7;
	[sflag:s13] =	ssyncadd.s32 $0xFFFFF000  }
0x9c: {  	_ =	swait.ge @!p0 [sflag:s19], $0x1000  }
0x9d: {  	[sflag:s19] =	ssyncset.done @!p0 $0x0  }
0x9e: {  	s20 =	simm.s32 $0x0;
	[sflag:s19] =	ssyncadd.s32 @!p0 $0xFFFFF000  }
0x9f: {  	v0 =	vld [tilespmem:s20+$0x19700]  }
0xa0: {  	v1 =	vld [tilespmem:s20+$0x19770]  }
0xa1: {  	v2 =	vld [tilespmem:s20+$0x19710]  }
0xa2: {  	v3 =	vld [tilespmem:s20+$0x19720]  }
0xa3: {  	v4 =	vld [tilespmem:s20+$0x19730]  }
0xa4: {  	v7 =	vld [tilespmem:s20+$0x19740]  }
0xa5: {  	v8 =	vld [tilespmem:s20+$0x19750]  }
0xa6: {  	v9 =	vld [tilespmem:s20+$0x19760]  }
0xa7: {  	v10 =	vld.idx.msk [tilespmem:v0+s5+$0x0], $0xffff  }
0xa8: {  	v0 =	vld.idx.msk [tilespmem:v1+s5+$0x0], $0xffff  }
0xa9: {  	v6 =	vld.idx.msk [tilespmem:v2+s5+$0x0], $0xffff  }
0xaa: {  	v5 =	vld.idx.msk [tilespmem:v3+s5+$0x0], $0xffff  }
0xab: {  	v4 =	vld.idx.msk [tilespmem:v4+s5+$0x0], $0xffff  }
0xac: {  	v3 =	vld.idx.msk [tilespmem:v7+s5+$0x0], $0xffff  }
0xad: {  	v2 =	vld.idx.msk [tilespmem:v8+s5+$0x0], $0xffff  }
0xae: {  	s19 =	simm.s32 $0x80;
	v1 =	vld.idx.msk [tilespmem:v9+s5+$0x0], $0xffff;
	[tilespmem:s20+$0x1E770] =	vst v0  }
0xaf: {  	s21 =	simm.s32 $0x400;
	v0 =	vld [tilespmem:s19+$0x19700];
	[tilespmem:s20+$0x1E700] =	vst v10  }
.LBB2_5:
0xb0: {  	p0 =	sne.s32 s21, $0x3E00;
	v7 =	vld [tilespmem:s19+$0x19770];
	[tilespmem:s20+$0x1E710] =	vst v6  }
0xb1: {  	v6 =	vld [tilespmem:s19+$0x19710];
	[tilespmem:s20+$0x1E720] =	vst v5  }
0xb2: {  	v5 =	vld [tilespmem:s19+$0x19720];
	[tilespmem:s20+$0x1E730] =	vst v4  }
0xb3: {  	v4 =	vld [tilespmem:s19+$0x19730];
	[tilespmem:s20+$0x1E740] =	vst v3  }
0xb4: {  	v3 =	vld [tilespmem:s19+$0x19740];
	[tilespmem:s20+$0x1E750] =	vst v2  }
0xb5: {  	v2 =	vld [tilespmem:s19+$0x19750];
	[tilespmem:s20+$0x1E760] =	vst v1;
	s20 =	smov.u32 s19  }
0xb6: {  	v1 =	vld [tilespmem:s20+$0x19760]  }
0xb7: {  	v8 =	vld.idx.msk [tilespmem:v0+s5+$0x0], $0xffff  }
0xb8: {  	v0 =	vld.idx.msk [tilespmem:v7+s5+$0x0], $0xffff  }
0xb9: {  	v6 =	vld.idx.msk [tilespmem:v6+s5+$0x0], $0xffff  }
0xba: {  	v5 =	vld.idx.msk [tilespmem:v5+s5+$0x0], $0xffff  }
.Ltmp1:
0xbb: {  	v4 =	vld.idx.msk [tilespmem:v4+s5+$0x0], $0xffff;
	(pc) =	sbr.rel @p0 .LBB2_5-.Ltmp1, $4  }
0xbc: {  	v3 =	vld.idx.msk [tilespmem:v3+s5+$0x0], $0xffff  }
0xbd: {  	v2 =	vld.idx.msk [tilespmem:v2+s5+$0x0], $0xffff  }
0xbe: {  	s19 =	sshra.s32 s21, $0x2;
	v1 =	vld.idx.msk [tilespmem:v1+s5+$0x0], $0xffff;
	[tilespmem:s20+$0x1E770] =	vst v0  }
0xbf: {  	s21 =	sadd.s32 $0x200, s21;
	v0 =	vld [tilespmem:s19+$0x19700];
	[tilespmem:s20+$0x1E700] =	vst v8  }
0xc0: {  	_ = 	snop  }
0xc1: {  	v7 =	vld [tilespmem:s19+$0x19770];
	[tilespmem:s20+$0x1E710] =	vst v6  }
0xc2: {  	v6 =	vld [tilespmem:s19+$0x19710];
	[tilespmem:s20+$0x1E720] =	vst v5  }
0xc3: {  	v5 =	vld [tilespmem:s19+$0x19720];
	[tilespmem:s20+$0x1E730] =	vst v4  }
0xc4: {  	v4 =	vld [tilespmem:s19+$0x19730];
	[tilespmem:s20+$0x1E740] =	vst v3  }
0xc5: {  	v3 =	vld [tilespmem:s19+$0x19740];
	[tilespmem:s20+$0x1E750] =	vst v2  }
0xc6: {  	v2 =	vld [tilespmem:s19+$0x19750];
	[tilespmem:s20+$0x1E760] =	vst v1  }
0xc7: {  	v1 =	vld [tilespmem:s19+$0x19760]  }
0xc8: {  	v0 =	vld.idx.msk [tilespmem:v0+s5+$0x0], $0xffff  }
0xc9: {  	v7 =	vld.idx.msk [tilespmem:v7+s5+$0x0], $0xffff  }
0xca: {  	s23 =	rddreg [dreg:$0x5];
	v6 =	vld.idx.msk [tilespmem:v6+s5+$0x0], $0xffff  }
0xcb: {  	s20 =	sadd.s32 s11, s23;
	v5 =	vld.idx.msk [tilespmem:v5+s5+$0x0], $0xffff  }
0xcc: {  	s21 =	simm.s32 $0x0;
	p0 =	slt.u32 s20, $0x64;
	v4 =	vld.idx.msk [tilespmem:v4+s5+$0x0], $0xffff  }
0xcd: {  	s21 =	simm.s32 @!p0 $0xFFFFFF9C;
	v3 =	vld.idx.msk [tilespmem:v3+s5+$0x0], $0xffff  }
0xce: {  	s18 =	sshll.u32 s18, $0x12;
	s20 =	sadd.s32 s20, s21;
	v2 =	vld.idx.msk [tilespmem:v2+s5+$0x0], $0xffff  }
0xcf: {  	s17 =	sshll.u32 s17, $0xC;
	s21 =	simm.s32 $0xFFFFFFCE;
	p0 =	sgt.s32 s20, $0x31;
	v1 =	vld.idx.msk [tilespmem:v1+s5+$0x0], $0xffff;
	[tilespmem:s19+$0x1E770] =	vst v7  }
0xd0: {  	s22 =	simm.s32 $0x20;
	s17 =	sand.u32 $0x38000, s17;
	s21 =	simm.s32 @!p0 $0x0;
	[tilespmem:s19+$0x1E700] =	vst v0  }
0xd1: {  	s17 =	sor.u32 s18, s17;
	s22 =	simm.s32 @!p0 $0x0;
	s18 =	sadd.s32 s20, s21;
	[tilespmem:s19+$0x1E710] =	vst v6  }
0xd2: {  	s21 =	sor.u32 s14, s17;
	s17 =	sor.u32 s6, s22;
	p0 =	sne.s32 s18, $0x0;
	[tilespmem:s19+$0x1E720] =	vst v5  }
0xd3: {  	s20 =	sshrl.u32 s21, $0x3;
	s21 =	sshrl.u32 @!p0 s17, $0x3;
	[tilespmem:s19+$0x1E730] =	vst v4  }
0xd4: {  	s23 =	sadd.s32 s4, s20;
	s20 =	smul.u32 @!p0 $0xC3800, s21;
	[tilespmem:s19+$0x1E740] =	vst v3  }
0xd5: {  	[tilespmem:s19+$0x1E750] =	vst v2  }
0xd6: {  	[tilespmem:s19+$0x1E760] =	vst v1;
	s19 =	sor.u32 @!p0 s14, s20  }
0xd7: {  	[hbm4b:s23+s26] =	stream.strided.scatter [tilespmem:s25], [sflag:$0x7], $0x1000, s28, s26, $0x38;
	[tilespmem:$0x1F700] =	vst v63  }
0xd8: {  	s22 =	simm.s32 @!p0 $0x0;
	s19 =	sshrl.u32 @!p0 s19, $0x3  }
0xd9: {  	s21 =	simm.s32 @!p0 $0x400;
	s20 =	simm.s32 @!p0 $0x80;
	s19 =	sadd.s32 @!p0 s2, s19  }
0xda: {  	[tilespmem:s22], [sflag:$0x8] =	stream.strided.gather @!p0 [hbm4b:s19+s20], $0x18700, s21, s20, $0x38;
	[tilespmem:$0x1F700] =	vst v63  }
0xdb: {  	s22 =	rddreg [dreg:$0xc]  }
0xdc: {  	s19 =	sadd.s32 s11, s22  }
0xdd: {  	s20 =	simm.s32 $0x0;
	p1 =	slt.u32 s19, $0x64  }
0xde: {  	s20 =	simm.s32 @!p1 $0xFFFFFF9C  }
0xdf: {  	s19 =	sadd.s32 s19, s20  }
0xe0: {  	s20 =	simm.s32 $0x0;
	p1 =	slt.s32 s19, $0x32  }
0xe1: {  	s20 =	simm.s32 @!p1 $0xFFFFFFCE  }
0xe2: {  	s20 =	sadd.s32 s19, s20  }
0xe3: {  	s23 =	sshll.u32 s20, $0xC;
	s20 =	sshll.u32 s20, $0x7  }
0xe4: {  	s22 =	simm.s32 @!p0 $0x8;
	s21 =	sand.u32 $0xFFFF8000, s23;
	s20 =	sand.u32 $0x380, s20  }
0xe5: {  	_ =	swait.ge @!p0 [sflag:s22], $0x18700;
	s20 =	sor.u32 s20, s21  }
0xe6: {  	[sflag:s22] =	ssyncset.done @!p0 $0x0;
	s20 =	sshrl.u32 s20, $0x3  }
0xe7: {  	[sflag:s22] =	ssyncadd.s32 @!p0 $0xFFFE7900;
	s23 =	simm.s32 $0x19700;
	s20 =	sadd.s32 s3, s20  }
0xe8: {  	[tilespmem:s23], [sflag:$0x2] =	stream.strided.gather [hbm4b:s20+s26], $0x1000, s28, s26, $0x38;
	[tilespmem:$0x1F700] =	vst v63  }
0xe9: {  	_ =	swait.ge [sflag:s1], $0x1000  }
0xea: {  	[sflag:s1] =	ssyncset.done $0x0  }
0xeb: {  	[sflag:s1] =	ssyncadd.s32 $0xFFFFF000  }
0xec: {  	_ =	swait.ge [sflag:s29], $0x1000  }
0xed: {  	[sflag:s29] =	ssyncset.done $0x0  }
0xee: {  	s20 =	simm.s32 $0x0;
	[sflag:s29] =	ssyncadd.s32 $0xFFFFF000  }
0xef: {  	v0 =	vld [tilespmem:s20+$0x1A700]  }
0xf0: {  	v1 =	vld [tilespmem:s20+$0x1A770]  }
0xf1: {  	v2 =	vld [tilespmem:s20+$0x1A710]  }
0xf2: {  	v3 =	vld [tilespmem:s20+$0x1A720]  }
0xf3: {  	v4 =	vld [tilespmem:s20+$0x1A730]  }
0xf4: {  	v7 =	vld [tilespmem:s20+$0x1A740]  }
0xf5: {  	v8 =	vld [tilespmem:s20+$0x1A750]  }
0xf6: {  	v9 =	vld [tilespmem:s20+$0x1A760]  }
0xf7: {  	v10 =	vld.idx.msk [tilespmem:v0+s5+$0x0], $0xffff  }
0xf8: {  	v0 =	vld.idx.msk [tilespmem:v1+s5+$0x0], $0xffff  }
0xf9: {  	v6 =	vld.idx.msk [tilespmem:v2+s5+$0x0], $0xffff  }
0xfa: {  	v5 =	vld.idx.msk [tilespmem:v3+s5+$0x0], $0xffff  }
0xfb: {  	v4 =	vld.idx.msk [tilespmem:v4+s5+$0x0], $0xffff  }
0xfc: {  	v3 =	vld.idx.msk [tilespmem:v7+s5+$0x0], $0xffff  }
0xfd: {  	v2 =	vld.idx.msk [tilespmem:v8+s5+$0x0], $0xffff  }
0xfe: {  	s21 =	simm.s32 $0x80;
	v1 =	vld.idx.msk [tilespmem:v9+s5+$0x0], $0xffff;
	[tilespmem:s20+$0x1D770] =	vst v0  }
0xff: {  	s22 =	simm.s32 $0x400;
	v0 =	vld [tilespmem:s21+$0x1A700];
	[tilespmem:s20+$0x1D700] =	vst v10  }
.LBB2_7:
0x100: {  	p0 =	sne.s32 s22, $0x3E00;
	v7 =	vld [tilespmem:s21+$0x1A770];
	[tilespmem:s20+$0x1D710] =	vst v6  }
0x101: {  	v6 =	vld [tilespmem:s21+$0x1A710];
	[tilespmem:s20+$0x1D720] =	vst v5  }
0x102: {  	v5 =	vld [tilespmem:s21+$0x1A720];
	[tilespmem:s20+$0x1D730] =	vst v4  }
0x103: {  	v4 =	vld [tilespmem:s21+$0x1A730];
	[tilespmem:s20+$0x1D740] =	vst v3  }
0x104: {  	v3 =	vld [tilespmem:s21+$0x1A740];
	[tilespmem:s20+$0x1D750] =	vst v2  }
0x105: {  	v2 =	vld [tilespmem:s21+$0x1A750];
	[tilespmem:s20+$0x1D760] =	vst v1;
	s20 =	smov.u32 s21  }
0x106: {  	v1 =	vld [tilespmem:s20+$0x1A760]  }
0x107: {  	v8 =	vld.idx.msk [tilespmem:v0+s5+$0x0], $0xffff  }
0x108: {  	v0 =	vld.idx.msk [tilespmem:v7+s5+$0x0], $0xffff  }
0x109: {  	v6 =	vld.idx.msk [tilespmem:v6+s5+$0x0], $0xffff  }
0x10a: {  	v5 =	vld.idx.msk [tilespmem:v5+s5+$0x0], $0xffff  }
.Ltmp2:
0x10b: {  	v4 =	vld.idx.msk [tilespmem:v4+s5+$0x0], $0xffff;
	(pc) =	sbr.rel @p0 .LBB2_7-.Ltmp2, $4  }
0x10c: {  	v3 =	vld.idx.msk [tilespmem:v3+s5+$0x0], $0xffff  }
0x10d: {  	v2 =	vld.idx.msk [tilespmem:v2+s5+$0x0], $0xffff  }
0x10e: {  	s21 =	sshra.s32 s22, $0x2;
	v1 =	vld.idx.msk [tilespmem:v1+s5+$0x0], $0xffff;
	[tilespmem:s20+$0x1D770] =	vst v0  }
0x10f: {  	s22 =	sadd.s32 $0x200, s22;
	v0 =	vld [tilespmem:s21+$0x1A700];
	[tilespmem:s20+$0x1D700] =	vst v8  }
0x110: {  	_ = 	snop  }
0x111: {  	v7 =	vld [tilespmem:s21+$0x1A770];
	[tilespmem:s20+$0x1D710] =	vst v6  }
0x112: {  	v6 =	vld [tilespmem:s21+$0x1A710];
	[tilespmem:s20+$0x1D720] =	vst v5  }
0x113: {  	v5 =	vld [tilespmem:s21+$0x1A720];
	[tilespmem:s20+$0x1D730] =	vst v4  }
0x114: {  	v4 =	vld [tilespmem:s21+$0x1A730];
	[tilespmem:s20+$0x1D740] =	vst v3  }
0x115: {  	v3 =	vld [tilespmem:s21+$0x1A740];
	[tilespmem:s20+$0x1D750] =	vst v2  }
0x116: {  	v2 =	vld [tilespmem:s21+$0x1A750];
	[tilespmem:s20+$0x1D760] =	vst v1  }
0x117: {  	v1 =	vld [tilespmem:s21+$0x1A760]  }
0x118: {  	v0 =	vld.idx.msk [tilespmem:v0+s5+$0x0], $0xffff  }
0x119: {  	v7 =	vld.idx.msk [tilespmem:v7+s5+$0x0], $0xffff  }
0x11a: {  	v6 =	vld.idx.msk [tilespmem:v6+s5+$0x0], $0xffff  }
0x11b: {  	v5 =	vld.idx.msk [tilespmem:v5+s5+$0x0], $0xffff  }
0x11c: {  	s23 =	rddreg [dreg:$0x7];
	v4 =	vld.idx.msk [tilespmem:v4+s5+$0x0], $0xffff  }
0x11d: {  	s20 =	sadd.s32 s11, s23;
	v3 =	vld.idx.msk [tilespmem:v3+s5+$0x0], $0xffff  }
0x11e: {  	s22 =	simm.s32 $0x0;
	p0 =	slt.u32 s20, $0x64;
	v2 =	vld.idx.msk [tilespmem:v2+s5+$0x0], $0xffff  }
0x11f: {  	s22 =	simm.s32 @!p0 $0xFFFFFF9C;
	v1 =	vld.idx.msk [tilespmem:v1+s5+$0x0], $0xffff;
	[tilespmem:s21+$0x1D770] =	vst v7  }
0x120: {  	s18 =	sshll.u32 s18, $0x12;
	s20 =	sadd.s32 s20, s22;
	[tilespmem:s21+$0x1D700] =	vst v0  }
0x121: {  	s17 =	sshll.u32 s17, $0xC;
	s22 =	simm.s32 $0xFFFFFFCE;
	p0 =	sgt.s32 s20, $0x31;
	[tilespmem:s21+$0x1D710] =	vst v6  }
0x122: {  	s17 =	sand.u32 $0x38000, s17;
	s23 =	simm.s32 $0x20;
	s22 =	simm.s32 @!p0 $0x0;
	[tilespmem:s21+$0x1D720] =	vst v5  }
0x123: {  	s18 =	sor.u32 s18, s17;
	s23 =	simm.s32 @!p0 $0x0;
	s17 =	sadd.s32 s20, s22;
	[tilespmem:s21+$0x1D730] =	vst v4  }
0x124: {  	s18 =	sor.u32 s14, s18;
	s20 =	sor.u32 s6, s23;
	p0 =	sne.s32 s17, $0x0;
	[tilespmem:s21+$0x1D740] =	vst v3  }
0x125: {  	s18 =	sshrl.u32 s18, $0x3;
	s22 =	sshrl.u32 @!p0 s20, $0x3;
	[tilespmem:s21+$0x1D750] =	vst v2  }
0x126: {  	s18 =	sadd.s32 s4, s18;
	[tilespmem:s21+$0x1D760] =	vst v1;
	s21 =	smul.u32 @!p0 $0xC3800, s22  }
0x127: {  	[hbm4b:s18+s26] =	stream.strided.scatter [tilespmem:s12], [sflag:$0x6], $0x1000, s28, s26, $0x38;
	[tilespmem:$0x1F700] =	vst v63  }
0x128: {  	s18 =	sor.u32 @!p0 s14, s21  }
0x129: {  	s23 =	simm.s32 @!p0 $0x0;
	s18 =	sshrl.u32 @!p0 s18, $0x3  }
0x12a: {  	s22 =	simm.s32 @!p0 $0x400;
	s21 =	simm.s32 @!p0 $0x80;
	s18 =	sadd.s32 @!p0 s2, s18  }
0x12b: {  	[tilespmem:s23], [sflag:$0x8] =	stream.strided.gather @!p0 [hbm4b:s18+s21], $0x18700, s22, s21, $0x38;
	[tilespmem:$0x1F700] =	vst v63  }
0x12c: {  	s22 =	rddreg [dreg:$0xd]  }
0x12d: {  	s18 =	sadd.s32 s11, s22  }
0x12e: {  	s21 =	simm.s32 $0x0;
	p1 =	slt.u32 s18, $0x64  }
0x12f: {  	s21 =	simm.s32 @!p1 $0xFFFFFF9C  }
0x130: {  	s18 =	sadd.s32 s18, s21  }
0x131: {  	s21 =	simm.s32 $0x0;
	p1 =	slt.s32 s18, $0x32  }
0x132: {  	s21 =	simm.s32 @!p1 $0xFFFFFFCE  }
0x133: {  	s21 =	sadd.s32 s18, s21  }
0x134: {  	s22 =	sshll.u32 s21, $0xC;
	s21 =	sshll.u32 s21, $0x7  }
0x135: {  	s23 =	simm.s32 @!p0 $0x8;
	s22 =	sand.u32 $0xFFFF8000, s22;
	s21 =	sand.u32 $0x380, s21  }
0x136: {  	_ =	swait.ge @!p0 [sflag:s23], $0x18700;
	s21 =	sor.u32 s21, s22  }
0x137: {  	[sflag:s23] =	ssyncset.done @!p0 $0x0;
	s21 =	sshrl.u32 s21, $0x3  }
0x138: {  	[sflag:s23] =	ssyncadd.s32 @!p0 $0xFFFE7900;
	s23 =	simm.s32 $0x1A700;
	s21 =	sadd.s32 s3, s21  }
0x139: {  	[tilespmem:s23], [sflag:$0x3] =	stream.strided.gather [hbm4b:s21+s26], $0x1000, s28, s26, $0x38;
	[tilespmem:$0x1F700] =	vst v63  }
0x13a: {  	_ =	swait.ge [sflag:s30], $0x1000  }
0x13b: {  	[sflag:s30] =	ssyncset.done $0x0  }
0x13c: {  	[sflag:s30] =	ssyncadd.s32 $0xFFFFF000  }
0x13d: {  	_ =	swait.ge [sflag:s31], $0x1000  }
0x13e: {  	[sflag:s31] =	ssyncset.done $0x0  }
0x13f: {  	s21 =	simm.s32 $0x0;
	[sflag:s31] =	ssyncadd.s32 $0xFFFFF000  }
0x140: {  	v0 =	vld [tilespmem:s21+$0x1B700]  }
0x141: {  	v1 =	vld [tilespmem:s21+$0x1B770]  }
0x142: {  	v2 =	vld [tilespmem:s21+$0x1B710]  }
0x143: {  	v3 =	vld [tilespmem:s21+$0x1B720]  }
0x144: {  	v4 =	vld [tilespmem:s21+$0x1B730]  }
0x145: {  	v7 =	vld [tilespmem:s21+$0x1B740]  }
0x146: {  	v8 =	vld [tilespmem:s21+$0x1B750]  }
0x147: {  	v9 =	vld [tilespmem:s21+$0x1B760]  }
0x148: {  	v10 =	vld.idx.msk [tilespmem:v0+s5+$0x0], $0xffff  }
0x149: {  	v0 =	vld.idx.msk [tilespmem:v1+s5+$0x0], $0xffff  }
0x14a: {  	v6 =	vld.idx.msk [tilespmem:v2+s5+$0x0], $0xffff  }
0x14b: {  	v5 =	vld.idx.msk [tilespmem:v3+s5+$0x0], $0xffff  }
0x14c: {  	v4 =	vld.idx.msk [tilespmem:v4+s5+$0x0], $0xffff  }
0x14d: {  	v3 =	vld.idx.msk [tilespmem:v7+s5+$0x0], $0xffff  }
0x14e: {  	v2 =	vld.idx.msk [tilespmem:v8+s5+$0x0], $0xffff  }
0x14f: {  	s22 =	simm.s32 $0x80;
	v1 =	vld.idx.msk [tilespmem:v9+s5+$0x0], $0xffff;
	[tilespmem:s21+$0x1E770] =	vst v0  }
0x150: {  	s23 =	simm.s32 $0x400;
	v0 =	vld [tilespmem:s22+$0x1B700];
	[tilespmem:s21+$0x1E700] =	vst v10  }
.LBB2_9:
0x151: {  	p0 =	sne.s32 s23, $0x3E00;
	v7 =	vld [tilespmem:s22+$0x1B770];
	[tilespmem:s21+$0x1E710] =	vst v6  }
0x152: {  	v6 =	vld [tilespmem:s22+$0x1B710];
	[tilespmem:s21+$0x1E720] =	vst v5  }
0x153: {  	v5 =	vld [tilespmem:s22+$0x1B720];
	[tilespmem:s21+$0x1E730] =	vst v4  }
0x154: {  	v4 =	vld [tilespmem:s22+$0x1B730];
	[tilespmem:s21+$0x1E740] =	vst v3  }
0x155: {  	v3 =	vld [tilespmem:s22+$0x1B740];
	[tilespmem:s21+$0x1E750] =	vst v2  }
0x156: {  	v2 =	vld [tilespmem:s22+$0x1B750];
	[tilespmem:s21+$0x1E760] =	vst v1;
	s21 =	smov.u32 s22  }
0x157: {  	v1 =	vld [tilespmem:s21+$0x1B760]  }
0x158: {  	v8 =	vld.idx.msk [tilespmem:v0+s5+$0x0], $0xffff  }
0x159: {  	v0 =	vld.idx.msk [tilespmem:v7+s5+$0x0], $0xffff  }
0x15a: {  	v6 =	vld.idx.msk [tilespmem:v6+s5+$0x0], $0xffff  }
0x15b: {  	v5 =	vld.idx.msk [tilespmem:v5+s5+$0x0], $0xffff  }
.Ltmp3:
0x15c: {  	v4 =	vld.idx.msk [tilespmem:v4+s5+$0x0], $0xffff;
	(pc) =	sbr.rel @p0 .LBB2_9-.Ltmp3, $4  }
0x15d: {  	v3 =	vld.idx.msk [tilespmem:v3+s5+$0x0], $0xffff  }
0x15e: {  	v2 =	vld.idx.msk [tilespmem:v2+s5+$0x0], $0xffff  }
0x15f: {  	s22 =	sshra.s32 s23, $0x2;
	v1 =	vld.idx.msk [tilespmem:v1+s5+$0x0], $0xffff;
	[tilespmem:s21+$0x1E770] =	vst v0  }
0x160: {  	s23 =	sadd.s32 $0x200, s23;
	v0 =	vld [tilespmem:s22+$0x1B700];
	[tilespmem:s21+$0x1E700] =	vst v8  }
0x161: {  	_ = 	snop  }
0x162: {  	v7 =	vld [tilespmem:s22+$0x1B770];
	[tilespmem:s21+$0x1E710] =	vst v6  }
0x163: {  	v6 =	vld [tilespmem:s22+$0x1B710];
	[tilespmem:s21+$0x1E720] =	vst v5  }
0x164: {  	v5 =	vld [tilespmem:s22+$0x1B720];
	[tilespmem:s21+$0x1E730] =	vst v4  }
0x165: {  	v4 =	vld [tilespmem:s22+$0x1B730];
	[tilespmem:s21+$0x1E740] =	vst v3  }
0x166: {  	v3 =	vld [tilespmem:s22+$0x1B740];
	[tilespmem:s21+$0x1E750] =	vst v2  }
0x167: {  	v2 =	vld [tilespmem:s22+$0x1B750];
	[tilespmem:s21+$0x1E760] =	vst v1  }
0x168: {  	v1 =	vld [tilespmem:s22+$0x1B760]  }
0x169: {  	v0 =	vld.idx.msk [tilespmem:v0+s5+$0x0], $0xffff  }
0x16a: {  	v7 =	vld.idx.msk [tilespmem:v7+s5+$0x0], $0xffff  }
0x16b: {  	v6 =	vld.idx.msk [tilespmem:v6+s5+$0x0], $0xffff  }
0x16c: {  	v5 =	vld.idx.msk [tilespmem:v5+s5+$0x0], $0xffff  }
0x16d: {  	v4 =	vld.idx.msk [tilespmem:v4+s5+$0x0], $0xffff  }
0x16e: {  	v3 =	vld.idx.msk [tilespmem:v3+s5+$0x0], $0xffff  }
0x16f: {  	v2 =	vld.idx.msk [tilespmem:v2+s5+$0x0], $0xffff  }
0x170: {  	v1 =	vld.idx.msk [tilespmem:v1+s5+$0x0], $0xffff;
	[tilespmem:s22+$0x1E770] =	vst v7  }
0x171: {  	s17 =	sshll.u32 s17, $0x12;
	[tilespmem:s22+$0x1E700] =	vst v0  }
0x172: {  	s20 =	sshll.u32 s20, $0xC;
	p0 =	sgt.s32 s15, $0x31;
	s21 =	simm.s32 $0xFFFFFFCE;
	[tilespmem:s22+$0x1E710] =	vst v6  }
0x173: {  	s23 =	simm.s32 $0x20;
	s20 =	sand.u32 $0x38000, s20;
	s21 =	simm.s32 @!p0 $0x0;
	[tilespmem:s22+$0x1E720] =	vst v5  }
0x174: {  	s23 =	simm.s32 @!p0 $0x0;
	s17 =	sor.u32 s17, s20;
	s15 =	sadd.s32 s15, s21;
	[tilespmem:s22+$0x1E730] =	vst v4  }
0x175: {  	s20 =	sor.u32 s6, s23;
	s17 =	sor.u32 s14, s17;
	p0 =	sne.s32 s15, $0x0;
	[tilespmem:s22+$0x1E740] =	vst v3  }
0x176: {  	s17 =	sshrl.u32 s17, $0x3;
	s21 =	sshrl.u32 @!p0 s20, $0x3;
	[tilespmem:s22+$0x1E750] =	vst v2  }
0x177: {  	s17 =	sadd.s32 s4, s17;
	s21 =	smul.u32 @!p0 $0xC3800, s21;
	[tilespmem:s22+$0x1E760] =	vst v1  }
0x178: {  	[hbm4b:s17+s26] =	stream.strided.scatter [tilespmem:s25], [sflag:$0x7], $0x1000, s28, s26, $0x38;
	[tilespmem:$0x1F700] =	vst v63  }
0x179: {  	s17 =	sor.u32 @!p0 s14, s21  }
0x17a: {  	s23 =	simm.s32 @!p0 $0x0;
	s17 =	sshrl.u32 @!p0 s17, $0x3  }
0x17b: {  	s22 =	simm.s32 @!p0 $0x400;
	s21 =	simm.s32 @!p0 $0x80;
	s17 =	sadd.s32 @!p0 s2, s17  }
0x17c: {  	[tilespmem:s23], [sflag:$0x8] =	stream.strided.gather @!p0 [hbm4b:s17+s21], $0x18700, s22, s21, $0x38;
	[tilespmem:$0x1F700] =	vst v63  }
0x17d: {  	s22 =	rddreg [dreg:$0xe]  }
0x17e: {  	s17 =	sadd.s32 s11, s22  }
0x17f: {  	s21 =	simm.s32 $0x0;
	p1 =	slt.u32 s17, $0x64  }
0x180: {  	s21 =	simm.s32 @!p1 $0xFFFFFF9C  }
0x181: {  	s17 =	sadd.s32 s17, s21  }
0x182: {  	s21 =	simm.s32 $0x0;
	p1 =	slt.s32 s17, $0x32  }
0x183: {  	s21 =	simm.s32 @!p1 $0xFFFFFFCE  }
0x184: {  	s21 =	sadd.s32 s17, s21  }
0x185: {  	s22 =	sshll.u32 s21, $0xC;
	s21 =	sshll.u32 s21, $0x7  }
0x186: {  	s23 =	simm.s32 @!p0 $0x8;
	s22 =	sand.u32 $0xFFFF8000, s22;
	s21 =	sand.u32 $0x380, s21  }
0x187: {  	_ =	swait.ge @!p0 [sflag:s23], $0x18700;
	s21 =	sor.u32 s21, s22  }
0x188: {  	[sflag:s23] =	ssyncset.done @!p0 $0x0;
	s21 =	sshrl.u32 s21, $0x3  }
0x189: {  	[sflag:s23] =	ssyncadd.s32 @!p0 $0xFFFE7900;
	s23 =	simm.s32 $0x1B700;
	s21 =	sadd.s32 s3, s21  }
0x18a: {  	[tilespmem:s23], [sflag:$0x4] =	stream.strided.gather [hbm4b:s21+s26], $0x1000, s28, s26, $0x38;
	[tilespmem:$0x1F700] =	vst v63  }
0x18b: {  	_ =	swait.ge [sflag:s0], $0x1000  }
0x18c: {  	[sflag:s0] =	ssyncset.done $0x0  }
0x18d: {  	[sflag:s0] =	ssyncadd.s32 $0xFFFFF000  }
0x18e: {  	_ =	swait.ge [sflag:s29], $0x1000  }
0x18f: {  	[sflag:s29] =	ssyncset.done $0x0  }
0x190: {  	s21 =	simm.s32 $0x0;
	[sflag:s29] =	ssyncadd.s32 $0xFFFFF000  }
0x191: {  	v0 =	vld [tilespmem:s21+$0x1C700]  }
0x192: {  	v1 =	vld [tilespmem:s21+$0x1C770]  }
0x193: {  	v2 =	vld [tilespmem:s21+$0x1C710]  }
0x194: {  	v3 =	vld [tilespmem:s21+$0x1C720]  }
0x195: {  	v4 =	vld [tilespmem:s21+$0x1C730]  }
0x196: {  	v7 =	vld [tilespmem:s21+$0x1C740]  }
0x197: {  	v8 =	vld [tilespmem:s21+$0x1C750]  }
0x198: {  	v9 =	vld [tilespmem:s21+$0x1C760]  }
0x199: {  	v10 =	vld.idx.msk [tilespmem:v0+s5+$0x0], $0xffff  }
0x19a: {  	v0 =	vld.idx.msk [tilespmem:v1+s5+$0x0], $0xffff  }
0x19b: {  	v6 =	vld.idx.msk [tilespmem:v2+s5+$0x0], $0xffff  }
0x19c: {  	v5 =	vld.idx.msk [tilespmem:v3+s5+$0x0], $0xffff  }
0x19d: {  	v4 =	vld.idx.msk [tilespmem:v4+s5+$0x0], $0xffff  }
0x19e: {  	v3 =	vld.idx.msk [tilespmem:v7+s5+$0x0], $0xffff  }
0x19f: {  	v2 =	vld.idx.msk [tilespmem:v8+s5+$0x0], $0xffff  }
0x1a0: {  	s22 =	simm.s32 $0x80;
	v1 =	vld.idx.msk [tilespmem:v9+s5+$0x0], $0xffff;
	[tilespmem:s21+$0x1D770] =	vst v0  }
0x1a1: {  	s23 =	simm.s32 $0x400;
	v0 =	vld [tilespmem:s22+$0x1C700];
	[tilespmem:s21+$0x1D700] =	vst v10  }
.LBB2_11:
0x1a2: {  	p0 =	sne.s32 s23, $0x3E00;
	v7 =	vld [tilespmem:s22+$0x1C770];
	[tilespmem:s21+$0x1D710] =	vst v6  }
0x1a3: {  	v6 =	vld [tilespmem:s22+$0x1C710];
	[tilespmem:s21+$0x1D720] =	vst v5  }
0x1a4: {  	v5 =	vld [tilespmem:s22+$0x1C720];
	[tilespmem:s21+$0x1D730] =	vst v4  }
0x1a5: {  	v4 =	vld [tilespmem:s22+$0x1C730];
	[tilespmem:s21+$0x1D740] =	vst v3  }
0x1a6: {  	v3 =	vld [tilespmem:s22+$0x1C740];
	[tilespmem:s21+$0x1D750] =	vst v2  }
0x1a7: {  	v2 =	vld [tilespmem:s22+$0x1C750];
	[tilespmem:s21+$0x1D760] =	vst v1;
	s21 =	smov.u32 s22  }
0x1a8: {  	v1 =	vld [tilespmem:s21+$0x1C760]  }
0x1a9: {  	v8 =	vld.idx.msk [tilespmem:v0+s5+$0x0], $0xffff  }
0x1aa: {  	v0 =	vld.idx.msk [tilespmem:v7+s5+$0x0], $0xffff  }
0x1ab: {  	v6 =	vld.idx.msk [tilespmem:v6+s5+$0x0], $0xffff  }
0x1ac: {  	v5 =	vld.idx.msk [tilespmem:v5+s5+$0x0], $0xffff  }
.Ltmp4:
0x1ad: {  	v4 =	vld.idx.msk [tilespmem:v4+s5+$0x0], $0xffff;
	(pc) =	sbr.rel @p0 .LBB2_11-.Ltmp4, $4  }
0x1ae: {  	v3 =	vld.idx.msk [tilespmem:v3+s5+$0x0], $0xffff  }
0x1af: {  	v2 =	vld.idx.msk [tilespmem:v2+s5+$0x0], $0xffff  }
0x1b0: {  	s22 =	sshra.s32 s23, $0x2;
	v1 =	vld.idx.msk [tilespmem:v1+s5+$0x0], $0xffff;
	[tilespmem:s21+$0x1D770] =	vst v0  }
0x1b1: {  	s23 =	sadd.s32 $0x200, s23;
	v0 =	vld [tilespmem:s22+$0x1C700];
	[tilespmem:s21+$0x1D700] =	vst v8  }
0x1b2: {  	_ = 	snop  }
0x1b3: {  	v7 =	vld [tilespmem:s22+$0x1C770];
	[tilespmem:s21+$0x1D710] =	vst v6  }
0x1b4: {  	v6 =	vld [tilespmem:s22+$0x1C710];
	[tilespmem:s21+$0x1D720] =	vst v5  }
0x1b5: {  	v5 =	vld [tilespmem:s22+$0x1C720];
	[tilespmem:s21+$0x1D730] =	vst v4  }
0x1b6: {  	v4 =	vld [tilespmem:s22+$0x1C730];
	[tilespmem:s21+$0x1D740] =	vst v3  }
0x1b7: {  	v3 =	vld [tilespmem:s22+$0x1C740];
	[tilespmem:s21+$0x1D750] =	vst v2  }
0x1b8: {  	v2 =	vld [tilespmem:s22+$0x1C750];
	[tilespmem:s21+$0x1D760] =	vst v1  }
0x1b9: {  	v1 =	vld [tilespmem:s22+$0x1C760]  }
0x1ba: {  	v0 =	vld.idx.msk [tilespmem:v0+s5+$0x0], $0xffff  }
0x1bb: {  	v7 =	vld.idx.msk [tilespmem:v7+s5+$0x0], $0xffff  }
0x1bc: {  	v6 =	vld.idx.msk [tilespmem:v6+s5+$0x0], $0xffff  }
0x1bd: {  	v5 =	vld.idx.msk [tilespmem:v5+s5+$0x0], $0xffff  }
0x1be: {  	v4 =	vld.idx.msk [tilespmem:v4+s5+$0x0], $0xffff  }
0x1bf: {  	v3 =	vld.idx.msk [tilespmem:v3+s5+$0x0], $0xffff  }
0x1c0: {  	v2 =	vld.idx.msk [tilespmem:v2+s5+$0x0], $0xffff  }
0x1c1: {  	v1 =	vld.idx.msk [tilespmem:v1+s5+$0x0], $0xffff;
	[tilespmem:s22+$0x1D770] =	vst v7  }
0x1c2: {  	s15 =	sshll.u32 s15, $0x12;
	[tilespmem:s22+$0x1D700] =	vst v0  }
0x1c3: {  	s20 =	sshll.u32 s20, $0xC;
	p0 =	sgt.s32 s16, $0x31;
	s21 =	simm.s32 $0xFFFFFFCE;
	[tilespmem:s22+$0x1D710] =	vst v6  }
0x1c4: {  	s23 =	simm.s32 $0x20;
	s20 =	sand.u32 $0x38000, s20;
	s21 =	simm.s32 @!p0 $0x0;
	[tilespmem:s22+$0x1D720] =	vst v5  }
0x1c5: {  	s23 =	simm.s32 @!p0 $0x0;
	s15 =	sor.u32 s15, s20;
	s16 =	sadd.s32 s16, s21;
	[tilespmem:s22+$0x1D730] =	vst v4  }
0x1c6: {  	s20 =	sor.u32 s6, s23;
	s15 =	sor.u32 s14, s15;
	p0 =	sne.s32 s16, $0x0;
	[tilespmem:s22+$0x1D740] =	vst v3  }
0x1c7: {  	s15 =	sshrl.u32 s15, $0x3;
	s21 =	sshrl.u32 @!p0 s20, $0x3;
	[tilespmem:s22+$0x1D750] =	vst v2  }
0x1c8: {  	s15 =	sadd.s32 s4, s15;
	s21 =	smul.u32 @!p0 $0xC3800, s21;
	[tilespmem:s22+$0x1D760] =	vst v1  }
0x1c9: {  	[hbm4b:s15+s26] =	stream.strided.scatter [tilespmem:s12], [sflag:$0x6], $0x1000, s28, s26, $0x38;
	[tilespmem:$0x1F700] =	vst v63  }
0x1ca: {  	s15 =	sor.u32 @!p0 s14, s21  }
0x1cb: {  	s23 =	simm.s32 @!p0 $0x0;
	s15 =	sshrl.u32 @!p0 s15, $0x3  }
0x1cc: {  	s22 =	simm.s32 @!p0 $0x400;
	s21 =	simm.s32 @!p0 $0x80;
	s15 =	sadd.s32 @!p0 s2, s15  }
0x1cd: {  	[tilespmem:s23], [sflag:$0x8] =	stream.strided.gather @!p0 [hbm4b:s15+s21], $0x18700, s22, s21, $0x38;
	[tilespmem:$0x1F700] =	vst v63  }
0x1ce: {  	s23 =	rddreg [dreg:$0xf]  }
0x1cf: {  	s15 =	sadd.s32 s11, s23  }
0x1d0: {  	s21 =	simm.s32 $0x0;
	p1 =	slt.u32 s15, $0x64  }
0x1d1: {  	s21 =	simm.s32 @!p1 $0xFFFFFF9C  }
0x1d2: {  	s15 =	sadd.s32 s15, s21  }
0x1d3: {  	s21 =	simm.s32 $0x0;
	p1 =	slt.s32 s15, $0x32  }
0x1d4: {  	s21 =	simm.s32 @!p1 $0xFFFFFFCE  }
0x1d5: {  	s21 =	sadd.s32 s15, s21  }
0x1d6: {  	s22 =	sshll.u32 s21, $0xC;
	s21 =	sshll.u32 s21, $0x7  }
0x1d7: {  	s23 =	simm.s32 @!p0 $0x8;
	s22 =	sand.u32 $0xFFFF8000, s22;
	s21 =	sand.u32 $0x380, s21  }
0x1d8: {  	_ =	swait.ge @!p0 [sflag:s23], $0x18700;
	s21 =	sor.u32 s21, s22  }
0x1d9: {  	[sflag:s23] =	ssyncset.done @!p0 $0x0;
	s21 =	sshrl.u32 s21, $0x3  }
0x1da: {  	[sflag:s23] =	ssyncadd.s32 @!p0 $0xFFFE7900;
	s21 =	sadd.s32 s3, s21  }
0x1db: {  	[tilespmem:s8], [sflag:$0x5] =	stream.strided.gather [hbm4b:s21+s26], $0x1000, s28, s26, $0x38;
	[tilespmem:$0x1F700] =	vst v63  }
0x1dc: {  	_ =	swait.ge [sflag:s10], $0x1000  }
0x1dd: {  	[sflag:s10] =	ssyncset.done $0x0  }
0x1de: {  	[sflag:s10] =	ssyncadd.s32 $0xFFFFF000  }
0x1df: {  	_ =	swait.ge [sflag:s31], $0x1000  }
0x1e0: {  	[sflag:s31] =	ssyncset.done $0x0  }
0x1e1: {  	s21 =	simm.s32 $0x0;
	[sflag:s31] =	ssyncadd.s32 $0xFFFFF000  }
0x1e2: {  	v0 =	vld [tilespmem:s21+$0x18700]  }
0x1e3: {  	v1 =	vld [tilespmem:s21+$0x18770]  }
0x1e4: {  	v2 =	vld [tilespmem:s21+$0x18710]  }
0x1e5: {  	v3 =	vld [tilespmem:s21+$0x18720]  }
0x1e6: {  	v4 =	vld [tilespmem:s21+$0x18730]  }
0x1e7: {  	v7 =	vld [tilespmem:s21+$0x18740]  }
0x1e8: {  	v8 =	vld [tilespmem:s21+$0x18750]  }
0x1e9: {  	v9 =	vld [tilespmem:s21+$0x18760]  }
0x1ea: {  	v10 =	vld.idx.msk [tilespmem:v0+s5+$0x0], $0xffff  }
0x1eb: {  	v0 =	vld.idx.msk [tilespmem:v1+s5+$0x0], $0xffff  }
0x1ec: {  	v6 =	vld.idx.msk [tilespmem:v2+s5+$0x0], $0xffff  }
0x1ed: {  	v5 =	vld.idx.msk [tilespmem:v3+s5+$0x0], $0xffff  }
0x1ee: {  	v4 =	vld.idx.msk [tilespmem:v4+s5+$0x0], $0xffff  }
0x1ef: {  	v3 =	vld.idx.msk [tilespmem:v7+s5+$0x0], $0xffff  }
0x1f0: {  	v2 =	vld.idx.msk [tilespmem:v8+s5+$0x0], $0xffff  }
0x1f1: {  	s22 =	simm.s32 $0x80;
	v1 =	vld.idx.msk [tilespmem:v9+s5+$0x0], $0xffff;
	[tilespmem:s21+$0x1E770] =	vst v0  }
0x1f2: {  	s23 =	simm.s32 $0x400;
	v0 =	vld [tilespmem:s22+$0x18700];
	[tilespmem:s21+$0x1E700] =	vst v10  }
.LBB2_13:
0x1f3: {  	p0 =	sne.s32 s23, $0x3E00;
	v7 =	vld [tilespmem:s22+$0x18770];
	[tilespmem:s21+$0x1E710] =	vst v6  }
0x1f4: {  	v6 =	vld [tilespmem:s22+$0x18710];
	[tilespmem:s21+$0x1E720] =	vst v5  }
0x1f5: {  	v5 =	vld [tilespmem:s22+$0x18720];
	[tilespmem:s21+$0x1E730] =	vst v4  }
0x1f6: {  	v4 =	vld [tilespmem:s22+$0x18730];
	[tilespmem:s21+$0x1E740] =	vst v3  }
0x1f7: {  	v3 =	vld [tilespmem:s22+$0x18740];
	[tilespmem:s21+$0x1E750] =	vst v2  }
0x1f8: {  	v2 =	vld [tilespmem:s22+$0x18750];
	[tilespmem:s21+$0x1E760] =	vst v1;
	s21 =	smov.u32 s22  }
0x1f9: {  	v1 =	vld [tilespmem:s21+$0x18760]  }
0x1fa: {  	v8 =	vld.idx.msk [tilespmem:v0+s5+$0x0], $0xffff  }
0x1fb: {  	v0 =	vld.idx.msk [tilespmem:v7+s5+$0x0], $0xffff  }
0x1fc: {  	v6 =	vld.idx.msk [tilespmem:v6+s5+$0x0], $0xffff  }
0x1fd: {  	v5 =	vld.idx.msk [tilespmem:v5+s5+$0x0], $0xffff  }
.Ltmp5:
0x1fe: {  	v4 =	vld.idx.msk [tilespmem:v4+s5+$0x0], $0xffff;
	(pc) =	sbr.rel @p0 .LBB2_13-.Ltmp5, $4  }
0x1ff: {  	v3 =	vld.idx.msk [tilespmem:v3+s5+$0x0], $0xffff  }
0x200: {  	v2 =	vld.idx.msk [tilespmem:v2+s5+$0x0], $0xffff  }
0x201: {  	s22 =	sshra.s32 s23, $0x2;
	v1 =	vld.idx.msk [tilespmem:v1+s5+$0x0], $0xffff;
	[tilespmem:s21+$0x1E770] =	vst v0  }
0x202: {  	s23 =	sadd.s32 $0x200, s23;
	v0 =	vld [tilespmem:s22+$0x18700];
	[tilespmem:s21+$0x1E700] =	vst v8  }
0x203: {  	_ = 	snop  }
0x204: {  	v7 =	vld [tilespmem:s22+$0x18770];
	[tilespmem:s21+$0x1E710] =	vst v6  }
0x205: {  	v6 =	vld [tilespmem:s22+$0x18710];
	[tilespmem:s21+$0x1E720] =	vst v5  }
0x206: {  	v5 =	vld [tilespmem:s22+$0x18720];
	[tilespmem:s21+$0x1E730] =	vst v4  }
0x207: {  	v4 =	vld [tilespmem:s22+$0x18730];
	[tilespmem:s21+$0x1E740] =	vst v3  }
0x208: {  	v3 =	vld [tilespmem:s22+$0x18740];
	[tilespmem:s21+$0x1E750] =	vst v2  }
0x209: {  	v2 =	vld [tilespmem:s22+$0x18750];
	[tilespmem:s21+$0x1E760] =	vst v1  }
0x20a: {  	v1 =	vld [tilespmem:s22+$0x18760]  }
0x20b: {  	v0 =	vld.idx.msk [tilespmem:v0+s5+$0x0], $0xffff  }
0x20c: {  	v7 =	vld.idx.msk [tilespmem:v7+s5+$0x0], $0xffff  }
0x20d: {  	v6 =	vld.idx.msk [tilespmem:v6+s5+$0x0], $0xffff  }
0x20e: {  	v5 =	vld.idx.msk [tilespmem:v5+s5+$0x0], $0xffff  }
0x20f: {  	v4 =	vld.idx.msk [tilespmem:v4+s5+$0x0], $0xffff  }
0x210: {  	v3 =	vld.idx.msk [tilespmem:v3+s5+$0x0], $0xffff  }
0x211: {  	v2 =	vld.idx.msk [tilespmem:v2+s5+$0x0], $0xffff  }
0x212: {  	v1 =	vld.idx.msk [tilespmem:v1+s5+$0x0], $0xffff;
	[tilespmem:s22+$0x1E770] =	vst v7  }
0x213: {  	s16 =	sshll.u32 s16, $0x12;
	[tilespmem:s22+$0x1E700] =	vst v0  }
0x214: {  	s20 =	sshll.u32 s20, $0xC;
	p0 =	sgt.s32 s19, $0x31;
	s21 =	simm.s32 $0xFFFFFFCE;
	[tilespmem:s22+$0x1E710] =	vst v6  }
0x215: {  	s23 =	simm.s32 $0x20;
	s20 =	sand.u32 $0x38000, s20;
	s21 =	simm.s32 @!p0 $0x0;
	[tilespmem:s22+$0x1E720] =	vst v5  }
0x216: {  	s23 =	simm.s32 @!p0 $0x0;
	s20 =	sor.u32 s16, s20;
	s16 =	sadd.s32 s19, s21;
	[tilespmem:s22+$0x1E730] =	vst v4  }
0x217: {  	s20 =	sor.u32 s14, s20;
	s19 =	sor.u32 s6, s23;
	p1 =	sne.s32 s16, $0x0;
	[tilespmem:s22+$0x1E740] =	vst v3  }
0x218: {  	s20 =	sshrl.u32 s20, $0x3;
	s21 =	sshrl.u32 @!p1 s19, $0x3;
	[tilespmem:s22+$0x1E750] =	vst v2  }
0x219: {  	s20 =	sadd.s32 s4, s20;
	s21 =	smul.u32 @!p1 $0xC3800, s21;
	[tilespmem:s22+$0x1E760] =	vst v1  }
0x21a: {  	[hbm4b:s20+s26] =	stream.strided.scatter [tilespmem:s25], [sflag:$0x7], $0x1000, s28, s26, $0x38;
	[tilespmem:$0x1F700] =	vst v63  }
0x21b: {  	s20 =	sor.u32 @!p1 s14, s21  }
0x21c: {  	s23 =	simm.s32 @!p1 $0x0;
	s20 =	sshrl.u32 @!p1 s20, $0x3  }
0x21d: {  	s22 =	simm.s32 @!p1 $0x400;
	s21 =	simm.s32 @!p1 $0x80;
	s20 =	sadd.s32 @!p1 s2, s20  }
0x21e: {  	[tilespmem:s23], [sflag:$0x8] =	stream.strided.gather @!p1 [hbm4b:s20+s21], $0x18700, s22, s21, $0x38;
	[tilespmem:$0x1F700] =	vst v63  }
0x21f: {  	p0 =	seq.s32 s9, $0x9;
	s20 =	rddreg [dreg:$0x10]  }
0x220: {  	s20 =	sadd.s32 @!p0 s11, s20  }
0x221: {  	p2 =	slt.u32 @!p0 s20, $0x64  }
0x222: {  	s21 =	simm.s32 @!p0 $0x0;
	p2 =	por !p2, p0  }
0x223: {  	s21 =	simm.s32 @p2 $0xFFFFFF9C  }
0x224: {  	s20 =	sadd.s32 @!p0 s20, s21  }
0x225: {  	p2 =	slt.s32 @!p0 s20, $0x32  }
0x226: {  	s21 =	simm.s32 @!p0 $0x0;
	p2 =	por !p2, p0  }
0x227: {  	s21 =	simm.s32 @p2 $0xFFFFFFCE  }
0x228: {  	s20 =	sadd.s32 @!p0 s20, s21  }
0x229: {  	s22 =	simm.s32 @!p1 $0x8;
	s21 =	sshll.u32 @!p0 s20, $0xC;
	s20 =	sshll.u32 @!p0 s20, $0x7  }
0x22a: {  	_ =	swait.ge @!p1 [sflag:s22], $0x18700;
	s21 =	sand.u32 @!p0 $0xFFFF8000, s21;
	s20 =	sand.u32 @!p0 $0x380, s20  }
0x22b: {  	[sflag:s22] =	ssyncset.done @!p1 $0x0;
	s20 =	sor.u32 @!p0 s20, s21  }
0x22c: {  	s23 =	simm.s32 @!p0 $0x18700;
	[sflag:s22] =	ssyncadd.s32 @!p1 $0xFFFE7900;
	s20 =	sshrl.u32 @!p0 s20, $0x3  }
0x22d: {  	s22 =	simm.s32 @!p0 $0x400;
	s21 =	simm.s32 @!p0 $0x80;
	s20 =	sadd.s32 @!p0 s3, s20  }
0x22e: {  	[tilespmem:s23], [sflag:$0x1] =	stream.strided.gather @!p0 [hbm4b:s20+s21], $0x1000, s22, s21, $0x38;
	[tilespmem:$0x1F700] =	vst v63  }
0x22f: {  	_ =	swait.ge [sflag:s13], $0x1000  }
0x230: {  	[sflag:s13] =	ssyncset.done $0x0  }
0x231: {  	[sflag:s13] =	ssyncadd.s32 $0xFFFFF000  }
0x232: {  	_ =	swait.ge [sflag:s29], $0x1000  }
0x233: {  	[sflag:s29] =	ssyncset.done $0x0  }
0x234: {  	s20 =	simm.s32 $0x0;
	[sflag:s29] =	ssyncadd.s32 $0xFFFFF000  }
0x235: {  	v0 =	vld [tilespmem:s20+$0x19700]  }
0x236: {  	v1 =	vld [tilespmem:s20+$0x19770]  }
0x237: {  	v2 =	vld [tilespmem:s20+$0x19710]  }
0x238: {  	v3 =	vld [tilespmem:s20+$0x19720]  }
0x239: {  	v4 =	vld [tilespmem:s20+$0x19730]  }
0x23a: {  	v7 =	vld [tilespmem:s20+$0x19740]  }
0x23b: {  	v8 =	vld [tilespmem:s20+$0x19750]  }
0x23c: {  	v9 =	vld [tilespmem:s20+$0x19760]  }
0x23d: {  	v10 =	vld.idx.msk [tilespmem:v0+s5+$0x0], $0xffff  }
0x23e: {  	v0 =	vld.idx.msk [tilespmem:v1+s5+$0x0], $0xffff  }
0x23f: {  	v6 =	vld.idx.msk [tilespmem:v2+s5+$0x0], $0xffff  }
0x240: {  	v5 =	vld.idx.msk [tilespmem:v3+s5+$0x0], $0xffff  }
0x241: {  	v4 =	vld.idx.msk [tilespmem:v4+s5+$0x0], $0xffff  }
0x242: {  	v3 =	vld.idx.msk [tilespmem:v7+s5+$0x0], $0xffff  }
0x243: {  	v2 =	vld.idx.msk [tilespmem:v8+s5+$0x0], $0xffff  }
0x244: {  	s21 =	simm.s32 $0x80;
	v1 =	vld.idx.msk [tilespmem:v9+s5+$0x0], $0xffff;
	[tilespmem:s20+$0x1D770] =	vst v0  }
0x245: {  	s22 =	simm.s32 $0x400;
	v0 =	vld [tilespmem:s21+$0x19700];
	[tilespmem:s20+$0x1D700] =	vst v10  }
.LBB2_15:
0x246: {  	p1 =	sne.s32 s22, $0x3E00;
	v7 =	vld [tilespmem:s21+$0x19770];
	[tilespmem:s20+$0x1D710] =	vst v6  }
0x247: {  	v6 =	vld [tilespmem:s21+$0x19710];
	[tilespmem:s20+$0x1D720] =	vst v5  }
0x248: {  	v5 =	vld [tilespmem:s21+$0x19720];
	[tilespmem:s20+$0x1D730] =	vst v4  }
0x249: {  	v4 =	vld [tilespmem:s21+$0x19730];
	[tilespmem:s20+$0x1D740] =	vst v3  }
0x24a: {  	v3 =	vld [tilespmem:s21+$0x19740];
	[tilespmem:s20+$0x1D750] =	vst v2  }
0x24b: {  	v2 =	vld [tilespmem:s21+$0x19750];
	[tilespmem:s20+$0x1D760] =	vst v1;
	s20 =	smov.u32 s21  }
0x24c: {  	v1 =	vld [tilespmem:s20+$0x19760]  }
0x24d: {  	v8 =	vld.idx.msk [tilespmem:v0+s5+$0x0], $0xffff  }
0x24e: {  	v0 =	vld.idx.msk [tilespmem:v7+s5+$0x0], $0xffff  }
0x24f: {  	v6 =	vld.idx.msk [tilespmem:v6+s5+$0x0], $0xffff  }
0x250: {  	v5 =	vld.idx.msk [tilespmem:v5+s5+$0x0], $0xffff  }
.Ltmp6:
0x251: {  	v4 =	vld.idx.msk [tilespmem:v4+s5+$0x0], $0xffff;
	(pc) =	sbr.rel @p1 .LBB2_15-.Ltmp6, $4  }
0x252: {  	v3 =	vld.idx.msk [tilespmem:v3+s5+$0x0], $0xffff  }
0x253: {  	v2 =	vld.idx.msk [tilespmem:v2+s5+$0x0], $0xffff  }
0x254: {  	s21 =	sshra.s32 s22, $0x2;
	v1 =	vld.idx.msk [tilespmem:v1+s5+$0x0], $0xffff;
	[tilespmem:s20+$0x1D770] =	vst v0  }
0x255: {  	s22 =	sadd.s32 $0x200, s22;
	v0 =	vld [tilespmem:s21+$0x19700];
	[tilespmem:s20+$0x1D700] =	vst v8  }
0x256: {  	_ = 	snop  }
0x257: {  	v7 =	vld [tilespmem:s21+$0x19770];
	[tilespmem:s20+$0x1D710] =	vst v6  }
0x258: {  	v6 =	vld [tilespmem:s21+$0x19710];
	[tilespmem:s20+$0x1D720] =	vst v5  }
0x259: {  	v5 =	vld [tilespmem:s21+$0x19720];
	[tilespmem:s20+$0x1D730] =	vst v4  }
0x25a: {  	v4 =	vld [tilespmem:s21+$0x19730];
	[tilespmem:s20+$0x1D740] =	vst v3  }
0x25b: {  	v3 =	vld [tilespmem:s21+$0x19740];
	[tilespmem:s20+$0x1D750] =	vst v2  }
0x25c: {  	v2 =	vld [tilespmem:s21+$0x19750];
	[tilespmem:s20+$0x1D760] =	vst v1  }
0x25d: {  	v1 =	vld [tilespmem:s21+$0x19760]  }
0x25e: {  	v0 =	vld.idx.msk [tilespmem:v0+s5+$0x0], $0xffff  }
0x25f: {  	v7 =	vld.idx.msk [tilespmem:v7+s5+$0x0], $0xffff  }
0x260: {  	v6 =	vld.idx.msk [tilespmem:v6+s5+$0x0], $0xffff  }
0x261: {  	v5 =	vld.idx.msk [tilespmem:v5+s5+$0x0], $0xffff  }
0x262: {  	v4 =	vld.idx.msk [tilespmem:v4+s5+$0x0], $0xffff  }
0x263: {  	v3 =	vld.idx.msk [tilespmem:v3+s5+$0x0], $0xffff  }
0x264: {  	v2 =	vld.idx.msk [tilespmem:v2+s5+$0x0], $0xffff  }
0x265: {  	v1 =	vld.idx.msk [tilespmem:v1+s5+$0x0], $0xffff;
	[tilespmem:s21+$0x1D770] =	vst v7  }
0x266: {  	s16 =	sshll.u32 s16, $0x12;
	[tilespmem:s21+$0x1D700] =	vst v0  }
0x267: {  	s19 =	sshll.u32 s19, $0xC;
	p1 =	sgt.s32 s18, $0x31;
	s20 =	simm.s32 $0xFFFFFFCE;
	[tilespmem:s21+$0x1D710] =	vst v6  }
0x268: {  	s22 =	simm.s32 $0x20;
	s19 =	sand.u32 $0x38000, s19;
	s20 =	simm.s32 @!p1 $0x0;
	[tilespmem:s21+$0x1D720] =	vst v5  }
0x269: {  	s22 =	simm.s32 @!p1 $0x0;
	s19 =	sor.u32 s16, s19;
	s16 =	sadd.s32 s18, s20;
	[tilespmem:s21+$0x1D730] =	vst v4  }
0x26a: {  	s19 =	sor.u32 s14, s19;
	s18 =	sor.u32 s6, s22;
	p1 =	sne.s32 s16, $0x0;
	[tilespmem:s21+$0x1D740] =	vst v3  }
0x26b: {  	s19 =	sshrl.u32 s19, $0x3;
	s20 =	sshrl.u32 @!p1 s18, $0x3;
	[tilespmem:s21+$0x1D750] =	vst v2  }
0x26c: {  	s19 =	sadd.s32 s4, s19;
	s20 =	smul.u32 @!p1 $0xC3800, s20;
	[tilespmem:s21+$0x1D760] =	vst v1  }
0x26d: {  	[hbm4b:s19+s26] =	stream.strided.scatter [tilespmem:s12], [sflag:$0x6], $0x1000, s28, s26, $0x38;
	[tilespmem:$0x1F700] =	vst v63  }
0x26e: {  	s19 =	sor.u32 @!p1 s14, s20  }
0x26f: {  	s22 =	simm.s32 @!p1 $0x0;
	s19 =	sshrl.u32 @!p1 s19, $0x3  }
0x270: {  	s21 =	simm.s32 @!p1 $0x400;
	s20 =	simm.s32 @!p1 $0x80;
	s19 =	sadd.s32 @!p1 s2, s19  }
0x271: {  	[tilespmem:s22], [sflag:$0x8] =	stream.strided.gather @!p1 [hbm4b:s19+s20], $0x18700, s21, s20, $0x38;
	[tilespmem:$0x1F700] =	vst v63  }
0x272: {  	s19 =	rddreg [dreg:$0x11]  }
0x273: {  	s19 =	sadd.s32 @!p0 s11, s19  }
0x274: {  	p2 =	slt.u32 @!p0 s19, $0x64  }
0x275: {  	s20 =	simm.s32 @!p0 $0x0;
	p2 =	por !p2, p0  }
0x276: {  	s20 =	simm.s32 @p2 $0xFFFFFF9C  }
0x277: {  	s19 =	sadd.s32 @!p0 s19, s20  }
0x278: {  	p2 =	slt.s32 @!p0 s19, $0x32  }
0x279: {  	s20 =	simm.s32 @!p0 $0x0;
	p2 =	por !p2, p0  }
0x27a: {  	s20 =	simm.s32 @p2 $0xFFFFFFCE  }
0x27b: {  	s19 =	sadd.s32 @!p0 s19, s20  }
0x27c: {  	s21 =	simm.s32 @!p1 $0x8;
	s20 =	sshll.u32 @!p0 s19, $0xC;
	s19 =	sshll.u32 @!p0 s19, $0x7  }
0x27d: {  	_ =	swait.ge @!p1 [sflag:s21], $0x18700;
	s20 =	sand.u32 @!p0 $0xFFFF8000, s20;
	s19 =	sand.u32 @!p0 $0x380, s19  }
0x27e: {  	[sflag:s21] =	ssyncset.done @!p1 $0x0;
	s19 =	sor.u32 @!p0 s19, s20  }
0x27f: {  	s22 =	simm.s32 @!p0 $0x19700;
	[sflag:s21] =	ssyncadd.s32 @!p1 $0xFFFE7900;
	s19 =	sshrl.u32 @!p0 s19, $0x3  }
0x280: {  	s21 =	simm.s32 @!p0 $0x400;
	s20 =	simm.s32 @!p0 $0x80;
	s19 =	sadd.s32 @!p0 s3, s19  }
0x281: {  	[tilespmem:s22], [sflag:$0x2] =	stream.strided.gather @!p0 [hbm4b:s19+s20], $0x1000, s21, s20, $0x38;
	[tilespmem:$0x1F700] =	vst v63  }
0x282: {  	_ =	swait.ge [sflag:s1], $0x1000  }
0x283: {  	[sflag:s1] =	ssyncset.done $0x0  }
0x284: {  	[sflag:s1] =	ssyncadd.s32 $0xFFFFF000  }
0x285: {  	_ =	swait.ge [sflag:s31], $0x1000  }
0x286: {  	[sflag:s31] =	ssyncset.done $0x0  }
0x287: {  	s19 =	simm.s32 $0x0;
	[sflag:s31] =	ssyncadd.s32 $0xFFFFF000  }
0x288: {  	v0 =	vld [tilespmem:s19+$0x1A700]  }
0x289: {  	v1 =	vld [tilespmem:s19+$0x1A770]  }
0x28a: {  	v2 =	vld [tilespmem:s19+$0x1A710]  }
0x28b: {  	v3 =	vld [tilespmem:s19+$0x1A720]  }
0x28c: {  	v4 =	vld [tilespmem:s19+$0x1A730]  }
0x28d: {  	v7 =	vld [tilespmem:s19+$0x1A740]  }
0x28e: {  	v8 =	vld [tilespmem:s19+$0x1A750]  }
0x28f: {  	v9 =	vld [tilespmem:s19+$0x1A760]  }
0x290: {  	v10 =	vld.idx.msk [tilespmem:v0+s5+$0x0], $0xffff  }
0x291: {  	v0 =	vld.idx.msk [tilespmem:v1+s5+$0x0], $0xffff  }
0x292: {  	v6 =	vld.idx.msk [tilespmem:v2+s5+$0x0], $0xffff  }
0x293: {  	v5 =	vld.idx.msk [tilespmem:v3+s5+$0x0], $0xffff  }
0x294: {  	v4 =	vld.idx.msk [tilespmem:v4+s5+$0x0], $0xffff  }
0x295: {  	v3 =	vld.idx.msk [tilespmem:v7+s5+$0x0], $0xffff  }
0x296: {  	v2 =	vld.idx.msk [tilespmem:v8+s5+$0x0], $0xffff  }
0x297: {  	s20 =	simm.s32 $0x80;
	v1 =	vld.idx.msk [tilespmem:v9+s5+$0x0], $0xffff;
	[tilespmem:s19+$0x1E770] =	vst v0  }
0x298: {  	s21 =	simm.s32 $0x400;
	v0 =	vld [tilespmem:s20+$0x1A700];
	[tilespmem:s19+$0x1E700] =	vst v10  }
.LBB2_17:
0x299: {  	p1 =	sne.s32 s21, $0x3E00;
	v7 =	vld [tilespmem:s20+$0x1A770];
	[tilespmem:s19+$0x1E710] =	vst v6  }
0x29a: {  	v6 =	vld [tilespmem:s20+$0x1A710];
	[tilespmem:s19+$0x1E720] =	vst v5  }
0x29b: {  	v5 =	vld [tilespmem:s20+$0x1A720];
	[tilespmem:s19+$0x1E730] =	vst v4  }
0x29c: {  	v4 =	vld [tilespmem:s20+$0x1A730];
	[tilespmem:s19+$0x1E740] =	vst v3  }
0x29d: {  	v3 =	vld [tilespmem:s20+$0x1A740];
	[tilespmem:s19+$0x1E750] =	vst v2  }
0x29e: {  	v2 =	vld [tilespmem:s20+$0x1A750];
	[tilespmem:s19+$0x1E760] =	vst v1;
	s19 =	smov.u32 s20  }
0x29f: {  	v1 =	vld [tilespmem:s19+$0x1A760]  }
0x2a0: {  	v8 =	vld.idx.msk [tilespmem:v0+s5+$0x0], $0xffff  }
0x2a1: {  	v0 =	vld.idx.msk [tilespmem:v7+s5+$0x0], $0xffff  }
0x2a2: {  	v6 =	vld.idx.msk [tilespmem:v6+s5+$0x0], $0xffff  }
0x2a3: {  	v5 =	vld.idx.msk [tilespmem:v5+s5+$0x0], $0xffff  }
.Ltmp7:
0x2a4: {  	v4 =	vld.idx.msk [tilespmem:v4+s5+$0x0], $0xffff;
	(pc) =	sbr.rel @p1 .LBB2_17-.Ltmp7, $4  }
0x2a5: {  	v3 =	vld.idx.msk [tilespmem:v3+s5+$0x0], $0xffff  }
0x2a6: {  	v2 =	vld.idx.msk [tilespmem:v2+s5+$0x0], $0xffff  }
0x2a7: {  	s20 =	sshra.s32 s21, $0x2;
	v1 =	vld.idx.msk [tilespmem:v1+s5+$0x0], $0xffff;
	[tilespmem:s19+$0x1E770] =	vst v0  }
0x2a8: {  	s21 =	sadd.s32 $0x200, s21;
	v0 =	vld [tilespmem:s20+$0x1A700];
	[tilespmem:s19+$0x1E700] =	vst v8  }
0x2a9: {  	_ = 	snop  }
0x2aa: {  	v7 =	vld [tilespmem:s20+$0x1A770];
	[tilespmem:s19+$0x1E710] =	vst v6  }
0x2ab: {  	v6 =	vld [tilespmem:s20+$0x1A710];
	[tilespmem:s19+$0x1E720] =	vst v5  }
0x2ac: {  	v5 =	vld [tilespmem:s20+$0x1A720];
	[tilespmem:s19+$0x1E730] =	vst v4  }
0x2ad: {  	v4 =	vld [tilespmem:s20+$0x1A730];
	[tilespmem:s19+$0x1E740] =	vst v3  }
0x2ae: {  	v3 =	vld [tilespmem:s20+$0x1A740];
	[tilespmem:s19+$0x1E750] =	vst v2  }
0x2af: {  	v2 =	vld [tilespmem:s20+$0x1A750];
	[tilespmem:s19+$0x1E760] =	vst v1  }
0x2b0: {  	v1 =	vld [tilespmem:s20+$0x1A760]  }
0x2b1: {  	v0 =	vld.idx.msk [tilespmem:v0+s5+$0x0], $0xffff  }
0x2b2: {  	v7 =	vld.idx.msk [tilespmem:v7+s5+$0x0], $0xffff  }
0x2b3: {  	v6 =	vld.idx.msk [tilespmem:v6+s5+$0x0], $0xffff  }
0x2b4: {  	v5 =	vld.idx.msk [tilespmem:v5+s5+$0x0], $0xffff  }
0x2b5: {  	v4 =	vld.idx.msk [tilespmem:v4+s5+$0x0], $0xffff  }
0x2b6: {  	v3 =	vld.idx.msk [tilespmem:v3+s5+$0x0], $0xffff  }
0x2b7: {  	v2 =	vld.idx.msk [tilespmem:v2+s5+$0x0], $0xffff  }
0x2b8: {  	v1 =	vld.idx.msk [tilespmem:v1+s5+$0x0], $0xffff;
	[tilespmem:s20+$0x1E770] =	vst v7  }
0x2b9: {  	s16 =	sshll.u32 s16, $0x12;
	[tilespmem:s20+$0x1E700] =	vst v0  }
0x2ba: {  	s18 =	sshll.u32 s18, $0xC;
	p1 =	sgt.s32 s17, $0x31;
	s19 =	simm.s32 $0xFFFFFFCE;
	[tilespmem:s20+$0x1E710] =	vst v6  }
0x2bb: {  	s21 =	simm.s32 $0x20;
	s18 =	sand.u32 $0x38000, s18;
	s19 =	simm.s32 @!p1 $0x0;
	[tilespmem:s20+$0x1E720] =	vst v5  }
0x2bc: {  	s21 =	simm.s32 @!p1 $0x0;
	s18 =	sor.u32 s16, s18;
	s16 =	sadd.s32 s17, s19;
	[tilespmem:s20+$0x1E730] =	vst v4  }
0x2bd: {  	s18 =	sor.u32 s14, s18;
	s17 =	sor.u32 s6, s21;
	p1 =	sne.s32 s16, $0x0;
	[tilespmem:s20+$0x1E740] =	vst v3  }
0x2be: {  	s18 =	sshrl.u32 s18, $0x3;
	s19 =	sshrl.u32 @!p1 s17, $0x3;
	[tilespmem:s20+$0x1E750] =	vst v2  }
0x2bf: {  	s18 =	sadd.s32 s4, s18;
	s19 =	smul.u32 @!p1 $0xC3800, s19;
	[tilespmem:s20+$0x1E760] =	vst v1  }
0x2c0: {  	[hbm4b:s18+s26] =	stream.strided.scatter [tilespmem:s25], [sflag:$0x7], $0x1000, s28, s26, $0x38;
	[tilespmem:$0x1F700] =	vst v63  }
0x2c1: {  	s18 =	sor.u32 @!p1 s14, s19  }
0x2c2: {  	s21 =	simm.s32 @!p1 $0x0;
	s18 =	sshrl.u32 @!p1 s18, $0x3  }
0x2c3: {  	s20 =	simm.s32 @!p1 $0x400;
	s19 =	simm.s32 @!p1 $0x80;
	s18 =	sadd.s32 @!p1 s2, s18  }
0x2c4: {  	[tilespmem:s21], [sflag:$0x8] =	stream.strided.gather @!p1 [hbm4b:s18+s19], $0x18700, s20, s19, $0x38;
	[tilespmem:$0x1F700] =	vst v63  }
0x2c5: {  	s18 =	rddreg [dreg:$0x12]  }
0x2c6: {  	s18 =	sadd.s32 @!p0 s11, s18  }
0x2c7: {  	p2 =	slt.u32 @!p0 s18, $0x64  }
0x2c8: {  	s19 =	simm.s32 @!p0 $0x0;
	p2 =	por !p2, p0  }
0x2c9: {  	s19 =	simm.s32 @p2 $0xFFFFFF9C  }
0x2ca: {  	s18 =	sadd.s32 @!p0 s18, s19  }
0x2cb: {  	p2 =	slt.s32 @!p0 s18, $0x32  }
0x2cc: {  	s19 =	simm.s32 @!p0 $0x0;
	p2 =	por !p2, p0  }
0x2cd: {  	s19 =	simm.s32 @p2 $0xFFFFFFCE  }
0x2ce: {  	s18 =	sadd.s32 @!p0 s18, s19  }
0x2cf: {  	s20 =	simm.s32 @!p1 $0x8;
	s19 =	sshll.u32 @!p0 s18, $0xC;
	s18 =	sshll.u32 @!p0 s18, $0x7  }
0x2d0: {  	_ =	swait.ge @!p1 [sflag:s20], $0x18700;
	s19 =	sand.u32 @!p0 $0xFFFF8000, s19;
	s18 =	sand.u32 @!p0 $0x380, s18  }
0x2d1: {  	[sflag:s20] =	ssyncset.done @!p1 $0x0;
	s18 =	sor.u32 @!p0 s18, s19  }
0x2d2: {  	s21 =	simm.s32 @!p0 $0x1A700;
	[sflag:s20] =	ssyncadd.s32 @!p1 $0xFFFE7900;
	s18 =	sshrl.u32 @!p0 s18, $0x3  }
0x2d3: {  	s20 =	simm.s32 @!p0 $0x400;
	s19 =	simm.s32 @!p0 $0x80;
	s18 =	sadd.s32 @!p0 s3, s18  }
0x2d4: {  	[tilespmem:s21], [sflag:$0x3] =	stream.strided.gather @!p0 [hbm4b:s18+s19], $0x1000, s20, s19, $0x38;
	[tilespmem:$0x1F700] =	vst v63  }
0x2d5: {  	_ =	swait.ge [sflag:s30], $0x1000  }
0x2d6: {  	[sflag:s30] =	ssyncset.done $0x0  }
0x2d7: {  	[sflag:s30] =	ssyncadd.s32 $0xFFFFF000  }
0x2d8: {  	_ =	swait.ge [sflag:s29], $0x1000  }
0x2d9: {  	[sflag:s29] =	ssyncset.done $0x0  }
0x2da: {  	s18 =	simm.s32 $0x0;
	[sflag:s29] =	ssyncadd.s32 $0xFFFFF000  }
0x2db: {  	v0 =	vld [tilespmem:s18+$0x1B700]  }
0x2dc: {  	v1 =	vld [tilespmem:s18+$0x1B770]  }
0x2dd: {  	v2 =	vld [tilespmem:s18+$0x1B710]  }
0x2de: {  	v3 =	vld [tilespmem:s18+$0x1B720]  }
0x2df: {  	v4 =	vld [tilespmem:s18+$0x1B730]  }
0x2e0: {  	v7 =	vld [tilespmem:s18+$0x1B740]  }
0x2e1: {  	v8 =	vld [tilespmem:s18+$0x1B750]  }
0x2e2: {  	v9 =	vld [tilespmem:s18+$0x1B760]  }
0x2e3: {  	v10 =	vld.idx.msk [tilespmem:v0+s5+$0x0], $0xffff  }
0x2e4: {  	v0 =	vld.idx.msk [tilespmem:v1+s5+$0x0], $0xffff  }
0x2e5: {  	v6 =	vld.idx.msk [tilespmem:v2+s5+$0x0], $0xffff  }
0x2e6: {  	v5 =	vld.idx.msk [tilespmem:v3+s5+$0x0], $0xffff  }
0x2e7: {  	v4 =	vld.idx.msk [tilespmem:v4+s5+$0x0], $0xffff  }
0x2e8: {  	v3 =	vld.idx.msk [tilespmem:v7+s5+$0x0], $0xffff  }
0x2e9: {  	v2 =	vld.idx.msk [tilespmem:v8+s5+$0x0], $0xffff  }
0x2ea: {  	s19 =	simm.s32 $0x80;
	v1 =	vld.idx.msk [tilespmem:v9+s5+$0x0], $0xffff;
	[tilespmem:s18+$0x1D770] =	vst v0  }
0x2eb: {  	s20 =	simm.s32 $0x400;
	v0 =	vld [tilespmem:s19+$0x1B700];
	[tilespmem:s18+$0x1D700] =	vst v10  }
.LBB2_19:
0x2ec: {  	p1 =	sne.s32 s20, $0x3E00;
	v7 =	vld [tilespmem:s19+$0x1B770];
	[tilespmem:s18+$0x1D710] =	vst v6  }
0x2ed: {  	v6 =	vld [tilespmem:s19+$0x1B710];
	[tilespmem:s18+$0x1D720] =	vst v5  }
0x2ee: {  	v5 =	vld [tilespmem:s19+$0x1B720];
	[tilespmem:s18+$0x1D730] =	vst v4  }
0x2ef: {  	v4 =	vld [tilespmem:s19+$0x1B730];
	[tilespmem:s18+$0x1D740] =	vst v3  }
0x2f0: {  	v3 =	vld [tilespmem:s19+$0x1B740];
	[tilespmem:s18+$0x1D750] =	vst v2  }
0x2f1: {  	v2 =	vld [tilespmem:s19+$0x1B750];
	[tilespmem:s18+$0x1D760] =	vst v1;
	s18 =	smov.u32 s19  }
0x2f2: {  	v1 =	vld [tilespmem:s18+$0x1B760]  }
0x2f3: {  	v8 =	vld.idx.msk [tilespmem:v0+s5+$0x0], $0xffff  }
0x2f4: {  	v0 =	vld.idx.msk [tilespmem:v7+s5+$0x0], $0xffff  }
0x2f5: {  	v6 =	vld.idx.msk [tilespmem:v6+s5+$0x0], $0xffff  }
0x2f6: {  	v5 =	vld.idx.msk [tilespmem:v5+s5+$0x0], $0xffff  }
.Ltmp8:
0x2f7: {  	v4 =	vld.idx.msk [tilespmem:v4+s5+$0x0], $0xffff;
	(pc) =	sbr.rel @p1 .LBB2_19-.Ltmp8, $4  }
0x2f8: {  	v3 =	vld.idx.msk [tilespmem:v3+s5+$0x0], $0xffff  }
0x2f9: {  	v2 =	vld.idx.msk [tilespmem:v2+s5+$0x0], $0xffff  }
0x2fa: {  	s19 =	sshra.s32 s20, $0x2;
	v1 =	vld.idx.msk [tilespmem:v1+s5+$0x0], $0xffff;
	[tilespmem:s18+$0x1D770] =	vst v0  }
0x2fb: {  	s20 =	sadd.s32 $0x200, s20;
	v0 =	vld [tilespmem:s19+$0x1B700];
	[tilespmem:s18+$0x1D700] =	vst v8  }
0x2fc: {  	_ = 	snop  }
0x2fd: {  	v7 =	vld [tilespmem:s19+$0x1B770];
	[tilespmem:s18+$0x1D710] =	vst v6  }
0x2fe: {  	v6 =	vld [tilespmem:s19+$0x1B710];
	[tilespmem:s18+$0x1D720] =	vst v5  }
0x2ff: {  	v5 =	vld [tilespmem:s19+$0x1B720];
	[tilespmem:s18+$0x1D730] =	vst v4  }
0x300: {  	v4 =	vld [tilespmem:s19+$0x1B730];
	[tilespmem:s18+$0x1D740] =	vst v3  }
0x301: {  	v3 =	vld [tilespmem:s19+$0x1B740];
	[tilespmem:s18+$0x1D750] =	vst v2  }
0x302: {  	v2 =	vld [tilespmem:s19+$0x1B750];
	[tilespmem:s18+$0x1D760] =	vst v1  }
0x303: {  	v1 =	vld [tilespmem:s19+$0x1B760]  }
0x304: {  	v0 =	vld.idx.msk [tilespmem:v0+s5+$0x0], $0xffff  }
0x305: {  	v7 =	vld.idx.msk [tilespmem:v7+s5+$0x0], $0xffff  }
0x306: {  	v6 =	vld.idx.msk [tilespmem:v6+s5+$0x0], $0xffff  }
0x307: {  	v5 =	vld.idx.msk [tilespmem:v5+s5+$0x0], $0xffff  }
0x308: {  	v4 =	vld.idx.msk [tilespmem:v4+s5+$0x0], $0xffff  }
0x309: {  	v3 =	vld.idx.msk [tilespmem:v3+s5+$0x0], $0xffff  }
0x30a: {  	v2 =	vld.idx.msk [tilespmem:v2+s5+$0x0], $0xffff  }
0x30b: {  	v1 =	vld.idx.msk [tilespmem:v1+s5+$0x0], $0xffff;
	[tilespmem:s19+$0x1D770] =	vst v7  }
0x30c: {  	s16 =	sshll.u32 s16, $0x12;
	[tilespmem:s19+$0x1D700] =	vst v0  }
0x30d: {  	s17 =	sshll.u32 s17, $0xC;
	p1 =	sgt.s32 s15, $0x31;
	s18 =	simm.s32 $0xFFFFFFCE;
	[tilespmem:s19+$0x1D710] =	vst v6  }
0x30e: {  	s20 =	simm.s32 $0x20;
	s17 =	sand.u32 $0x38000, s17;
	s18 =	simm.s32 @!p1 $0x0;
	[tilespmem:s19+$0x1D720] =	vst v5  }
0x30f: {  	s20 =	simm.s32 @!p1 $0x0;
	s16 =	sor.u32 s16, s17;
	s15 =	sadd.s32 s15, s18;
	[tilespmem:s19+$0x1D730] =	vst v4  }
0x310: {  	s17 =	sor.u32 s14, s16;
	s16 =	sor.u32 s6, s20;
	p1 =	sne.s32 s15, $0x0;
	[tilespmem:s19+$0x1D740] =	vst v3  }
0x311: {  	s17 =	sshrl.u32 s17, $0x3;
	s18 =	sshrl.u32 @!p1 s16, $0x3;
	[tilespmem:s19+$0x1D750] =	vst v2  }
0x312: {  	s17 =	sadd.s32 s4, s17;
	s18 =	smul.u32 @!p1 $0xC3800, s18;
	[tilespmem:s19+$0x1D760] =	vst v1  }
0x313: {  	[hbm4b:s17+s26] =	stream.strided.scatter [tilespmem:s12], [sflag:$0x6], $0x1000, s28, s26, $0x38;
	[tilespmem:$0x1F700] =	vst v63  }
0x314: {  	s11 =	sadd.s32 @!p0 s11, s24;
	s17 =	sor.u32 @!p1 s14, s18  }
0x315: {  	p2 =	slt.u32 @!p0 s11, $0x64;
	s20 =	simm.s32 @!p1 $0x0;
	s17 =	sshrl.u32 @!p1 s17, $0x3  }
0x316: {  	s19 =	simm.s32 @!p1 $0x400;
	s18 =	simm.s32 @!p1 $0x80;
	s17 =	sadd.s32 @!p1 s2, s17  }
0x317: {  	[tilespmem:s20], [sflag:$0x8] =	stream.strided.gather @!p1 [hbm4b:s17+s18], $0x18700, s19, s18, $0x38;
	[tilespmem:$0x1F700] =	vst v63  }
0x318: {  	p2 =	por !p2, p0;
	s17 =	simm.s32 @!p0 $0x0  }
0x319: {  	s17 =	simm.s32 @p2 $0xFFFFFF9C  }
0x31a: {  	s11 =	sadd.s32 @!p0 s11, s17  }
0x31b: {  	p2 =	slt.s32 @!p0 s11, $0x32  }
0x31c: {  	s17 =	simm.s32 @!p0 $0x0;
	p2 =	por !p2, p0  }
0x31d: {  	s17 =	simm.s32 @p2 $0xFFFFFFCE  }
0x31e: {  	s11 =	sadd.s32 @!p0 s11, s17  }
0x31f: {  	s18 =	simm.s32 @!p1 $0x8;
	s17 =	sshll.u32 @!p0 s11, $0xC;
	s11 =	sshll.u32 @!p0 s11, $0x7  }
0x320: {  	_ =	swait.ge @!p1 [sflag:s18], $0x18700;
	s17 =	sand.u32 @!p0 $0xFFFF8000, s17;
	s11 =	sand.u32 @!p0 $0x380, s11  }
0x321: {  	[sflag:s18] =	ssyncset.done @!p1 $0x0;
	s11 =	sor.u32 @!p0 s11, s17  }
0x322: {  	s19 =	simm.s32 @!p0 $0x1B700;
	[sflag:s18] =	ssyncadd.s32 @!p1 $0xFFFE7900;
	s11 =	sshrl.u32 @!p0 s11, $0x3  }
0x323: {  	s18 =	simm.s32 @!p0 $0x400;
	s17 =	simm.s32 @!p0 $0x80;
	s11 =	sadd.s32 @!p0 s3, s11  }
0x324: {  	[tilespmem:s19], [sflag:$0x4] =	stream.strided.gather @!p0 [hbm4b:s11+s17], $0x1000, s18, s17, $0x38;
	[tilespmem:$0x1F700] =	vst v63  }
0x325: {  	_ =	swait.ge [sflag:s0], $0x1000  }
0x326: {  	[sflag:s0] =	ssyncset.done $0x0  }
0x327: {  	[sflag:s0] =	ssyncadd.s32 $0xFFFFF000  }
0x328: {  	_ =	swait.ge [sflag:s31], $0x1000  }
0x329: {  	[sflag:s31] =	ssyncset.done $0x0  }
0x32a: {  	s11 =	simm.s32 $0x0;
	[sflag:s31] =	ssyncadd.s32 $0xFFFFF000  }
0x32b: {  	v0 =	vld [tilespmem:s11+$0x1C700]  }
0x32c: {  	v1 =	vld [tilespmem:s11+$0x1C770]  }
0x32d: {  	v2 =	vld [tilespmem:s11+$0x1C710]  }
0x32e: {  	v3 =	vld [tilespmem:s11+$0x1C720]  }
0x32f: {  	v4 =	vld [tilespmem:s11+$0x1C730]  }
0x330: {  	v7 =	vld [tilespmem:s11+$0x1C740]  }
0x331: {  	v8 =	vld [tilespmem:s11+$0x1C750]  }
0x332: {  	v9 =	vld [tilespmem:s11+$0x1C760]  }
0x333: {  	v10 =	vld.idx.msk [tilespmem:v0+s5+$0x0], $0xffff  }
0x334: {  	v0 =	vld.idx.msk [tilespmem:v1+s5+$0x0], $0xffff  }
0x335: {  	v6 =	vld.idx.msk [tilespmem:v2+s5+$0x0], $0xffff  }
0x336: {  	v5 =	vld.idx.msk [tilespmem:v3+s5+$0x0], $0xffff  }
0x337: {  	v4 =	vld.idx.msk [tilespmem:v4+s5+$0x0], $0xffff  }
0x338: {  	v3 =	vld.idx.msk [tilespmem:v7+s5+$0x0], $0xffff  }
0x339: {  	v2 =	vld.idx.msk [tilespmem:v8+s5+$0x0], $0xffff  }
0x33a: {  	s17 =	simm.s32 $0x80;
	v1 =	vld.idx.msk [tilespmem:v9+s5+$0x0], $0xffff;
	[tilespmem:s11+$0x1E770] =	vst v0  }
0x33b: {  	s18 =	simm.s32 $0x400;
	v0 =	vld [tilespmem:s17+$0x1C700];
	[tilespmem:s11+$0x1E700] =	vst v10  }
.LBB2_21:
0x33c: {  	p0 =	sne.s32 s18, $0x3E00;
	v7 =	vld [tilespmem:s17+$0x1C770];
	[tilespmem:s11+$0x1E710] =	vst v6  }
0x33d: {  	v6 =	vld [tilespmem:s17+$0x1C710];
	[tilespmem:s11+$0x1E720] =	vst v5  }
0x33e: {  	v5 =	vld [tilespmem:s17+$0x1C720];
	[tilespmem:s11+$0x1E730] =	vst v4  }
0x33f: {  	v4 =	vld [tilespmem:s17+$0x1C730];
	[tilespmem:s11+$0x1E740] =	vst v3  }
0x340: {  	v3 =	vld [tilespmem:s17+$0x1C740];
	[tilespmem:s11+$0x1E750] =	vst v2  }
0x341: {  	v2 =	vld [tilespmem:s17+$0x1C750];
	[tilespmem:s11+$0x1E760] =	vst v1;
	s11 =	smov.u32 s17  }
0x342: {  	v1 =	vld [tilespmem:s11+$0x1C760]  }
0x343: {  	v8 =	vld.idx.msk [tilespmem:v0+s5+$0x0], $0xffff  }
0x344: {  	v0 =	vld.idx.msk [tilespmem:v7+s5+$0x0], $0xffff  }
0x345: {  	v6 =	vld.idx.msk [tilespmem:v6+s5+$0x0], $0xffff  }
0x346: {  	v5 =	vld.idx.msk [tilespmem:v5+s5+$0x0], $0xffff  }
.Ltmp9:
0x347: {  	v4 =	vld.idx.msk [tilespmem:v4+s5+$0x0], $0xffff;
	(pc) =	sbr.rel @p0 .LBB2_21-.Ltmp9, $4  }
0x348: {  	v3 =	vld.idx.msk [tilespmem:v3+s5+$0x0], $0xffff  }
0x349: {  	v2 =	vld.idx.msk [tilespmem:v2+s5+$0x0], $0xffff  }
0x34a: {  	s17 =	sshra.s32 s18, $0x2;
	v1 =	vld.idx.msk [tilespmem:v1+s5+$0x0], $0xffff;
	[tilespmem:s11+$0x1E770] =	vst v0  }
0x34b: {  	s18 =	sadd.s32 $0x200, s18;
	v0 =	vld [tilespmem:s17+$0x1C700];
	[tilespmem:s11+$0x1E700] =	vst v8  }
0x34c: {  	_ = 	snop  }
0x34d: {  	v7 =	vld [tilespmem:s17+$0x1C770];
	[tilespmem:s11+$0x1E710] =	vst v6  }
0x34e: {  	v6 =	vld [tilespmem:s17+$0x1C710];
	[tilespmem:s11+$0x1E720] =	vst v5  }
0x34f: {  	v5 =	vld [tilespmem:s17+$0x1C720];
	[tilespmem:s11+$0x1E730] =	vst v4  }
0x350: {  	v4 =	vld [tilespmem:s17+$0x1C730];
	[tilespmem:s11+$0x1E740] =	vst v3  }
0x351: {  	v3 =	vld [tilespmem:s17+$0x1C740];
	[tilespmem:s11+$0x1E750] =	vst v2  }
0x352: {  	v2 =	vld [tilespmem:s17+$0x1C750];
	[tilespmem:s11+$0x1E760] =	vst v1  }
0x353: {  	v1 =	vld [tilespmem:s17+$0x1C760]  }
0x354: {  	v0 =	vld.idx.msk [tilespmem:v0+s5+$0x0], $0xffff  }
0x355: {  	v7 =	vld.idx.msk [tilespmem:v7+s5+$0x0], $0xffff  }
0x356: {  	v6 =	vld.idx.msk [tilespmem:v6+s5+$0x0], $0xffff  }
0x357: {  	v5 =	vld.idx.msk [tilespmem:v5+s5+$0x0], $0xffff  }
0x358: {  	v4 =	vld.idx.msk [tilespmem:v4+s5+$0x0], $0xffff  }
0x359: {  	v3 =	vld.idx.msk [tilespmem:v3+s5+$0x0], $0xffff  }
0x35a: {  	v2 =	vld.idx.msk [tilespmem:v2+s5+$0x0], $0xffff  }
0x35b: {  	v1 =	vld.idx.msk [tilespmem:v1+s5+$0x0], $0xffff;
	[tilespmem:s17+$0x1E770] =	vst v7  }
0x35c: {  	[tilespmem:s17+$0x1E700] =	vst v0  }
0x35d: {  	s23 =	sshll.u32 s16, $0xC;
	s9 =	sadd.s32 $0x1, s9;
	[tilespmem:s17+$0x1E710] =	vst v6  }
0x35e: {  	s15 =	sshll.u32 s15, $0x12;
	p0 =	sne.s32 s9, $0xA;
	s11 =	sand.u32 $0x38000, s23;
	[tilespmem:s17+$0x1E720] =	vst v5  }
.Ltmp10:
0x35f: {  	s11 =	sor.u32 s15, s11;
	[tilespmem:s17+$0x1E730] =	vst v4;
	(pc) =	sbr.rel @p0 .LBB2_2-.Ltmp10, $4  }
0x360: {  	s11 =	sor.u32 s14, s11;
	[tilespmem:s17+$0x1E740] =	vst v3  }
0x361: {  	s11 =	sshrl.u32 s11, $0x3;
	[tilespmem:s17+$0x1E750] =	vst v2  }
0x362: {  	s11 =	sadd.s32 s4, s11;
	[tilespmem:s17+$0x1E760] =	vst v1  }
0x363: {  	[hbm4b:s11+s26] =	stream.strided.scatter [tilespmem:s25], [sflag:$0x7], $0x1000, s28, s26, $0x38;
	[tilespmem:$0x1F700] =	vst v63  }
0x364: {  	_ =	swait.ge [sflag:s29], $0x1000  }
0x365: {  	[sflag:s29] =	ssyncset.done $0x0  }
0x366: {  	[sflag:s29] =	ssyncadd.s32 $0xFFFFF000  }
0x367: {  	_ =	swait.ge [sflag:s31], $0x1000  }
0x368: {  	s11 =	rddreg [dreg:$0x14]  }
0x369: {  	s9 =	rddreg [dreg:$0x13];
	s11 =	sadd.s32 $0x1, s11  }
0x36a: {  	p0 =	sne.s32 s11, s9  }
.Ltmp11:
0x36b: {  	_ = 	snop;
	(pc) =	sbr.rel @p0 .LBB2_1-.Ltmp11, $3  }
0x36c: {  	_ =	sdelay $0x1  }
0x36d: {  	[sflag:s31] =	ssyncset.done $0x0  }
0x36e: {  	[sflag:s31] =	ssyncadd.s32 $0xFFFFF000  }
0x36f: {  	_ =	sfence.sel $0x180000  }
0x370: {  	[bflag:$0x0] =	sbarrier.arrive $0xFFFF  }
0x371: {  	_ =	strace $0x90000047  }
0x372: {  	s0 =	stileid.u32;
	[bflag:$0x2] =	sbarrier.arrive $0xFFFF  }
0x373: {  	p0 =	sne.s32 s0, $0x0;
	s0 =	rddreg [dreg:$0x3]  }
0x374: {  	s0 =	sadd.s32 @!p0 $0x100000, s0  }
0x375: {  	[sflag:s0] =	ssyncadd.tile.s32 @!p0 $0x1;
	_ =	shalt  }
.Lfunc_end2:
_tile_overlayer_lowered:
.L_overlay_start_2:
0x376: {  	(tag) =	ssettag $0x2  }
0x377: {  	s0 =	rddreg [dreg:$0x0];
	s2 =	stileid.u32  }
0x378: {  	s1 =	rddreg [dreg:$0x1];
	p0 =	sne.s32 s2, $0x0  }
0x379: {  	s3 =	rddreg [dreg:$0x2];
	[bflag:$0x3] =	sbarrier.arrive $0xFFFF;
	s2 =	simm.s32 @!p0 $0x1C08  }
0x37a: {  	[timem:s3], [sflag:s2] =	dma.local @!p0 [hbm:s0], s1  }
0x37b: {  	s0 =	simm.s32 @!p0 $0x8  }
0x37c: {  	_ =	swait.ge @!p0 [sflag:s0], s1  }
0x37d: {  	s1 =	ssub.s32 @!p0 $0x0, s1;
	[sflag:s0] =	ssyncset.done @!p0 $0x0  }
0x37e: {  	[sflag:s0] =	ssyncadd.s32 @!p0 s1  }
0x37f: {  	[bflag:$0x3] =	sbarrier.arrive $0xFFFF  }
0x380: {  	_ =	shalt  }

</sc_bundles>
